<compile_context>
chip_gen: v7x
topology: tpu7x:2x2x1
jax: 0.10.2.dev20260603
libtpu: 0.0.44.dev20260713+nightly
codegen_flags: <defaults>
</compile_context>

<pallas_src>
import functools

import jax
import jax.numpy as jnp
from jax import lax
from jax.experimental import pallas as pl
from jax.experimental.pallas import tpu as pltpu
from jax.experimental.pallas import tpu_sc as plsc

N = 10000
E = 160000
F = 256
FH = F // 2
NC, NS = 2, 16
CH = 125
ROWS = E // CH
RPT_DEG = ROWS // (NC * NS)
RPT_AGG = ROWS // NS

_mesh = plsc.VectorSubcoreMesh(core_axis_name="c", subcore_axis_name="s")


@functools.partial(
    pl.kernel,
    out_type=jax.ShapeDtypeStruct((NC * N,), jnp.float32),
    mesh=_mesh,
    scratch_types=[
        pltpu.VMEM((RPT_DEG, CH), jnp.int32),
        pltpu.VMEM((128,), jnp.float32),
        pltpu.VMEM((640,), jnp.float32),
        pltpu.VMEM_SHARED((N,), jnp.float32),
    ],
)
def _deg(dst_hbm, out_hbm, didx_v, ones_v, buf_v, deg_sh):
    c = lax.axis_index("c")
    s = lax.axis_index("s")
    wid = c * NS + s

    for i in range(40):
        buf_v[pl.ds(16 * i, 16)] = jnp.zeros((16,), jnp.float32)

    @pl.when(s < NS - 1)
    def _():
        pltpu.sync_copy(buf_v.at[pl.ds(0, 640)], deg_sh.at[pl.ds(s * 640, 640)])

    @pl.when(s == NS - 1)
    def _():
        pltpu.sync_copy(buf_v.at[pl.ds(0, 400)], deg_sh.at[pl.ds(s * 640, 400)])

    for i in range(8):
        ones_v[pl.ds(16 * i, 16)] = jnp.ones((16,), jnp.float32)

    pltpu.sync_copy(dst_hbm.at[pl.ds(wid * RPT_DEG, RPT_DEG)], didx_v)
    plsc.subcore_barrier()

    def body(j, _):
        pltpu.sync_copy(ones_v.at[pl.ds(0, CH)], deg_sh.at[didx_v.at[j]], add=True)
        return 0

    lax.fori_loop(0, RPT_DEG, body, 0)
    plsc.subcore_barrier()

    @pl.when(s < NS - 1)
    def _():
        pltpu.sync_copy(deg_sh.at[pl.ds(s * 640, 640)], buf_v.at[pl.ds(0, 640)])
        pltpu.sync_copy(
            buf_v.at[pl.ds(0, 640)], out_hbm.at[pl.ds(c * N + s * 640, 640)]
        )

    @pl.when(s == NS - 1)
    def _():
        pltpu.sync_copy(deg_sh.at[pl.ds(s * 640, 400)], buf_v.at[pl.ds(0, 400)])
        pltpu.sync_copy(
            buf_v.at[pl.ds(0, 400)], out_hbm.at[pl.ds(c * N + s * 640, 400)]
        )


@functools.partial(
    pl.kernel,
    out_type=jax.ShapeDtypeStruct((NC * N, FH), jnp.float32),
    mesh=_mesh,
    scratch_types=[
        pltpu.VMEM((RPT_AGG // 2, CH), jnp.int32),
        pltpu.VMEM((RPT_AGG // 2, CH), jnp.int32),
        pltpu.VMEM((128, FH), jnp.float32),
        pltpu.VMEM((CH, FH), jnp.float32),
        pltpu.VMEM((5, 128), jnp.int32),
        pltpu.VMEM((16,), jnp.int32),
        pltpu.VMEM_SHARED((N, FH), jnp.float32),
        pltpu.SemaphoreType.DMA,
        pltpu.SemaphoreType.DMA,
    ],
)
def _agg(hw_hbm, src_hbm, dst_hbm, out_hbm, sidx_v, didx_v, buf_v, bufb_v,
         zidx_v, tidx_v, acc_sh, sema, semb):
    c = lax.axis_index("c")
    s = lax.axis_index("s")

    for j in range(5):
        for k in range(8):
            zidx_v[j, pl.ds(16 * k, 16)] = (
                s * 640 + 128 * j + 16 * k + lax.iota(jnp.int32, 16)
            )
    tidx_v[...] = s * 640 + 384 + lax.iota(jnp.int32, 16)

    def zbody(i, _):
        for k in range(FH // 16):
            buf_v[i, pl.ds(16 * k, 16)] = jnp.zeros((16,), jnp.float32)
        return 0

    lax.fori_loop(0, 128, zbody, 0)

    @pl.when(s < NS - 1)
    def _():
        for j in range(5):
            pltpu.sync_copy(buf_v, acc_sh.at[zidx_v.at[j]])

    @pl.when(s == NS - 1)
    def _():
        for j in range(3):
            pltpu.sync_copy(buf_v, acc_sh.at[zidx_v.at[j]])
        pltpu.sync_copy(buf_v.at[pl.ds(0, 16)], acc_sh.at[tidx_v])

    plsc.subcore_barrier()

    HR = RPT_AGG // 2
    bufa = buf_v.at[pl.ds(0, CH)]
    hw_c = hw_hbm.at[pl.ds(pl.multiple_of(c * N, 8), N)]
    for h in range(2):
        pltpu.sync_copy(
            src_hbm.at[pl.ds(s * RPT_AGG + h * HR, HR)], sidx_v
        )
        pltpu.sync_copy(
            dst_hbm.at[pl.ds(s * RPT_AGG + h * HR, HR)], didx_v
        )
        pltpu.async_copy(hw_c.at[sidx_v.at[0]], bufa, sema)

        def body(t, _):
            j0 = 2 * t
            db = pltpu.async_copy(hw_c.at[sidx_v.at[j0 + 1]], bufb_v, semb)
            pltpu.make_async_copy(hw_c.at[sidx_v.at[j0]], bufa, sema).wait()
            pltpu.sync_copy(bufa, acc_sh.at[didx_v.at[j0]], add=True)

            @pl.when(t < HR // 2 - 1)
            def _():
                pltpu.async_copy(hw_c.at[sidx_v.at[j0 + 2]], bufa, sema)

            db.wait()
            pltpu.sync_copy(bufb_v, acc_sh.at[didx_v.at[j0 + 1]], add=True)
            return 0

        lax.fori_loop(0, HR // 2, body, 0)
    plsc.subcore_barrier()

    @pl.when(s < NS - 1)
    def _():
        for j in range(5):
            pltpu.async_copy(acc_sh.at[zidx_v.at[j]], buf_v, sema).wait()
            pltpu.sync_copy(
                buf_v, out_hbm.at[pl.ds(c * N + s * 640 + 128 * j, 128)]
            )

    @pl.when(s == NS - 1)
    def _():
        for j in range(3):
            pltpu.async_copy(acc_sh.at[zidx_v.at[j]], buf_v, sema).wait()
            pltpu.sync_copy(
                buf_v, out_hbm.at[pl.ds(c * N + s * 640 + 128 * j, 128)]
            )
        pltpu.async_copy(acc_sh.at[tidx_v], buf_v.at[pl.ds(0, 16)], sema).wait()
        pltpu.sync_copy(
            buf_v.at[pl.ds(0, 16)], out_hbm.at[pl.ds(c * N + s * 640 + 384, 16)]
        )


def _mm_body(h_ref, w_ref, degp_ref, out_ref):
    deg = degp_ref[:, 0] + degp_ref[:, 1]
    norm = lax.rsqrt(jnp.where(deg > 0.0, deg, 1.0))
    acc = jnp.dot(h_ref[...], w_ref[...], preferred_element_type=jnp.float32)
    out_ref[...] = acc * norm[:, None]


def _matmul(h, W, degp):
    bm = 10000
    grid = (N // bm, NC)
    return pl.pallas_call(
        _mm_body,
        grid=grid,
        in_specs=[
            pl.BlockSpec((bm, F), lambda i, c: (i, 0)),
            pl.BlockSpec((F, FH), lambda i, c: (0, c)),
            pl.BlockSpec((bm, NC), lambda i, c: (i, 0)),
        ],
        out_specs=pl.BlockSpec((bm, FH), lambda i, c: (c * (N // bm) + i, 0)),
        out_shape=jax.ShapeDtypeStruct((NC * N, FH), jnp.float32),
    )(h, W, degp)


def _final_body(agg_ref, degp_ref, b_ref, out_ref):
    deg = degp_ref[:, 0] + degp_ref[:, 1]
    norm = lax.rsqrt(jnp.where(deg > 0.0, deg, 1.0))
    brow = jnp.where(pl.program_id(1) == 0, b_ref[0, :], b_ref[1, :])
    out_ref[...] = jnp.maximum(agg_ref[...] * norm[:, None] + brow, 0.0)


def _final(agg, degp, b2):
    bm = 10000
    nb = N // bm
    grid = (nb, NC)
    return pl.pallas_call(
        _final_body,
        grid=grid,
        in_specs=[
            pl.BlockSpec((bm, FH), lambda i, c: (c * nb + i, 0)),
            pl.BlockSpec((bm, NC), lambda i, c: (i, 0)),
            pl.BlockSpec((NC, FH), lambda i, c: (0, 0)),
        ],
        out_specs=pl.BlockSpec((bm, FH), lambda i, c: (i, c)),
        out_shape=jax.ShapeDtypeStruct((N, F), jnp.float32),
    )(agg, degp, b2)


def kernel(h, edge_index, W, b):
    ei = edge_index.astype(jnp.int32)
    src = ei[0]
    dst = ei[1]
    src2 = src.reshape(ROWS, CH)
    dst2 = dst.reshape(ROWS, CH)

    degp = _deg(dst2).reshape(NC, N).T
    hw = _matmul(h, W, degp)
    agg = _agg(hw, src2, dst2)
    return _final(agg, degp, b.reshape(NC, FH))

# --- scband reference (transcript-rebuilt; emitter-appended) ---
"""Pipeline reference for scband-gcnlayer-53626961658082 (READ-ONLY COPY).

The authoritative reference and input builder live on the scoring server;
editing this copy changes nothing except your own understanding.
"""

import jax, jax.numpy as jnp
import numpy as np
import math

N_NODES = 10000
N_EDGES = 160000
IN_FEATS = 256
OUT_FEATS = 256

def setup_inputs(seed: int = 0) -> dict:
    key = jax.random.key(seed)
    k1, k2, k3, k4 = jax.random.split(key, 4)
    h = jax.random.normal(k1, (N_NODES, IN_FEATS), dtype=jnp.float32)
    edge_index = jax.random.randint(k2, (2, N_EDGES), 0, N_NODES, dtype=jnp.int64)
    stdv = 1.0 / math.sqrt(OUT_FEATS)
    W = jax.random.uniform(k3, (IN_FEATS, OUT_FEATS), dtype=jnp.float32, minval=-stdv, maxval=stdv)
    b = jax.random.uniform(k4, (OUT_FEATS,), dtype=jnp.float32, minval=-stdv, maxval=stdv)
    return {"h": h, "edge_index": edge_index, "W": W, "b": b}

def reference(h, edge_index, W, b):
    src = edge_index[0]
    dst = edge_index[1]
    # symmetric GCN normalization from in-degree (DGL-style ndata['norm'])
    deg = jax.ops.segment_sum(jnp.ones((N_EDGES,), dtype=jnp.float32), dst, num_segments=N_NODES)
    norm = jnp.where(deg > 0, deg, 1.0) ** (-0.5)
    norm = norm[:, None]
    # dropout p=0.0 -> identity
    hW = jnp.matmul(h, W)
    hW = hW * norm
    # update_all(copy_src, sum): aggregate messages from src into dst
    agg = jax.ops.segment_sum(jnp.take(hW, src, axis=0), dst, num_segments=N_NODES)
    out = agg * norm
    out = out + b
    out = jax.nn.relu(out)
    return out

if __name__ == "__main__":
    import jax
    _d = setup_inputs()
    print(jax.jit(kernel)(*tuple(_d.values())))

</pallas_src>

<mosaic_0001>
#map = affine_map<(d0, d1) -> (0, 0)>
#map1 = affine_map<(d0, d1) -> (0)>
module attributes {stable_mosaic.version = 14 : i64} {
  func.func @_deg(%arg0: i32, %arg1: i32, %arg2: memref<1280x125xi32, #tpu.memory_space<hbm>>, %arg3: memref<20000xf32, #tpu.memory_space<hbm>>, %arg4: memref<40x125xi32, #tpu.memory_space<vmem>>, %arg5: memref<128xf32, #tpu.memory_space<vmem>>, %arg6: memref<640xf32, #tpu.memory_space<vmem>>, %arg7: memref<10000xf32, #tpu.memory_space<vmem_shared>>) attributes {dimension_semantics = [#tpu.dimension_semantics<core_parallel>, #tpu.dimension_semantics<subcore_parallel>], iteration_bounds = array<i64: 2, 16>, scalar_prefetch = 0 : i64, scratch_operands = 4 : i64, tpu.core_type = #tpu.core_type<sc_vector_subcore>, window_params = [{transform_indices = #map}, {transform_indices = #map1}]} {
    %mul3A = arith.constant 16 : i32
    %mul3A_0 = arith.muli %arg0, %mul3A : i32
    %add3A = arith.addi %mul3A_0, %arg1 : i32
    %broadcast_in_dim3A = arith.constant 0.000000e+00 : f32
    %broadcast_in_dim3A_1 = vector.broadcast %broadcast_in_dim3A : f32 to vector<16xf32>
    %swap3A = arith.constant 0 : index
    %swap3A_2 = tpu.vector_load %arg6[%swap3A] {strides = array<i32>} : memref<640xf32, #tpu.memory_space<vmem>>, vector<16xf32>,
    %swap3A_3 = vector.shape_cast %swap3A_2 : vector<16xf32> to vector<16xf32>
    %swap3A_4 = vector.shape_cast %broadcast_in_dim3A_1 : vector<16xf32> to vector<16xf32>
    tpu.vector_store %arg6[%swap3A], %swap3A_4 {strides = array<i32>} : memref<640xf32, #tpu.memory_space<vmem>>, vector<16xf32>,
    %broadcast_in_dim3A_5 = arith.constant 0.000000e+00 : f32
    %broadcast_in_dim3A_6 = vector.broadcast %broadcast_in_dim3A_5 : f32 to vector<16xf32>
    %swap3A_7 = arith.constant 16 : index
    %swap3A_8 = tpu.vector_load %arg6[%swap3A_7] {strides = array<i32>} : memref<640xf32, #tpu.memory_space<vmem>>, vector<16xf32>,
    %swap3A_9 = vector.shape_cast %swap3A_8 : vector<16xf32> to vector<16xf32>
    %swap3A_10 = vector.shape_cast %broadcast_in_dim3A_6 : vector<16xf32> to vector<16xf32>
    tpu.vector_store %arg6[%swap3A_7], %swap3A_10 {strides = array<i32>} : memref<640xf32, #tpu.memory_space<vmem>>, vector<16xf32>,
    %broadcast_in_dim3A_11 = arith.constant 0.000000e+00 : f32
    %broadcast_in_dim3A_12 = vector.broadcast %broadcast_in_dim3A_11 : f32 to vector<16xf32>
    %swap3A_13 = arith.constant 32 : index
    %swap3A_14 = tpu.vector_load %arg6[%swap3A_13] {strides = array<i32>} : memref<640xf32, #tpu.memory_space<vmem>>, vector<16xf32>,
    %swap3A_15 = vector.shape_cast %swap3A_14 : vector<16xf32> to vector<16xf32>
    %swap3A_16 = vector.shape_cast %broadcast_in_dim3A_12 : vector<16xf32> to vector<16xf32>
    tpu.vector_store %arg6[%swap3A_13], %swap3A_16 {strides = array<i32>} : memref<640xf32, #tpu.memory_space<vmem>>, vector<16xf32>,
    %broadcast_in_dim3A_17 = arith.constant 0.000000e+00 : f32
    %broadcast_in_dim3A_18 = vector.broadcast %broadcast_in_dim3A_17 : f32 to vector<16xf32>
    %swap3A_19 = arith.constant 48 : index
    %swap3A_20 = tpu.vector_load %arg6[%swap3A_19] {strides = array<i32>} : memref<640xf32, #tpu.memory_space<vmem>>, vector<16xf32>,
    %swap3A_21 = vector.shape_cast %swap3A_20 : vector<16xf32> to vector<16xf32>
    %swap3A_22 = vector.shape_cast %broadcast_in_dim3A_18 : vector<16xf32> to vector<16xf32>
    tpu.vector_store %arg6[%swap3A_19], %swap3A_22 {strides = array<i32>} : memref<640xf32, #tpu.memory_space<vmem>>, vector<16xf32>,
    %broadcast_in_dim3A_23 = arith.constant 0.000000e+00 : f32
    %broadcast_in_dim3A_24 = vector.broadcast %broadcast_in_dim3A_23 : f32 to vector<16xf32>
    %swap3A_25 = arith.constant 64 : index
    %swap3A_26 = tpu.vector_load %arg6[%swap3A_25] {strides = array<i32>} : memref<640xf32, #tpu.memory_space<vmem>>, vector<16xf32>,
    %swap3A_27 = vector.shape_cast %swap3A_26 : vector<16xf32> to vector<16xf32>
    %swap3A_28 = vector.shape_cast %broadcast_in_dim3A_24 : vector<16xf32> to vector<16xf32>
    tpu.vector_store %arg6[%swap3A_25], %swap3A_28 {strides = array<i32>} : memref<640xf32, #tpu.memory_space<vmem>>, vector<16xf32>,
    %broadcast_in_dim3A_29 = arith.constant 0.000000e+00 : f32
    %broadcast_in_dim3A_30 = vector.broadcast %broadcast_in_dim3A_29 : f32 to vector<16xf32>
    %swap3A_31 = arith.constant 80 : index
    %swap3A_32 = tpu.vector_load %arg6[%swap3A_31] {strides = array<i32>} : memref<640xf32, #tpu.memory_space<vmem>>, vector<16xf32>,
    %swap3A_33 = vector.shape_cast %swap3A_32 : vector<16xf32> to vector<16xf32>
    %swap3A_34 = vector.shape_cast %broadcast_in_dim3A_30 : vector<16xf32> to vector<16xf32>
    tpu.vector_store %arg6[%swap3A_31], %swap3A_34 {strides = array<i32>} : memref<640xf32, #tpu.memory_space<vmem>>, vector<16xf32>,
    %broadcast_in_dim3A_35 = arith.constant 0.000000e+00 : f32
    %broadcast_in_dim3A_36 = vector.broadcast %broadcast_in_dim3A_35 : f32 to vector<16xf32>
    %swap3A_37 = arith.constant 96 : index
    %swap3A_38 = tpu.vector_load %arg6[%swap3A_37] {strides = array<i32>} : memref<640xf32, #tpu.memory_space<vmem>>, vector<16xf32>,
    %swap3A_39 = vector.shape_cast %swap3A_38 : vector<16xf32> to vector<16xf32>
    %swap3A_40 = vector.shape_cast %broadcast_in_dim3A_36 : vector<16xf32> to vector<16xf32>
    tpu.vector_store %arg6[%swap3A_37], %swap3A_40 {strides = array<i32>} : memref<640xf32, #tpu.memory_space<vmem>>, vector<16xf32>,
    %broadcast_in_dim3A_41 = arith.constant 0.000000e+00 : f32
    %broadcast_in_dim3A_42 = vector.broadcast %broadcast_in_dim3A_41 : f32 to vector<16xf32>
    %swap3A_43 = arith.constant 112 : index
    %swap3A_44 = tpu.vector_load %arg6[%swap3A_43] {strides = array<i32>} : memref<640xf32, #tpu.memory_space<vmem>>, vector<16xf32>,
    %swap3A_45 = vector.shape_cast %swap3A_44 : vector<16xf32> to vector<16xf32>
    %swap3A_46 = vector.shape_cast %broadcast_in_dim3A_42 : vector<16xf32> to vector<16xf32>
    tpu.vector_store %arg6[%swap3A_43], %swap3A_46 {strides = array<i32>} : memref<640xf32, #tpu.memory_space<vmem>>, vector<16xf32>,
    %broadcast_in_dim3A_47 = arith.constant 0.000000e+00 : f32
    %broadcast_in_dim3A_48 = vector.broadcast %broadcast_in_dim3A_47 : f32 to vector<16xf32>
    %swap3A_49 = arith.constant 128 : index
    %swap3A_50 = tpu.vector_load %arg6[%swap3A_49] {strides = array<i32>} : memref<640xf32, #tpu.memory_space<vmem>>, vector<16xf32>,
    %swap3A_51 = vector.shape_cast %swap3A_50 : vector<16xf32> to vector<16xf32>
    %swap3A_52 = vector.shape_cast %broadcast_in_dim3A_48 : vector<16xf32> to vector<16xf32>
    tpu.vector_store %arg6[%swap3A_49], %swap3A_52 {strides = array<i32>} : memref<640xf32, #tpu.memory_space<vmem>>, vector<16xf32>,
    %broadcast_in_dim3A_53 = arith.constant 0.000000e+00 : f32
    %broadcast_in_dim3A_54 = vector.broadcast %broadcast_in_dim3A_53 : f32 to vector<16xf32>
    %swap3A_55 = arith.constant 144 : index
    %swap3A_56 = tpu.vector_load %arg6[%swap3A_55] {strides = array<i32>} : memref<640xf32, #tpu.memory_space<vmem>>, vector<16xf32>,
    %swap3A_57 = vector.shape_cast %swap3A_56 : vector<16xf32> to vector<16xf32>
    %swap3A_58 = vector.shape_cast %broadcast_in_dim3A_54 : vector<16xf32> to vector<16xf32>
    tpu.vector_store %arg6[%swap3A_55], %swap3A_58 {strides = array<i32>} : memref<640xf32, #tpu.memory_space<vmem>>, vector<16xf32>,
    %broadcast_in_dim3A_59 = arith.constant 0.000000e+00 : f32
    %broadcast_in_dim3A_60 = vector.broadcast %broadcast_in_dim3A_59 : f32 to vector<16xf32>
    %swap3A_61 = arith.constant 160 : index
    %swap3A_62 = tpu.vector_load %arg6[%swap3A_61] {strides = array<i32>} : memref<640xf32, #tpu.memory_space<vmem>>, vector<16xf32>,
    %swap3A_63 = vector.shape_cast %swap3A_62 : vector<16xf32> to vector<16xf32>
    %swap3A_64 = vector.shape_cast %broadcast_in_dim3A_60 : vector<16xf32> to vector<16xf32>
    tpu.vector_store %arg6[%swap3A_61], %swap3A_64 {strides = array<i32>} : memref<640xf32, #tpu.memory_space<vmem>>, vector<16xf32>,
    %broadcast_in_dim3A_65 = arith.constant 0.000000e+00 : f32
    %broadcast_in_dim3A_66 = vector.broadcast %broadcast_in_dim3A_65 : f32 to vector<16xf32>
    %swap3A_67 = arith.constant 176 : index
    %swap3A_68 = tpu.vector_load %arg6[%swap3A_67] {strides = array<i32>} : memref<640xf32, #tpu.memory_space<vmem>>, vector<16xf32>,
    %swap3A_69 = vector.shape_cast %swap3A_68 : vector<16xf32> to vector<16xf32>
    %swap3A_70 = vector.shape_cast %broadcast_in_dim3A_66 : vector<16xf32> to vector<16xf32>
    tpu.vector_store %arg6[%swap3A_67], %swap3A_70 {strides = array<i32>} : memref<640xf32, #tpu.memory_space<vmem>>, vector<16xf32>,
    %broadcast_in_dim3A_71 = arith.constant 0.000000e+00 : f32
    %broadcast_in_dim3A_72 = vector.broadcast %broadcast_in_dim3A_71 : f32 to vector<16xf32>
    %swap3A_73 = arith.constant 192 : index
    %swap3A_74 = tpu.vector_load %arg6[%swap3A_73] {strides = array<i32>} : memref<640xf32, #tpu.memory_space<vmem>>, vector<16xf32>,
    %swap3A_75 = vector.shape_cast %swap3A_74 : vector<16xf32> to vector<16xf32>
    %swap3A_76 = vector.shape_cast %broadcast_in_dim3A_72 : vector<16xf32> to vector<16xf32>
    tpu.vector_store %arg6[%swap3A_73], %swap3A_76 {strides = array<i32>} : memref<640xf32, #tpu.memory_space<vmem>>, vector<16xf32>,
    %broadcast_in_dim3A_77 = arith.constant 0.000000e+00 : f32
    %broadcast_in_dim3A_78 = vector.broadcast %broadcast_in_dim3A_77 : f32 to vector<16xf32>
    %swap3A_79 = arith.constant 208 : index
    %swap3A_80 = tpu.vector_load %arg6[%swap3A_79] {strides = array<i32>} : memref<640xf32, #tpu.memory_space<vmem>>, vector<16xf32>,
    %swap3A_81 = vector.shape_cast %swap3A_80 : vector<16xf32> to vector<16xf32>
    %swap3A_82 = vector.shape_cast %broadcast_in_dim3A_78 : vector<16xf32> to vector<16xf32>
    tpu.vector_store %arg6[%swap3A_79], %swap3A_82 {strides = array<i32>} : memref<640xf32, #tpu.memory_space<vmem>>, vector<16xf32>,
    %broadcast_in_dim3A_83 = arith.constant 0.000000e+00 : f32
    %broadcast_in_dim3A_84 = vector.broadcast %broadcast_in_dim3A_83 : f32 to vector<16xf32>
    %swap3A_85 = arith.constant 224 : index
    %swap3A_86 = tpu.vector_load %arg6[%swap3A_85] {strides = array<i32>} : memref<640xf32, #tpu.memory_space<vmem>>, vector<16xf32>,
    %swap3A_87 = vector.shape_cast %swap3A_86 : vector<16xf32> to vector<16xf32>
    %swap3A_88 = vector.shape_cast %broadcast_in_dim3A_84 : vector<16xf32> to vector<16xf32>
    tpu.vector_store %arg6[%swap3A_85], %swap3A_88 {strides = array<i32>} : memref<640xf32, #tpu.memory_space<vmem>>, vector<16xf32>,
    %broadcast_in_dim3A_89 = arith.constant 0.000000e+00 : f32
    %broadcast_in_dim3A_90 = vector.broadcast %broadcast_in_dim3A_89 : f32 to vector<16xf32>
    %swap3A_91 = arith.constant 240 : index
    %swap3A_92 = tpu.vector_load %arg6[%swap3A_91] {strides = array<i32>} : memref<640xf32, #tpu.memory_space<vmem>>, vector<16xf32>,
    %swap3A_93 = vector.shape_cast %swap3A_92 : vector<16xf32> to vector<16xf32>
    %swap3A_94 = vector.shape_cast %broadcast_in_dim3A_90 : vector<16xf32> to vector<16xf32>
    tpu.vector_store %arg6[%swap3A_91], %swap3A_94 {strides = array<i32>} : memref<640xf32, #tpu.memory_space<vmem>>, vector<16xf32>,
    %broadcast_in_dim3A_95 = arith.constant 0.000000e+00 : f32
    %broadcast_in_dim3A_96 = vector.broadcast %broadcast_in_dim3A_95 : f32 to vector<16xf32>
    %swap3A_97 = arith.constant 256 : index
    %swap3A_98 = tpu.vector_load %arg6[%swap3A_97] {strides = array<i32>} : memref<640xf32, #tpu.memory_space<vmem>>, vector<16xf32>,
    %swap3A_99 = vector.shape_cast %swap3A_98 : vector<16xf32> to vector<16xf32>
    %swap3A_100 = vector.shape_cast %broadcast_in_dim3A_96 : vector<16xf32> to vector<16xf32>
    tpu.vector_store %arg6[%swap3A_97], %swap3A_100 {strides = array<i32>} : memref<640xf32, #tpu.memory_space<vmem>>, vector<16xf32>,
    %broadcast_in_dim3A_101 = arith.constant 0.000000e+00 : f32
    %broadcast_in_dim3A_102 = vector.broadcast %broadcast_in_dim3A_101 : f32 to vector<16xf32>
    %swap3A_103 = arith.constant 272 : index
    %swap3A_104 = tpu.vector_load %arg6[%swap3A_103] {strides = array<i32>} : memref<640xf32, #tpu.memory_space<vmem>>, vector<16xf32>,
    %swap3A_105 = vector.shape_cast %swap3A_104 : vector<16xf32> to vector<16xf32>
    %swap3A_106 = vector.shape_cast %broadcast_in_dim3A_102 : vector<16xf32> to vector<16xf32>
    tpu.vector_store %arg6[%swap3A_103], %swap3A_106 {strides = array<i32>} : memref<640xf32, #tpu.memory_space<vmem>>, vector<16xf32>,
    %broadcast_in_dim3A_107 = arith.constant 0.000000e+00 : f32
    %broadcast_in_dim3A_108 = vector.broadcast %broadcast_in_dim3A_107 : f32 to vector<16xf32>
    %swap3A_109 = arith.constant 288 : index
    %swap3A_110 = tpu.vector_load %arg6[%swap3A_109] {strides = array<i32>} : memref<640xf32, #tpu.memory_space<vmem>>, vector<16xf32>,
    %swap3A_111 = vector.shape_cast %swap3A_110 : vector<16xf32> to vector<16xf32>
    %swap3A_112 = vector.shape_cast %broadcast_in_dim3A_108 : vector<16xf32> to vector<16xf32>
    tpu.vector_store %arg6[%swap3A_109], %swap3A_112 {strides = array<i32>} : memref<640xf32, #tpu.memory_space<vmem>>, vector<16xf32>,
    %broadcast_in_dim3A_113 = arith.constant 0.000000e+00 : f32
    %broadcast_in_dim3A_114 = vector.broadcast %broadcast_in_dim3A_113 : f32 to vector<16xf32>
    %swap3A_115 = arith.constant 304 : index
    %swap3A_116 = tpu.vector_load %arg6[%swap3A_115] {strides = array<i32>} : memref<640xf32, #tpu.memory_space<vmem>>, vector<16xf32>,
    %swap3A_117 = vector.shape_cast %swap3A_116 : vector<16xf32> to vector<16xf32>
    %swap3A_118 = vector.shape_cast %broadcast_in_dim3A_114 : vector<16xf32> to vector<16xf32>
    tpu.vector_store %arg6[%swap3A_115], %swap3A_118 {strides = array<i32>} : memref<640xf32, #tpu.memory_space<vmem>>, vector<16xf32>,
    %broadcast_in_dim3A_119 = arith.constant 0.000000e+00 : f32
    %broadcast_in_dim3A_120 = vector.broadcast %broadcast_in_dim3A_119 : f32 to vector<16xf32>
    %swap3A_121 = arith.constant 320 : index
    %swap3A_122 = tpu.vector_load %arg6[%swap3A_121] {strides = array<i32>} : memref<640xf32, #tpu.memory_space<vmem>>, vector<16xf32>,
    %swap3A_123 = vector.shape_cast %swap3A_122 : vector<16xf32> to vector<16xf32>
    %swap3A_124 = vector.shape_cast %broadcast_in_dim3A_120 : vector<16xf32> to vector<16xf32>
    tpu.vector_store %arg6[%swap3A_121], %swap3A_124 {strides = array<i32>} : memref<640xf32, #tpu.memory_space<vmem>>, vector<16xf32>,
    %broadcast_in_dim3A_125 = arith.constant 0.000000e+00 : f32
    %broadcast_in_dim3A_126 = vector.broadcast %broadcast_in_dim3A_125 : f32 to vector<16xf32>
    %swap3A_127 = arith.constant 336 : index
    %swap3A_128 = tpu.vector_load %arg6[%swap3A_127] {strides = array<i32>} : memref<640xf32, #tpu.memory_space<vmem>>, vector<16xf32>,
    %swap3A_129 = vector.shape_cast %swap3A_128 : vector<16xf32> to vector<16xf32>
    %swap3A_130 = vector.shape_cast %broadcast_in_dim3A_126 : vector<16xf32> to vector<16xf32>
    tpu.vector_store %arg6[%swap3A_127], %swap3A_130 {strides = array<i32>} : memref<640xf32, #tpu.memory_space<vmem>>, vector<16xf32>,
    %broadcast_in_dim3A_131 = arith.constant 0.000000e+00 : f32
    %broadcast_in_dim3A_132 = vector.broadcast %broadcast_in_dim3A_131 : f32 to vector<16xf32>
    %swap3A_133 = arith.constant 352 : index
    %swap3A_134 = tpu.vector_load %arg6[%swap3A_133] {strides = array<i32>} : memref<640xf32, #tpu.memory_space<vmem>>, vector<16xf32>,
    %swap3A_135 = vector.shape_cast %swap3A_134 : vector<16xf32> to vector<16xf32>
    %swap3A_136 = vector.shape_cast %broadcast_in_dim3A_132 : vector<16xf32> to vector<16xf32>
    tpu.vector_store %arg6[%swap3A_133], %swap3A_136 {strides = array<i32>} : memref<640xf32, #tpu.memory_space<vmem>>, vector<16xf32>,
    %broadcast_in_dim3A_137 = arith.constant 0.000000e+00 : f32
    %broadcast_in_dim3A_138 = vector.broadcast %broadcast_in_dim3A_137 : f32 to vector<16xf32>
    %swap3A_139 = arith.constant 368 : index
    %swap3A_140 = tpu.vector_load %arg6[%swap3A_139] {strides = array<i32>} : memref<640xf32, #tpu.memory_space<vmem>>, vector<16xf32>,
    %swap3A_141 = vector.shape_cast %swap3A_140 : vector<16xf32> to vector<16xf32>
    %swap3A_142 = vector.shape_cast %broadcast_in_dim3A_138 : vector<16xf32> to vector<16xf32>
    tpu.vector_store %arg6[%swap3A_139], %swap3A_142 {strides = array<i32>} : memref<640xf32, #tpu.memory_space<vmem>>, vector<16xf32>,
    %broadcast_in_dim3A_143 = arith.constant 0.000000e+00 : f32
    %broadcast_in_dim3A_144 = vector.broadcast %broadcast_in_dim3A_143 : f32 to vector<16xf32>
    %swap3A_145 = arith.constant 384 : index
    %swap3A_146 = tpu.vector_load %arg6[%swap3A_145] {strides = array<i32>} : memref<640xf32, #tpu.memory_space<vmem>>, vector<16xf32>,
    %swap3A_147 = vector.shape_cast %swap3A_146 : vector<16xf32> to vector<16xf32>
    %swap3A_148 = vector.shape_cast %broadcast_in_dim3A_144 : vector<16xf32> to vector<16xf32>
    tpu.vector_store %arg6[%swap3A_145], %swap3A_148 {strides = array<i32>} : memref<640xf32, #tpu.memory_space<vmem>>, vector<16xf32>,
    %broadcast_in_dim3A_149 = arith.constant 0.000000e+00 : f32
    %broadcast_in_dim3A_150 = vector.broadcast %broadcast_in_dim3A_149 : f32 to vector<16xf32>
    %swap3A_151 = arith.constant 400 : index
    %swap3A_152 = tpu.vector_load %arg6[%swap3A_151] {strides = array<i32>} : memref<640xf32, #tpu.memory_space<vmem>>, vector<16xf32>,
    %swap3A_153 = vector.shape_cast %swap3A_152 : vector<16xf32> to vector<16xf32>
    %swap3A_154 = vector.shape_cast %broadcast_in_dim3A_150 : vector<16xf32> to vector<16xf32>
    tpu.vector_store %arg6[%swap3A_151], %swap3A_154 {strides = array<i32>} : memref<640xf32, #tpu.memory_space<vmem>>, vector<16xf32>,
    %broadcast_in_dim3A_155 = arith.constant 0.000000e+00 : f32
    %broadcast_in_dim3A_156 = vector.broadcast %broadcast_in_dim3A_155 : f32 to vector<16xf32>
    %swap3A_157 = arith.constant 416 : index
    %swap3A_158 = tpu.vector_load %arg6[%swap3A_157] {strides = array<i32>} : memref<640xf32, #tpu.memory_space<vmem>>, vector<16xf32>,
    %swap3A_159 = vector.shape_cast %swap3A_158 : vector<16xf32> to vector<16xf32>
    %swap3A_160 = vector.shape_cast %broadcast_in_dim3A_156 : vector<16xf32> to vector<16xf32>
    tpu.vector_store %arg6[%swap3A_157], %swap3A_160 {strides = array<i32>} : memref<640xf32, #tpu.memory_space<vmem>>, vector<16xf32>,
    %broadcast_in_dim3A_161 = arith.constant 0.000000e+00 : f32
    %broadcast_in_dim3A_162 = vector.broadcast %broadcast_in_dim3A_161 : f32 to vector<16xf32>
    %swap3A_163 = arith.constant 432 : index
    %swap3A_164 = tpu.vector_load %arg6[%swap3A_163] {strides = array<i32>} : memref<640xf32, #tpu.memory_space<vmem>>, vector<16xf32>,
    %swap3A_165 = vector.shape_cast %swap3A_164 : vector<16xf32> to vector<16xf32>
    %swap3A_166 = vector.shape_cast %broadcast_in_dim3A_162 : vector<16xf32> to vector<16xf32>
    tpu.vector_store %arg6[%swap3A_163], %swap3A_166 {strides = array<i32>} : memref<640xf32, #tpu.memory_space<vmem>>, vector<16xf32>,
    %broadcast_in_dim3A_167 = arith.constant 0.000000e+00 : f32
    %broadcast_in_dim3A_168 = vector.broadcast %broadcast_in_dim3A_167 : f32 to vector<16xf32>
    %swap3A_169 = arith.constant 448 : index
    %swap3A_170 = tpu.vector_load %arg6[%swap3A_169] {strides = array<i32>} : memref<640xf32, #tpu.memory_space<vmem>>, vector<16xf32>,
    %swap3A_171 = vector.shape_cast %swap3A_170 : vector<16xf32> to vector<16xf32>
    %swap3A_172 = vector.shape_cast %broadcast_in_dim3A_168 : vector<16xf32> to vector<16xf32>
    tpu.vector_store %arg6[%swap3A_169], %swap3A_172 {strides = array<i32>} : memref<640xf32, #tpu.memory_space<vmem>>, vector<16xf32>,
    %broadcast_in_dim3A_173 = arith.constant 0.000000e+00 : f32
    %broadcast_in_dim3A_174 = vector.broadcast %broadcast_in_dim3A_173 : f32 to vector<16xf32>
    %swap3A_175 = arith.constant 464 : index
    %swap3A_176 = tpu.vector_load %arg6[%swap3A_175] {strides = array<i32>} : memref<640xf32, #tpu.memory_space<vmem>>, vector<16xf32>,
    %swap3A_177 = vector.shape_cast %swap3A_176 : vector<16xf32> to vector<16xf32>
    %swap3A_178 = vector.shape_cast %broadcast_in_dim3A_174 : vector<16xf32> to vector<16xf32>
    tpu.vector_store %arg6[%swap3A_175], %swap3A_178 {strides = array<i32>} : memref<640xf32, #tpu.memory_space<vmem>>, vector<16xf32>,
    %broadcast_in_dim3A_179 = arith.constant 0.000000e+00 : f32
    %broadcast_in_dim3A_180 = vector.broadcast %broadcast_in_dim3A_179 : f32 to vector<16xf32>
    %swap3A_181 = arith.constant 480 : index
    %swap3A_182 = tpu.vector_load %arg6[%swap3A_181] {strides = array<i32>} : memref<640xf32, #tpu.memory_space<vmem>>, vector<16xf32>,
    %swap3A_183 = vector.shape_cast %swap3A_182 : vector<16xf32> to vector<16xf32>
    %swap3A_184 = vector.shape_cast %broadcast_in_dim3A_180 : vector<16xf32> to vector<16xf32>
    tpu.vector_store %arg6[%swap3A_181], %swap3A_184 {strides = array<i32>} : memref<640xf32, #tpu.memory_space<vmem>>, vector<16xf32>,
    %broadcast_in_dim3A_185 = arith.constant 0.000000e+00 : f32
    %broadcast_in_dim3A_186 = vector.broadcast %broadcast_in_dim3A_185 : f32 to vector<16xf32>
    %swap3A_187 = arith.constant 496 : index
    %swap3A_188 = tpu.vector_load %arg6[%swap3A_187] {strides = array<i32>} : memref<640xf32, #tpu.memory_space<vmem>>, vector<16xf32>,
    %swap3A_189 = vector.shape_cast %swap3A_188 : vector<16xf32> to vector<16xf32>
    %swap3A_190 = vector.shape_cast %broadcast_in_dim3A_186 : vector<16xf32> to vector<16xf32>
    tpu.vector_store %arg6[%swap3A_187], %swap3A_190 {strides = array<i32>} : memref<640xf32, #tpu.memory_space<vmem>>, vector<16xf32>,
    %broadcast_in_dim3A_191 = arith.constant 0.000000e+00 : f32
    %broadcast_in_dim3A_192 = vector.broadcast %broadcast_in_dim3A_191 : f32 to vector<16xf32>
    %swap3A_193 = arith.constant 512 : index
    %swap3A_194 = tpu.vector_load %arg6[%swap3A_193] {strides = array<i32>} : memref<640xf32, #tpu.memory_space<vmem>>, vector<16xf32>,
    %swap3A_195 = vector.shape_cast %swap3A_194 : vector<16xf32> to vector<16xf32>
    %swap3A_196 = vector.shape_cast %broadcast_in_dim3A_192 : vector<16xf32> to vector<16xf32>
    tpu.vector_store %arg6[%swap3A_193], %swap3A_196 {strides = array<i32>} : memref<640xf32, #tpu.memory_space<vmem>>, vector<16xf32>,
    %broadcast_in_dim3A_197 = arith.constant 0.000000e+00 : f32
    %broadcast_in_dim3A_198 = vector.broadcast %broadcast_in_dim3A_197 : f32 to vector<16xf32>
    %swap3A_199 = arith.constant 528 : index
    %swap3A_200 = tpu.vector_load %arg6[%swap3A_199] {strides = array<i32>} : memref<640xf32, #tpu.memory_space<vmem>>, vector<16xf32>,
    %swap3A_201 = vector.shape_cast %swap3A_200 : vector<16xf32> to vector<16xf32>
    %swap3A_202 = vector.shape_cast %broadcast_in_dim3A_198 : vector<16xf32> to vector<16xf32>
    tpu.vector_store %arg6[%swap3A_199], %swap3A_202 {strides = array<i32>} : memref<640xf32, #tpu.memory_space<vmem>>, vector<16xf32>,
    %broadcast_in_dim3A_203 = arith.constant 0.000000e+00 : f32
    %broadcast_in_dim3A_204 = vector.broadcast %broadcast_in_dim3A_203 : f32 to vector<16xf32>
    %swap3A_205 = arith.constant 544 : index
    %swap3A_206 = tpu.vector_load %arg6[%swap3A_205] {strides = array<i32>} : memref<640xf32, #tpu.memory_space<vmem>>, vector<16xf32>,
    %swap3A_207 = vector.shape_cast %swap3A_206 : vector<16xf32> to vector<16xf32>
    %swap3A_208 = vector.shape_cast %broadcast_in_dim3A_204 : vector<16xf32> to vector<16xf32>
    tpu.vector_store %arg6[%swap3A_205], %swap3A_208 {strides = array<i32>} : memref<640xf32, #tpu.memory_space<vmem>>, vector<16xf32>,
    %broadcast_in_dim3A_209 = arith.constant 0.000000e+00 : f32
    %broadcast_in_dim3A_210 = vector.broadcast %broadcast_in_dim3A_209 : f32 to vector<16xf32>
    %swap3A_211 = arith.constant 560 : index
    %swap3A_212 = tpu.vector_load %arg6[%swap3A_211] {strides = array<i32>} : memref<640xf32, #tpu.memory_space<vmem>>, vector<16xf32>,
    %swap3A_213 = vector.shape_cast %swap3A_212 : vector<16xf32> to vector<16xf32>
    %swap3A_214 = vector.shape_cast %broadcast_in_dim3A_210 : vector<16xf32> to vector<16xf32>
    tpu.vector_store %arg6[%swap3A_211], %swap3A_214 {strides = array<i32>} : memref<640xf32, #tpu.memory_space<vmem>>, vector<16xf32>,
    %broadcast_in_dim3A_215 = arith.constant 0.000000e+00 : f32
    %broadcast_in_dim3A_216 = vector.broadcast %broadcast_in_dim3A_215 : f32 to vector<16xf32>
    %swap3A_217 = arith.constant 576 : index
    %swap3A_218 = tpu.vector_load %arg6[%swap3A_217] {strides = array<i32>} : memref<640xf32, #tpu.memory_space<vmem>>, vector<16xf32>,
    %swap3A_219 = vector.shape_cast %swap3A_218 : vector<16xf32> to vector<16xf32>
    %swap3A_220 = vector.shape_cast %broadcast_in_dim3A_216 : vector<16xf32> to vector<16xf32>
    tpu.vector_store %arg6[%swap3A_217], %swap3A_220 {strides = array<i32>} : memref<640xf32, #tpu.memory_space<vmem>>, vector<16xf32>,
    %broadcast_in_dim3A_221 = arith.constant 0.000000e+00 : f32
    %broadcast_in_dim3A_222 = vector.broadcast %broadcast_in_dim3A_221 : f32 to vector<16xf32>
    %swap3A_223 = arith.constant 592 : index
    %swap3A_224 = tpu.vector_load %arg6[%swap3A_223] {strides = array<i32>} : memref<640xf32, #tpu.memory_space<vmem>>, vector<16xf32>,
    %swap3A_225 = vector.shape_cast %swap3A_224 : vector<16xf32> to vector<16xf32>
    %swap3A_226 = vector.shape_cast %broadcast_in_dim3A_222 : vector<16xf32> to vector<16xf32>
    tpu.vector_store %arg6[%swap3A_223], %swap3A_226 {strides = array<i32>} : memref<640xf32, #tpu.memory_space<vmem>>, vector<16xf32>,
    %broadcast_in_dim3A_227 = arith.constant 0.000000e+00 : f32
    %broadcast_in_dim3A_228 = vector.broadcast %broadcast_in_dim3A_227 : f32 to vector<16xf32>
    %swap3A_229 = arith.constant 608 : index
    %swap3A_230 = tpu.vector_load %arg6[%swap3A_229] {strides = array<i32>} : memref<640xf32, #tpu.memory_space<vmem>>, vector<16xf32>,
    %swap3A_231 = vector.shape_cast %swap3A_230 : vector<16xf32> to vector<16xf32>
    %swap3A_232 = vector.shape_cast %broadcast_in_dim3A_228 : vector<16xf32> to vector<16xf32>
    tpu.vector_store %arg6[%swap3A_229], %swap3A_232 {strides = array<i32>} : memref<640xf32, #tpu.memory_space<vmem>>, vector<16xf32>,
    %broadcast_in_dim3A_233 = arith.constant 0.000000e+00 : f32
    %broadcast_in_dim3A_234 = vector.broadcast %broadcast_in_dim3A_233 : f32 to vector<16xf32>
    %swap3A_235 = arith.constant 624 : index
    %swap3A_236 = tpu.vector_load %arg6[%swap3A_235] {strides = array<i32>} : memref<640xf32, #tpu.memory_space<vmem>>, vector<16xf32>,
    %swap3A_237 = vector.shape_cast %swap3A_236 : vector<16xf32> to vector<16xf32>
    %swap3A_238 = vector.shape_cast %broadcast_in_dim3A_234 : vector<16xf32> to vector<16xf32>
    tpu.vector_store %arg6[%swap3A_235], %swap3A_238 {strides = array<i32>} : memref<640xf32, #tpu.memory_space<vmem>>, vector<16xf32>,
    %lt3A = arith.constant 15 : i32
    %lt3A_239 = arith.cmpi slt, %arg1, %lt3A : i32
    %convert_element_type3A = arith.extui %lt3A_239 : i1 to i32
    %cond3A = arith.constant 0 : i32
    %cond3A_240 = arith.cmpi ne, %convert_element_type3A, %cond3A : i32
    scf.if %cond3A_240 {
      %mul3A_312 = arith.constant 640 : i32
      %mul3A_313 = arith.muli %arg1, %mul3A_312 : i32
      "tpu.region"() ({
        %run_scoped3A = tpu.sem_alloc : memref<!tpu.dma_semaphore, #tpu.memory_space<semaphore_mem>>
        %dma_start3A = arith.constant 0 : i32
        %dma_start3A_314 = tpu.memref_slice %arg6[%dma_start3A] : memref<640xf32, #tpu.memory_space<vmem>> -> memref<640xf32, #tpu.memory_space<vmem>>
        %dma_start3A_315 = tpu.memref_slice %arg7[%mul3A_313] : memref<10000xf32, #tpu.memory_space<vmem_shared>> -> memref<640xf32, #tpu.memory_space<vmem_shared>>
        %dma_start3A_316 = tpu.memref_slice %arg7[%mul3A_313] : memref<10000xf32, #tpu.memory_space<vmem_shared>> -> memref<640xf32, #tpu.memory_space<vmem_shared>>
        %dma_start3A_317 = arith.constant 0 : i32
        %dma_start3A_318 = tpu.memref_slice %arg6[%dma_start3A_317] : memref<640xf32, #tpu.memory_space<vmem>> -> memref<640xf32, #tpu.memory_space<vmem>>
        tpu.enqueue_dma source(%dma_start3A_318 : memref<640xf32, #tpu.memory_space<vmem>>) target(%dma_start3A_316 : memref<640xf32, #tpu.memory_space<vmem_shared>>) target_semaphore(%run_scoped3A : memref<!tpu.dma_semaphore, #tpu.memory_space<semaphore_mem>>)
        %dma_wait3A = arith.constant 0 : i32
        %dma_wait3A_319 = tpu.memref_slice %arg6[%dma_wait3A] : memref<640xf32, #tpu.memory_space<vmem>> -> memref<640xf32, #tpu.memory_space<vmem>>
        %dma_wait3A_320 = tpu.memref_slice %arg7[%mul3A_313] : memref<10000xf32, #tpu.memory_space<vmem_shared>> -> memref<640xf32, #tpu.memory_space<vmem_shared>>
        %dma_wait3A_321 = tpu.memref_slice %arg7[%mul3A_313] : memref<10000xf32, #tpu.memory_space<vmem_shared>> -> memref<640xf32, #tpu.memory_space<vmem_shared>>
        %dma_wait3A_322 = arith.constant 0 : i32
        %dma_wait3A_323 = tpu.memref_slice %arg6[%dma_wait3A_322] : memref<640xf32, #tpu.memory_space<vmem>> -> memref<640xf32, #tpu.memory_space<vmem>>
        tpu.wait_dma2 semaphore(%run_scoped3A : memref<!tpu.dma_semaphore, #tpu.memory_space<semaphore_mem>>) src(%dma_wait3A_323 : memref<640xf32, #tpu.memory_space<vmem>>) dst(%dma_wait3A_321 : memref<640xf32, #tpu.memory_space<vmem_shared>>)
        tpu.yield
      }) : () -> ()
    } else {
    }
    %eq3A = arith.constant 15 : i32
    %eq3A_241 = arith.cmpi eq, %arg1, %eq3A : i32
    %convert_element_type3A_242 = arith.extui %eq3A_241 : i1 to i32
    %cond3A_243 = arith.constant 0 : i32
    %cond3A_244 = arith.cmpi ne, %convert_element_type3A_242, %cond3A_243 : i32
    scf.if %cond3A_244 {
      %mul3A_312 = arith.constant 640 : i32
      %mul3A_313 = arith.muli %arg1, %mul3A_312 : i32
      "tpu.region"() ({
        %run_scoped3A = tpu.sem_alloc : memref<!tpu.dma_semaphore, #tpu.memory_space<semaphore_mem>>
        %dma_start3A = arith.constant 0 : i32
        %dma_start3A_314 = tpu.memref_slice %arg6[%dma_start3A] : memref<640xf32, #tpu.memory_space<vmem>> -> memref<400xf32, #tpu.memory_space<vmem>>
        %dma_start3A_315 = tpu.memref_slice %arg7[%mul3A_313] : memref<10000xf32, #tpu.memory_space<vmem_shared>> -> memref<400xf32, #tpu.memory_space<vmem_shared>>
        %dma_start3A_316 = tpu.memref_slice %arg7[%mul3A_313] : memref<10000xf32, #tpu.memory_space<vmem_shared>> -> memref<400xf32, #tpu.memory_space<vmem_shared>>
        %dma_start3A_317 = arith.constant 0 : i32
        %dma_start3A_318 = tpu.memref_slice %arg6[%dma_start3A_317] : memref<640xf32, #tpu.memory_space<vmem>> -> memref<400xf32, #tpu.memory_space<vmem>>
        tpu.enqueue_dma source(%dma_start3A_318 : memref<400xf32, #tpu.memory_space<vmem>>) target(%dma_start3A_316 : memref<400xf32, #tpu.memory_space<vmem_shared>>) target_semaphore(%run_scoped3A : memref<!tpu.dma_semaphore, #tpu.memory_space<semaphore_mem>>)
        %dma_wait3A = arith.constant 0 : i32
        %dma_wait3A_319 = tpu.memref_slice %arg6[%dma_wait3A] : memref<640xf32, #tpu.memory_space<vmem>> -> memref<400xf32, #tpu.memory_space<vmem>>
        %dma_wait3A_320 = tpu.memref_slice %arg7[%mul3A_313] : memref<10000xf32, #tpu.memory_space<vmem_shared>> -> memref<400xf32, #tpu.memory_space<vmem_shared>>
        %dma_wait3A_321 = tpu.memref_slice %arg7[%mul3A_313] : memref<10000xf32, #tpu.memory_space<vmem_shared>> -> memref<400xf32, #tpu.memory_space<vmem_shared>>
        %dma_wait3A_322 = arith.constant 0 : i32
        %dma_wait3A_323 = tpu.memref_slice %arg6[%dma_wait3A_322] : memref<640xf32, #tpu.memory_space<vmem>> -> memref<400xf32, #tpu.memory_space<vmem>>
        tpu.wait_dma2 semaphore(%run_scoped3A : memref<!tpu.dma_semaphore, #tpu.memory_space<semaphore_mem>>) src(%dma_wait3A_323 : memref<400xf32, #tpu.memory_space<vmem>>) dst(%dma_wait3A_321 : memref<400xf32, #tpu.memory_space<vmem_shared>>)
        tpu.yield
      }) : () -> ()
    } else {
    }
    %broadcast_in_dim3A_245 = arith.constant 1.000000e+00 : f32
    %broadcast_in_dim3A_246 = vector.broadcast %broadcast_in_dim3A_245 : f32 to vector<16xf32>
    %swap3A_247 = arith.constant 0 : index
    %swap3A_248 = tpu.vector_load %arg5[%swap3A_247] {strides = array<i32>} : memref<128xf32, #tpu.memory_space<vmem>>, vector<16xf32>,
    %swap3A_249 = vector.shape_cast %swap3A_248 : vector<16xf32> to vector<16xf32>
    %swap3A_250 = vector.shape_cast %broadcast_in_dim3A_246 : vector<16xf32> to vector<16xf32>
    tpu.vector_store %arg5[%swap3A_247], %swap3A_250 {strides = array<i32>} : memref<128xf32, #tpu.memory_space<vmem>>, vector<16xf32>,
    %broadcast_in_dim3A_251 = arith.constant 1.000000e+00 : f32
    %broadcast_in_dim3A_252 = vector.broadcast %broadcast_in_dim3A_251 : f32 to vector<16xf32>
    %swap3A_253 = arith.constant 16 : index
    %swap3A_254 = tpu.vector_load %arg5[%swap3A_253] {strides = array<i32>} : memref<128xf32, #tpu.memory_space<vmem>>, vector<16xf32>,
    %swap3A_255 = vector.shape_cast %swap3A_254 : vector<16xf32> to vector<16xf32>
    %swap3A_256 = vector.shape_cast %broadcast_in_dim3A_252 : vector<16xf32> to vector<16xf32>
    tpu.vector_store %arg5[%swap3A_253], %swap3A_256 {strides = array<i32>} : memref<128xf32, #tpu.memory_space<vmem>>, vector<16xf32>,
    %broadcast_in_dim3A_257 = arith.constant 1.000000e+00 : f32
    %broadcast_in_dim3A_258 = vector.broadcast %broadcast_in_dim3A_257 : f32 to vector<16xf32>
    %swap3A_259 = arith.constant 32 : index
    %swap3A_260 = tpu.vector_load %arg5[%swap3A_259] {strides = array<i32>} : memref<128xf32, #tpu.memory_space<vmem>>, vector<16xf32>,
    %swap3A_261 = vector.shape_cast %swap3A_260 : vector<16xf32> to vector<16xf32>
    %swap3A_262 = vector.shape_cast %broadcast_in_dim3A_258 : vector<16xf32> to vector<16xf32>
    tpu.vector_store %arg5[%swap3A_259], %swap3A_262 {strides = array<i32>} : memref<128xf32, #tpu.memory_space<vmem>>, vector<16xf32>,
    %broadcast_in_dim3A_263 = arith.constant 1.000000e+00 : f32
    %broadcast_in_dim3A_264 = vector.broadcast %broadcast_in_dim3A_263 : f32 to vector<16xf32>
    %swap3A_265 = arith.constant 48 : index
    %swap3A_266 = tpu.vector_load %arg5[%swap3A_265] {strides = array<i32>} : memref<128xf32, #tpu.memory_space<vmem>>, vector<16xf32>,
    %swap3A_267 = vector.shape_cast %swap3A_266 : vector<16xf32> to vector<16xf32>
    %swap3A_268 = vector.shape_cast %broadcast_in_dim3A_264 : vector<16xf32> to vector<16xf32>
    tpu.vector_store %arg5[%swap3A_265], %swap3A_268 {strides = array<i32>} : memref<128xf32, #tpu.memory_space<vmem>>, vector<16xf32>,
    %broadcast_in_dim3A_269 = arith.constant 1.000000e+00 : f32
    %broadcast_in_dim3A_270 = vector.broadcast %broadcast_in_dim3A_269 : f32 to vector<16xf32>
    %swap3A_271 = arith.constant 64 : index
    %swap3A_272 = tpu.vector_load %arg5[%swap3A_271] {strides = array<i32>} : memref<128xf32, #tpu.memory_space<vmem>>, vector<16xf32>,
    %swap3A_273 = vector.shape_cast %swap3A_272 : vector<16xf32> to vector<16xf32>
    %swap3A_274 = vector.shape_cast %broadcast_in_dim3A_270 : vector<16xf32> to vector<16xf32>
    tpu.vector_store %arg5[%swap3A_271], %swap3A_274 {strides = array<i32>} : memref<128xf32, #tpu.memory_space<vmem>>, vector<16xf32>,
    %broadcast_in_dim3A_275 = arith.constant 1.000000e+00 : f32
    %broadcast_in_dim3A_276 = vector.broadcast %broadcast_in_dim3A_275 : f32 to vector<16xf32>
    %swap3A_277 = arith.constant 80 : index
    %swap3A_278 = tpu.vector_load %arg5[%swap3A_277] {strides = array<i32>} : memref<128xf32, #tpu.memory_space<vmem>>, vector<16xf32>,
    %swap3A_279 = vector.shape_cast %swap3A_278 : vector<16xf32> to vector<16xf32>
    %swap3A_280 = vector.shape_cast %broadcast_in_dim3A_276 : vector<16xf32> to vector<16xf32>
    tpu.vector_store %arg5[%swap3A_277], %swap3A_280 {strides = array<i32>} : memref<128xf32, #tpu.memory_space<vmem>>, vector<16xf32>,
    %broadcast_in_dim3A_281 = arith.constant 1.000000e+00 : f32
    %broadcast_in_dim3A_282 = vector.broadcast %broadcast_in_dim3A_281 : f32 to vector<16xf32>
    %swap3A_283 = arith.constant 96 : index
    %swap3A_284 = tpu.vector_load %arg5[%swap3A_283] {strides = array<i32>} : memref<128xf32, #tpu.memory_space<vmem>>, vector<16xf32>,
    %swap3A_285 = vector.shape_cast %swap3A_284 : vector<16xf32> to vector<16xf32>
    %swap3A_286 = vector.shape_cast %broadcast_in_dim3A_282 : vector<16xf32> to vector<16xf32>
    tpu.vector_store %arg5[%swap3A_283], %swap3A_286 {strides = array<i32>} : memref<128xf32, #tpu.memory_space<vmem>>, vector<16xf32>,
    %broadcast_in_dim3A_287 = arith.constant 1.000000e+00 : f32
    %broadcast_in_dim3A_288 = vector.broadcast %broadcast_in_dim3A_287 : f32 to vector<16xf32>
    %swap3A_289 = arith.constant 112 : index
    %swap3A_290 = tpu.vector_load %arg5[%swap3A_289] {strides = array<i32>} : memref<128xf32, #tpu.memory_space<vmem>>, vector<16xf32>,
    %swap3A_291 = vector.shape_cast %swap3A_290 : vector<16xf32> to vector<16xf32>
    %swap3A_292 = vector.shape_cast %broadcast_in_dim3A_288 : vector<16xf32> to vector<16xf32>
    tpu.vector_store %arg5[%swap3A_289], %swap3A_292 {strides = array<i32>} : memref<128xf32, #tpu.memory_space<vmem>>, vector<16xf32>,
    %mul3A_293 = arith.constant 40 : i32
    %mul3A_294 = arith.muli %add3A, %mul3A_293 : i32
    "tpu.region"() ({
      %run_scoped3A = tpu.sem_alloc : memref<!tpu.dma_semaphore, #tpu.memory_space<semaphore_mem>>
      %dma_start3A = arith.constant 0 : i32
      %dma_start3A_312 = tpu.memref_slice %arg2[%mul3A_294, %dma_start3A] : memref<1280x125xi32, #tpu.memory_space<hbm>> -> memref<40x125xi32, #tpu.memory_space<hbm>>
      %dma_start3A_313 = arith.constant 0 : i32
      %dma_start3A_314 = tpu.memref_slice %arg2[%mul3A_294, %dma_start3A_313] : memref<1280x125xi32, #tpu.memory_space<hbm>> -> memref<40x125xi32, #tpu.memory_space<hbm>>
      tpu.enqueue_dma source(%dma_start3A_314 : memref<40x125xi32, #tpu.memory_space<hbm>>) target(%arg4 : memref<40x125xi32, #tpu.memory_space<vmem>>) target_semaphore(%run_scoped3A : memref<!tpu.dma_semaphore, #tpu.memory_space<semaphore_mem>>)
      %dma_wait3A = arith.constant 0 : i32
      %dma_wait3A_315 = tpu.memref_slice %arg2[%mul3A_294, %dma_wait3A] : memref<1280x125xi32, #tpu.memory_space<hbm>> -> memref<40x125xi32, #tpu.memory_space<hbm>>
      %dma_wait3A_316 = arith.constant 0 : i32
      %dma_wait3A_317 = tpu.memref_slice %arg2[%mul3A_294, %dma_wait3A_316] : memref<1280x125xi32, #tpu.memory_space<hbm>> -> memref<40x125xi32, #tpu.memory_space<hbm>>
      tpu.wait_dma2 semaphore(%run_scoped3A : memref<!tpu.dma_semaphore, #tpu.memory_space<semaphore_mem>>) src(%dma_wait3A_317 : memref<40x125xi32, #tpu.memory_space<hbm>>) dst(%arg4 : memref<40x125xi32, #tpu.memory_space<vmem>>)
      tpu.yield
    }) : () -> ()
    %barrier3A = arith.constant 0 : index
    tpu.barrier barrier_id(%barrier3A)
    %scan3A = arith.constant 0 : i32
    %scan3A_295 = arith.constant 0 : i32
    %scan3A_296 = arith.constant 40 : i32
    %scan3A_297 = arith.addi %scan3A_295, %scan3A_296 : i32
    %scan3A_298 = arith.constant 1 : i32
    %scan3A_299 = scf.for %scan3A_312 = %scan3A_295 to %scan3A_297 step %scan3A_298 iter_args(%scan3A_313 = %scan3A) -> (i32)  : i32 {
      "tpu.region"() ({
        %run_scoped3A = tpu.sem_alloc : memref<!tpu.dma_semaphore, #tpu.memory_space<semaphore_mem>>
        %dma_start3A = arith.constant 0 : i32
        %dma_start3A_315 = tpu.memref_slice %arg5[%dma_start3A] : memref<128xf32, #tpu.memory_space<vmem>> -> memref<125xf32, #tpu.memory_space<vmem>>
        %dma_start3A_316 = arith.constant 0 : i32
        %dma_start3A_317 = tpu.memref_slice %arg4[%scan3A_312, %dma_start3A_316] : memref<40x125xi32, #tpu.memory_space<vmem>> -> memref<1x125xi32, #tpu.memory_space<vmem>>
        %dma_start3A_318 = tpu.memref_squeeze %dma_start3A_317 : memref<1x125xi32, #tpu.memory_space<vmem>> -> memref<125xi32, #tpu.memory_space<vmem>>
        %dma_start3A_319 = arith.constant 0 : i32
        %dma_start3A_320 = tpu.memref_slice %arg7[%dma_start3A_319] : memref<10000xf32, #tpu.memory_space<vmem_shared>> -> memref<10000xf32, #tpu.memory_space<vmem_shared>>
        tpu.enqueue_indirect_dma source(%dma_start3A_315 : memref<125xf32, #tpu.memory_space<vmem>>) target(%dma_start3A_320 : memref<10000xf32, #tpu.memory_space<vmem_shared>>) offsets(%dma_start3A_318 : memref<125xi32, #tpu.memory_space<vmem>>) semaphore(%run_scoped3A : memref<!tpu.dma_semaphore, #tpu.memory_space<semaphore_mem>>) {add = true}
        %dma_wait3A = arith.constant 0 : i32
        %dma_wait3A_321 = tpu.memref_slice %arg5[%dma_wait3A] : memref<128xf32, #tpu.memory_space<vmem>> -> memref<125xf32, #tpu.memory_space<vmem>>
        %dma_wait3A_322 = arith.constant 0 : i32
        %dma_wait3A_323 = tpu.memref_slice %arg4[%scan3A_312, %dma_wait3A_322] : memref<40x125xi32, #tpu.memory_space<vmem>> -> memref<1x125xi32, #tpu.memory_space<vmem>>
        %dma_wait3A_324 = tpu.memref_squeeze %dma_wait3A_323 : memref<1x125xi32, #tpu.memory_space<vmem>> -> memref<125xi32, #tpu.memory_space<vmem>>
        %dma_wait3A_325 = arith.constant 0 : i32
        %dma_wait3A_326 = tpu.memref_slice %arg7[%dma_wait3A_325] : memref<10000xf32, #tpu.memory_space<vmem_shared>> -> memref<10000xf32, #tpu.memory_space<vmem_shared>>
        tpu.wait_indirect_dma semaphore(%run_scoped3A : memref<!tpu.dma_semaphore, #tpu.memory_space<semaphore_mem>>) src(%dma_wait3A_321 : memref<125xf32, #tpu.memory_space<vmem>>) dst(%dma_wait3A_326 : memref<10000xf32, #tpu.memory_space<vmem_shared>>)
        tpu.yield
      }) : () -> ()
      %scan3A_314 = arith.constant 0 : i32
      scf.yield %scan3A_314 : i32
    }
    %scan3A_300 = arith.constant 40 : i32
    %barrier3A_301 = arith.constant 0 : index
    tpu.barrier barrier_id(%barrier3A_301)
    %lt3A_302 = arith.constant 15 : i32
    %lt3A_303 = arith.cmpi slt, %arg1, %lt3A_302 : i32
    %convert_element_type3A_304 = arith.extui %lt3A_303 : i1 to i32
    %cond3A_305 = arith.constant 0 : i32
    %cond3A_306 = arith.cmpi ne, %convert_element_type3A_304, %cond3A_305 : i32
    scf.if %cond3A_306 {
      %mul3A_312 = arith.constant 640 : i32
      %mul3A_313 = arith.muli %arg1, %mul3A_312 : i32
      "tpu.region"() ({
        %run_scoped3A = tpu.sem_alloc : memref<!tpu.dma_semaphore, #tpu.memory_space<semaphore_mem>>
        %dma_start3A = arith.constant 0 : i32
        %dma_start3A_319 = tpu.memref_slice %arg6[%dma_start3A] : memref<640xf32, #tpu.memory_space<vmem>> -> memref<640xf32, #tpu.memory_space<vmem>>
        %dma_start3A_320 = tpu.memref_slice %arg7[%mul3A_313] : memref<10000xf32, #tpu.memory_space<vmem_shared>> -> memref<640xf32, #tpu.memory_space<vmem_shared>>
        %dma_start3A_321 = arith.constant 0 : i32
        %dma_start3A_322 = tpu.memref_slice %arg6[%dma_start3A_321] : memref<640xf32, #tpu.memory_space<vmem>> -> memref<640xf32, #tpu.memory_space<vmem>>
        %dma_start3A_323 = tpu.memref_slice %arg7[%mul3A_313] : memref<10000xf32, #tpu.memory_space<vmem_shared>> -> memref<640xf32, #tpu.memory_space<vmem_shared>>
        tpu.enqueue_dma source(%dma_start3A_323 : memref<640xf32, #tpu.memory_space<vmem_shared>>) target(%dma_start3A_322 : memref<640xf32, #tpu.memory_space<vmem>>) target_semaphore(%run_scoped3A : memref<!tpu.dma_semaphore, #tpu.memory_space<semaphore_mem>>)
        %dma_wait3A = arith.constant 0 : i32
        %dma_wait3A_324 = tpu.memref_slice %arg6[%dma_wait3A] : memref<640xf32, #tpu.memory_space<vmem>> -> memref<640xf32, #tpu.memory_space<vmem>>
        %dma_wait3A_325 = tpu.memref_slice %arg7[%mul3A_313] : memref<10000xf32, #tpu.memory_space<vmem_shared>> -> memref<640xf32, #tpu.memory_space<vmem_shared>>
        %dma_wait3A_326 = arith.constant 0 : i32
        %dma_wait3A_327 = tpu.memref_slice %arg6[%dma_wait3A_326] : memref<640xf32, #tpu.memory_space<vmem>> -> memref<640xf32, #tpu.memory_space<vmem>>
        %dma_wait3A_328 = tpu.memref_slice %arg7[%mul3A_313] : memref<10000xf32, #tpu.memory_space<vmem_shared>> -> memref<640xf32, #tpu.memory_space<vmem_shared>>
        tpu.wait_dma2 semaphore(%run_scoped3A : memref<!tpu.dma_semaphore, #tpu.memory_space<semaphore_mem>>) src(%dma_wait3A_328 : memref<640xf32, #tpu.memory_space<vmem_shared>>) dst(%dma_wait3A_327 : memref<640xf32, #tpu.memory_space<vmem>>)
        tpu.yield
      }) : () -> ()
      %mul3A_314 = arith.constant 10000 : i32
      %mul3A_315 = arith.muli %arg0, %mul3A_314 : i32
      %mul3A_316 = arith.constant 640 : i32
      %mul3A_317 = arith.muli %arg1, %mul3A_316 : i32
      %add3A_318 = arith.addi %mul3A_315, %mul3A_317 : i32
      "tpu.region"() ({
        %run_scoped3A = tpu.sem_alloc : memref<!tpu.dma_semaphore, #tpu.memory_space<semaphore_mem>>
        %dma_start3A = arith.constant 0 : i32
        %dma_start3A_319 = tpu.memref_slice %arg6[%dma_start3A] : memref<640xf32, #tpu.memory_space<vmem>> -> memref<640xf32, #tpu.memory_space<vmem>>
        %dma_start3A_320 = tpu.memref_slice %arg3[%add3A_318] : memref<20000xf32, #tpu.memory_space<hbm>> -> memref<640xf32, #tpu.memory_space<hbm>>
        %dma_start3A_321 = tpu.memref_slice %arg3[%add3A_318] : memref<20000xf32, #tpu.memory_space<hbm>> -> memref<640xf32, #tpu.memory_space<hbm>>
        %dma_start3A_322 = arith.constant 0 : i32
        %dma_start3A_323 = tpu.memref_slice %arg6[%dma_start3A_322] : memref<640xf32, #tpu.memory_space<vmem>> -> memref<640xf32, #tpu.memory_space<vmem>>
        tpu.enqueue_dma source(%dma_start3A_323 : memref<640xf32, #tpu.memory_space<vmem>>) target(%dma_start3A_321 : memref<640xf32, #tpu.memory_space<hbm>>) target_semaphore(%run_scoped3A : memref<!tpu.dma_semaphore, #tpu.memory_space<semaphore_mem>>)
        %dma_wait3A = arith.constant 0 : i32
        %dma_wait3A_324 = tpu.memref_slice %arg6[%dma_wait3A] : memref<640xf32, #tpu.memory_space<vmem>> -> memref<640xf32, #tpu.memory_space<vmem>>
        %dma_wait3A_325 = tpu.memref_slice %arg3[%add3A_318] : memref<20000xf32, #tpu.memory_space<hbm>> -> memref<640xf32, #tpu.memory_space<hbm>>
        %dma_wait3A_326 = tpu.memref_slice %arg3[%add3A_318] : memref<20000xf32, #tpu.memory_space<hbm>> -> memref<640xf32, #tpu.memory_space<hbm>>
        %dma_wait3A_327 = arith.constant 0 : i32
        %dma_wait3A_328 = tpu.memref_slice %arg6[%dma_wait3A_327] : memref<640xf32, #tpu.memory_space<vmem>> -> memref<640xf32, #tpu.memory_space<vmem>>
        tpu.wait_dma2 semaphore(%run_scoped3A : memref<!tpu.dma_semaphore, #tpu.memory_space<semaphore_mem>>) src(%dma_wait3A_328 : memref<640xf32, #tpu.memory_space<vmem>>) dst(%dma_wait3A_326 : memref<640xf32, #tpu.memory_space<hbm>>)
        tpu.yield
      }) : () -> ()
    } else {
    }
    %eq3A_307 = arith.constant 15 : i32
    %eq3A_308 = arith.cmpi eq, %arg1, %eq3A_307 : i32
    %convert_element_type3A_309 = arith.extui %eq3A_308 : i1 to i32
    %cond3A_310 = arith.constant 0 : i32
    %cond3A_311 = arith.cmpi ne, %convert_element_type3A_309, %cond3A_310 : i32
    scf.if %cond3A_311 {
      %mul3A_312 = arith.constant 640 : i32
      %mul3A_313 = arith.muli %arg1, %mul3A_312 : i32
      "tpu.region"() ({
        %run_scoped3A = tpu.sem_alloc : memref<!tpu.dma_semaphore, #tpu.memory_space<semaphore_mem>>
        %dma_start3A = arith.constant 0 : i32
        %dma_start3A_319 = tpu.memref_slice %arg6[%dma_start3A] : memref<640xf32, #tpu.memory_space<vmem>> -> memref<400xf32, #tpu.memory_space<vmem>>
        %dma_start3A_320 = tpu.memref_slice %arg7[%mul3A_313] : memref<10000xf32, #tpu.memory_space<vmem_shared>> -> memref<400xf32, #tpu.memory_space<vmem_shared>>
        %dma_start3A_321 = arith.constant 0 : i32
        %dma_start3A_322 = tpu.memref_slice %arg6[%dma_start3A_321] : memref<640xf32, #tpu.memory_space<vmem>> -> memref<400xf32, #tpu.memory_space<vmem>>
        %dma_start3A_323 = tpu.memref_slice %arg7[%mul3A_313] : memref<10000xf32, #tpu.memory_space<vmem_shared>> -> memref<400xf32, #tpu.memory_space<vmem_shared>>
        tpu.enqueue_dma source(%dma_start3A_323 : memref<400xf32, #tpu.memory_space<vmem_shared>>) target(%dma_start3A_322 : memref<400xf32, #tpu.memory_space<vmem>>) target_semaphore(%run_scoped3A : memref<!tpu.dma_semaphore, #tpu.memory_space<semaphore_mem>>)
        %dma_wait3A = arith.constant 0 : i32
        %dma_wait3A_324 = tpu.memref_slice %arg6[%dma_wait3A] : memref<640xf32, #tpu.memory_space<vmem>> -> memref<400xf32, #tpu.memory_space<vmem>>
        %dma_wait3A_325 = tpu.memref_slice %arg7[%mul3A_313] : memref<10000xf32, #tpu.memory_space<vmem_shared>> -> memref<400xf32, #tpu.memory_space<vmem_shared>>
        %dma_wait3A_326 = arith.constant 0 : i32
        %dma_wait3A_327 = tpu.memref_slice %arg6[%dma_wait3A_326] : memref<640xf32, #tpu.memory_space<vmem>> -> memref<400xf32, #tpu.memory_space<vmem>>
        %dma_wait3A_328 = tpu.memref_slice %arg7[%mul3A_313] : memref<10000xf32, #tpu.memory_space<vmem_shared>> -> memref<400xf32, #tpu.memory_space<vmem_shared>>
        tpu.wait_dma2 semaphore(%run_scoped3A : memref<!tpu.dma_semaphore, #tpu.memory_space<semaphore_mem>>) src(%dma_wait3A_328 : memref<400xf32, #tpu.memory_space<vmem_shared>>) dst(%dma_wait3A_327 : memref<400xf32, #tpu.memory_space<vmem>>)
        tpu.yield
      }) : () -> ()
      %mul3A_314 = arith.constant 10000 : i32
      %mul3A_315 = arith.muli %arg0, %mul3A_314 : i32
      %mul3A_316 = arith.constant 640 : i32
      %mul3A_317 = arith.muli %arg1, %mul3A_316 : i32
      %add3A_318 = arith.addi %mul3A_315, %mul3A_317 : i32
      "tpu.region"() ({
        %run_scoped3A = tpu.sem_alloc : memref<!tpu.dma_semaphore, #tpu.memory_space<semaphore_mem>>
        %dma_start3A = arith.constant 0 : i32
        %dma_start3A_319 = tpu.memref_slice %arg6[%dma_start3A] : memref<640xf32, #tpu.memory_space<vmem>> -> memref<400xf32, #tpu.memory_space<vmem>>
        %dma_start3A_320 = tpu.memref_slice %arg3[%add3A_318] : memref<20000xf32, #tpu.memory_space<hbm>> -> memref<400xf32, #tpu.memory_space<hbm>>
        %dma_start3A_321 = tpu.memref_slice %arg3[%add3A_318] : memref<20000xf32, #tpu.memory_space<hbm>> -> memref<400xf32, #tpu.memory_space<hbm>>
        %dma_start3A_322 = arith.constant 0 : i32
        %dma_start3A_323 = tpu.memref_slice %arg6[%dma_start3A_322] : memref<640xf32, #tpu.memory_space<vmem>> -> memref<400xf32, #tpu.memory_space<vmem>>
        tpu.enqueue_dma source(%dma_start3A_323 : memref<400xf32, #tpu.memory_space<vmem>>) target(%dma_start3A_321 : memref<400xf32, #tpu.memory_space<hbm>>) target_semaphore(%run_scoped3A : memref<!tpu.dma_semaphore, #tpu.memory_space<semaphore_mem>>)
        %dma_wait3A = arith.constant 0 : i32
        %dma_wait3A_324 = tpu.memref_slice %arg6[%dma_wait3A] : memref<640xf32, #tpu.memory_space<vmem>> -> memref<400xf32, #tpu.memory_space<vmem>>
        %dma_wait3A_325 = tpu.memref_slice %arg3[%add3A_318] : memref<20000xf32, #tpu.memory_space<hbm>> -> memref<400xf32, #tpu.memory_space<hbm>>
        %dma_wait3A_326 = tpu.memref_slice %arg3[%add3A_318] : memref<20000xf32, #tpu.memory_space<hbm>> -> memref<400xf32, #tpu.memory_space<hbm>>
        %dma_wait3A_327 = arith.constant 0 : i32
        %dma_wait3A_328 = tpu.memref_slice %arg6[%dma_wait3A_327] : memref<640xf32, #tpu.memory_space<vmem>> -> memref<400xf32, #tpu.memory_space<vmem>>
        tpu.wait_dma2 semaphore(%run_scoped3A : memref<!tpu.dma_semaphore, #tpu.memory_space<semaphore_mem>>) src(%dma_wait3A_328 : memref<400xf32, #tpu.memory_space<vmem>>) dst(%dma_wait3A_326 : memref<400xf32, #tpu.memory_space<hbm>>)
        tpu.yield
      }) : () -> ()
    } else {
    }
    return
  }
}

#map = affine_map<(d0, d1) -> (0, 0)>
module attributes {stable_mosaic.version = 14 : i64} {
  func.func @_agg(%arg0: i32, %arg1: i32, %arg2: memref<20000x128xf32, #tpu.memory_space<hbm>>, %arg3: memref<1280x125xi32, #tpu.memory_space<hbm>>, %arg4: memref<1280x125xi32, #tpu.memory_space<hbm>>, %arg5: memref<20000x128xf32, #tpu.memory_space<hbm>>, %arg6: memref<40x125xi32, #tpu.memory_space<vmem>>, %arg7: memref<40x125xi32, #tpu.memory_space<vmem>>, %arg8: memref<128x128xf32, #tpu.memory_space<vmem>>, %arg9: memref<125x128xf32, #tpu.memory_space<vmem>>, %arg10: memref<5x128xi32, #tpu.memory_space<vmem>>, %arg11: memref<16xi32, #tpu.memory_space<vmem>>, %arg12: memref<10000x128xf32, #tpu.memory_space<vmem_shared>>, %arg13: memref<!tpu.dma_semaphore, #tpu.memory_space<semaphore_mem>>, %arg14: memref<!tpu.dma_semaphore, #tpu.memory_space<semaphore_mem>>) attributes {dimension_semantics = [#tpu.dimension_semantics<core_parallel>, #tpu.dimension_semantics<subcore_parallel>], iteration_bounds = array<i64: 2, 16>, scalar_prefetch = 0 : i64, scratch_operands = 9 : i64, tpu.core_type = #tpu.core_type<sc_vector_subcore>, window_params = [{transform_indices = #map}, {transform_indices = #map}, {transform_indices = #map}, {transform_indices = #map}]} {
    %mul3A = arith.constant 640 : i32
    %mul3A_0 = arith.muli %arg1, %mul3A : i32
    %add3A = arith.constant 0 : i32
    %add3A_1 = arith.addi %mul3A_0, %add3A : i32
    %add3A_2 = arith.constant 0 : i32
    %add3A_3 = arith.addi %add3A_1, %add3A_2 : i32
    %iota3A = tpu.iota {dimensions = array<i32: 0>} : vector<16xi32>
    %add3A_4 = vector.broadcast %add3A_3 : i32 to vector<16xi32>
    %add3A_5 = arith.addi %add3A_4, %iota3A : vector<16xi32>
    %swap3A = arith.constant 0 : i32
    %swap3A_6 = arith.index_cast %swap3A : i32 to index
    %swap3A_7 = arith.constant 0 : index
    %swap3A_8 = tpu.vector_load %arg10[%swap3A_6, %swap3A_7] {strides = array<i32>} : memref<5x128xi32, #tpu.memory_space<vmem>>, vector<1x16xi32>,
    %swap3A_9 = vector.shape_cast %swap3A_8 : vector<1x16xi32> to vector<16xi32>
    %swap3A_10 = vector.shape_cast %add3A_5 : vector<16xi32> to vector<1x16xi32>
    tpu.vector_store %arg10[%swap3A_6, %swap3A_7], %swap3A_10 {strides = array<i32>} : memref<5x128xi32, #tpu.memory_space<vmem>>, vector<1x16xi32>,
    %mul3A_11 = arith.constant 640 : i32
    %mul3A_12 = arith.muli %arg1, %mul3A_11 : i32
    %add3A_13 = arith.constant 0 : i32
    %add3A_14 = arith.addi %mul3A_12, %add3A_13 : i32
    %add3A_15 = arith.constant 16 : i32
    %add3A_16 = arith.addi %add3A_14, %add3A_15 : i32
    %iota3A_17 = tpu.iota {dimensions = array<i32: 0>} : vector<16xi32>
    %add3A_18 = vector.broadcast %add3A_16 : i32 to vector<16xi32>
    %add3A_19 = arith.addi %add3A_18, %iota3A_17 : vector<16xi32>
    %swap3A_20 = arith.constant 0 : i32
    %swap3A_21 = arith.index_cast %swap3A_20 : i32 to index
    %swap3A_22 = arith.constant 16 : index
    %swap3A_23 = tpu.vector_load %arg10[%swap3A_21, %swap3A_22] {strides = array<i32>} : memref<5x128xi32, #tpu.memory_space<vmem>>, vector<1x16xi32>,
    %swap3A_24 = vector.shape_cast %swap3A_23 : vector<1x16xi32> to vector<16xi32>
    %swap3A_25 = vector.shape_cast %add3A_19 : vector<16xi32> to vector<1x16xi32>
    tpu.vector_store %arg10[%swap3A_21, %swap3A_22], %swap3A_25 {strides = array<i32>} : memref<5x128xi32, #tpu.memory_space<vmem>>, vector<1x16xi32>,
    %mul3A_26 = arith.constant 640 : i32
    %mul3A_27 = arith.muli %arg1, %mul3A_26 : i32
    %add3A_28 = arith.constant 0 : i32
    %add3A_29 = arith.addi %mul3A_27, %add3A_28 : i32
    %add3A_30 = arith.constant 32 : i32
    %add3A_31 = arith.addi %add3A_29, %add3A_30 : i32
    %iota3A_32 = tpu.iota {dimensions = array<i32: 0>} : vector<16xi32>
    %add3A_33 = vector.broadcast %add3A_31 : i32 to vector<16xi32>
    %add3A_34 = arith.addi %add3A_33, %iota3A_32 : vector<16xi32>
    %swap3A_35 = arith.constant 0 : i32
    %swap3A_36 = arith.index_cast %swap3A_35 : i32 to index
    %swap3A_37 = arith.constant 32 : index
    %swap3A_38 = tpu.vector_load %arg10[%swap3A_36, %swap3A_37] {strides = array<i32>} : memref<5x128xi32, #tpu.memory_space<vmem>>, vector<1x16xi32>,
    %swap3A_39 = vector.shape_cast %swap3A_38 : vector<1x16xi32> to vector<16xi32>
    %swap3A_40 = vector.shape_cast %add3A_34 : vector<16xi32> to vector<1x16xi32>
    tpu.vector_store %arg10[%swap3A_36, %swap3A_37], %swap3A_40 {strides = array<i32>} : memref<5x128xi32, #tpu.memory_space<vmem>>, vector<1x16xi32>,
    %mul3A_41 = arith.constant 640 : i32
    %mul3A_42 = arith.muli %arg1, %mul3A_41 : i32
    %add3A_43 = arith.constant 0 : i32
    %add3A_44 = arith.addi %mul3A_42, %add3A_43 : i32
    %add3A_45 = arith.constant 48 : i32
    %add3A_46 = arith.addi %add3A_44, %add3A_45 : i32
    %iota3A_47 = tpu.iota {dimensions = array<i32: 0>} : vector<16xi32>
    %add3A_48 = vector.broadcast %add3A_46 : i32 to vector<16xi32>
    %add3A_49 = arith.addi %add3A_48, %iota3A_47 : vector<16xi32>
    %swap3A_50 = arith.constant 0 : i32
    %swap3A_51 = arith.index_cast %swap3A_50 : i32 to index
    %swap3A_52 = arith.constant 48 : index
    %swap3A_53 = tpu.vector_load %arg10[%swap3A_51, %swap3A_52] {strides = array<i32>} : memref<5x128xi32, #tpu.memory_space<vmem>>, vector<1x16xi32>,
    %swap3A_54 = vector.shape_cast %swap3A_53 : vector<1x16xi32> to vector<16xi32>
    %swap3A_55 = vector.shape_cast %add3A_49 : vector<16xi32> to vector<1x16xi32>
    tpu.vector_store %arg10[%swap3A_51, %swap3A_52], %swap3A_55 {strides = array<i32>} : memref<5x128xi32, #tpu.memory_space<vmem>>, vector<1x16xi32>,
    %mul3A_56 = arith.constant 640 : i32
    %mul3A_57 = arith.muli %arg1, %mul3A_56 : i32
    %add3A_58 = arith.constant 0 : i32
    %add3A_59 = arith.addi %mul3A_57, %add3A_58 : i32
    %add3A_60 = arith.constant 64 : i32
    %add3A_61 = arith.addi %add3A_59, %add3A_60 : i32
    %iota3A_62 = tpu.iota {dimensions = array<i32: 0>} : vector<16xi32>
    %add3A_63 = vector.broadcast %add3A_61 : i32 to vector<16xi32>
    %add3A_64 = arith.addi %add3A_63, %iota3A_62 : vector<16xi32>
    %swap3A_65 = arith.constant 0 : i32
    %swap3A_66 = arith.index_cast %swap3A_65 : i32 to index
    %swap3A_67 = arith.constant 64 : index
    %swap3A_68 = tpu.vector_load %arg10[%swap3A_66, %swap3A_67] {strides = array<i32>} : memref<5x128xi32, #tpu.memory_space<vmem>>, vector<1x16xi32>,
    %swap3A_69 = vector.shape_cast %swap3A_68 : vector<1x16xi32> to vector<16xi32>
    %swap3A_70 = vector.shape_cast %add3A_64 : vector<16xi32> to vector<1x16xi32>
    tpu.vector_store %arg10[%swap3A_66, %swap3A_67], %swap3A_70 {strides = array<i32>} : memref<5x128xi32, #tpu.memory_space<vmem>>, vector<1x16xi32>,
    %mul3A_71 = arith.constant 640 : i32
    %mul3A_72 = arith.muli %arg1, %mul3A_71 : i32
    %add3A_73 = arith.constant 0 : i32
    %add3A_74 = arith.addi %mul3A_72, %add3A_73 : i32
    %add3A_75 = arith.constant 80 : i32
    %add3A_76 = arith.addi %add3A_74, %add3A_75 : i32
    %iota3A_77 = tpu.iota {dimensions = array<i32: 0>} : vector<16xi32>
    %add3A_78 = vector.broadcast %add3A_76 : i32 to vector<16xi32>
    %add3A_79 = arith.addi %add3A_78, %iota3A_77 : vector<16xi32>
    %swap3A_80 = arith.constant 0 : i32
    %swap3A_81 = arith.index_cast %swap3A_80 : i32 to index
    %swap3A_82 = arith.constant 80 : index
    %swap3A_83 = tpu.vector_load %arg10[%swap3A_81, %swap3A_82] {strides = array<i32>} : memref<5x128xi32, #tpu.memory_space<vmem>>, vector<1x16xi32>,
    %swap3A_84 = vector.shape_cast %swap3A_83 : vector<1x16xi32> to vector<16xi32>
    %swap3A_85 = vector.shape_cast %add3A_79 : vector<16xi32> to vector<1x16xi32>
    tpu.vector_store %arg10[%swap3A_81, %swap3A_82], %swap3A_85 {strides = array<i32>} : memref<5x128xi32, #tpu.memory_space<vmem>>, vector<1x16xi32>,
    %mul3A_86 = arith.constant 640 : i32
    %mul3A_87 = arith.muli %arg1, %mul3A_86 : i32
    %add3A_88 = arith.constant 0 : i32
    %add3A_89 = arith.addi %mul3A_87, %add3A_88 : i32
    %add3A_90 = arith.constant 96 : i32
    %add3A_91 = arith.addi %add3A_89, %add3A_90 : i32
    %iota3A_92 = tpu.iota {dimensions = array<i32: 0>} : vector<16xi32>
    %add3A_93 = vector.broadcast %add3A_91 : i32 to vector<16xi32>
    %add3A_94 = arith.addi %add3A_93, %iota3A_92 : vector<16xi32>
    %swap3A_95 = arith.constant 0 : i32
    %swap3A_96 = arith.index_cast %swap3A_95 : i32 to index
    %swap3A_97 = arith.constant 96 : index
    %swap3A_98 = tpu.vector_load %arg10[%swap3A_96, %swap3A_97] {strides = array<i32>} : memref<5x128xi32, #tpu.memory_space<vmem>>, vector<1x16xi32>,
    %swap3A_99 = vector.shape_cast %swap3A_98 : vector<1x16xi32> to vector<16xi32>
    %swap3A_100 = vector.shape_cast %add3A_94 : vector<16xi32> to vector<1x16xi32>
    tpu.vector_store %arg10[%swap3A_96, %swap3A_97], %swap3A_100 {strides = array<i32>} : memref<5x128xi32, #tpu.memory_space<vmem>>, vector<1x16xi32>,
    %mul3A_101 = arith.constant 640 : i32
    %mul3A_102 = arith.muli %arg1, %mul3A_101 : i32
    %add3A_103 = arith.constant 0 : i32
    %add3A_104 = arith.addi %mul3A_102, %add3A_103 : i32
    %add3A_105 = arith.constant 112 : i32
    %add3A_106 = arith.addi %add3A_104, %add3A_105 : i32
    %iota3A_107 = tpu.iota {dimensions = array<i32: 0>} : vector<16xi32>
    %add3A_108 = vector.broadcast %add3A_106 : i32 to vector<16xi32>
    %add3A_109 = arith.addi %add3A_108, %iota3A_107 : vector<16xi32>
    %swap3A_110 = arith.constant 0 : i32
    %swap3A_111 = arith.index_cast %swap3A_110 : i32 to index
    %swap3A_112 = arith.constant 112 : index
    %swap3A_113 = tpu.vector_load %arg10[%swap3A_111, %swap3A_112] {strides = array<i32>} : memref<5x128xi32, #tpu.memory_space<vmem>>, vector<1x16xi32>,
    %swap3A_114 = vector.shape_cast %swap3A_113 : vector<1x16xi32> to vector<16xi32>
    %swap3A_115 = vector.shape_cast %add3A_109 : vector<16xi32> to vector<1x16xi32>
    tpu.vector_store %arg10[%swap3A_111, %swap3A_112], %swap3A_115 {strides = array<i32>} : memref<5x128xi32, #tpu.memory_space<vmem>>, vector<1x16xi32>,
    %mul3A_116 = arith.constant 640 : i32
    %mul3A_117 = arith.muli %arg1, %mul3A_116 : i32
    %add3A_118 = arith.constant 128 : i32
    %add3A_119 = arith.addi %mul3A_117, %add3A_118 : i32
    %add3A_120 = arith.constant 0 : i32
    %add3A_121 = arith.addi %add3A_119, %add3A_120 : i32
    %iota3A_122 = tpu.iota {dimensions = array<i32: 0>} : vector<16xi32>
    %add3A_123 = vector.broadcast %add3A_121 : i32 to vector<16xi32>
    %add3A_124 = arith.addi %add3A_123, %iota3A_122 : vector<16xi32>
    %swap3A_125 = arith.constant 1 : i32
    %swap3A_126 = arith.index_cast %swap3A_125 : i32 to index
    %swap3A_127 = arith.constant 0 : index
    %swap3A_128 = tpu.vector_load %arg10[%swap3A_126, %swap3A_127] {strides = array<i32>} : memref<5x128xi32, #tpu.memory_space<vmem>>, vector<1x16xi32>,
    %swap3A_129 = vector.shape_cast %swap3A_128 : vector<1x16xi32> to vector<16xi32>
    %swap3A_130 = vector.shape_cast %add3A_124 : vector<16xi32> to vector<1x16xi32>
    tpu.vector_store %arg10[%swap3A_126, %swap3A_127], %swap3A_130 {strides = array<i32>} : memref<5x128xi32, #tpu.memory_space<vmem>>, vector<1x16xi32>,
    %mul3A_131 = arith.constant 640 : i32
    %mul3A_132 = arith.muli %arg1, %mul3A_131 : i32
    %add3A_133 = arith.constant 128 : i32
    %add3A_134 = arith.addi %mul3A_132, %add3A_133 : i32
    %add3A_135 = arith.constant 16 : i32
    %add3A_136 = arith.addi %add3A_134, %add3A_135 : i32
    %iota3A_137 = tpu.iota {dimensions = array<i32: 0>} : vector<16xi32>
    %add3A_138 = vector.broadcast %add3A_136 : i32 to vector<16xi32>
    %add3A_139 = arith.addi %add3A_138, %iota3A_137 : vector<16xi32>
    %swap3A_140 = arith.constant 1 : i32
    %swap3A_141 = arith.index_cast %swap3A_140 : i32 to index
    %swap3A_142 = arith.constant 16 : index
    %swap3A_143 = tpu.vector_load %arg10[%swap3A_141, %swap3A_142] {strides = array<i32>} : memref<5x128xi32, #tpu.memory_space<vmem>>, vector<1x16xi32>,
    %swap3A_144 = vector.shape_cast %swap3A_143 : vector<1x16xi32> to vector<16xi32>
    %swap3A_145 = vector.shape_cast %add3A_139 : vector<16xi32> to vector<1x16xi32>
    tpu.vector_store %arg10[%swap3A_141, %swap3A_142], %swap3A_145 {strides = array<i32>} : memref<5x128xi32, #tpu.memory_space<vmem>>, vector<1x16xi32>,
    %mul3A_146 = arith.constant 640 : i32
    %mul3A_147 = arith.muli %arg1, %mul3A_146 : i32
    %add3A_148 = arith.constant 128 : i32
    %add3A_149 = arith.addi %mul3A_147, %add3A_148 : i32
    %add3A_150 = arith.constant 32 : i32
    %add3A_151 = arith.addi %add3A_149, %add3A_150 : i32
    %iota3A_152 = tpu.iota {dimensions = array<i32: 0>} : vector<16xi32>
    %add3A_153 = vector.broadcast %add3A_151 : i32 to vector<16xi32>
    %add3A_154 = arith.addi %add3A_153, %iota3A_152 : vector<16xi32>
    %swap3A_155 = arith.constant 1 : i32
    %swap3A_156 = arith.index_cast %swap3A_155 : i32 to index
    %swap3A_157 = arith.constant 32 : index
    %swap3A_158 = tpu.vector_load %arg10[%swap3A_156, %swap3A_157] {strides = array<i32>} : memref<5x128xi32, #tpu.memory_space<vmem>>, vector<1x16xi32>,
    %swap3A_159 = vector.shape_cast %swap3A_158 : vector<1x16xi32> to vector<16xi32>
    %swap3A_160 = vector.shape_cast %add3A_154 : vector<16xi32> to vector<1x16xi32>
    tpu.vector_store %arg10[%swap3A_156, %swap3A_157], %swap3A_160 {strides = array<i32>} : memref<5x128xi32, #tpu.memory_space<vmem>>, vector<1x16xi32>,
    %mul3A_161 = arith.constant 640 : i32
    %mul3A_162 = arith.muli %arg1, %mul3A_161 : i32
    %add3A_163 = arith.constant 128 : i32
    %add3A_164 = arith.addi %mul3A_162, %add3A_163 : i32
    %add3A_165 = arith.constant 48 : i32
    %add3A_166 = arith.addi %add3A_164, %add3A_165 : i32
    %iota3A_167 = tpu.iota {dimensions = array<i32: 0>} : vector<16xi32>
    %add3A_168 = vector.broadcast %add3A_166 : i32 to vector<16xi32>
    %add3A_169 = arith.addi %add3A_168, %iota3A_167 : vector<16xi32>
    %swap3A_170 = arith.constant 1 : i32
    %swap3A_171 = arith.index_cast %swap3A_170 : i32 to index
    %swap3A_172 = arith.constant 48 : index
    %swap3A_173 = tpu.vector_load %arg10[%swap3A_171, %swap3A_172] {strides = array<i32>} : memref<5x128xi32, #tpu.memory_space<vmem>>, vector<1x16xi32>,
    %swap3A_174 = vector.shape_cast %swap3A_173 : vector<1x16xi32> to vector<16xi32>
    %swap3A_175 = vector.shape_cast %add3A_169 : vector<16xi32> to vector<1x16xi32>
    tpu.vector_store %arg10[%swap3A_171, %swap3A_172], %swap3A_175 {strides = array<i32>} : memref<5x128xi32, #tpu.memory_space<vmem>>, vector<1x16xi32>,
    %mul3A_176 = arith.constant 640 : i32
    %mul3A_177 = arith.muli %arg1, %mul3A_176 : i32
    %add3A_178 = arith.constant 128 : i32
    %add3A_179 = arith.addi %mul3A_177, %add3A_178 : i32
    %add3A_180 = arith.constant 64 : i32
    %add3A_181 = arith.addi %add3A_179, %add3A_180 : i32
    %iota3A_182 = tpu.iota {dimensions = array<i32: 0>} : vector<16xi32>
    %add3A_183 = vector.broadcast %add3A_181 : i32 to vector<16xi32>
    %add3A_184 = arith.addi %add3A_183, %iota3A_182 : vector<16xi32>
    %swap3A_185 = arith.constant 1 : i32
    %swap3A_186 = arith.index_cast %swap3A_185 : i32 to index
    %swap3A_187 = arith.constant 64 : index
    %swap3A_188 = tpu.vector_load %arg10[%swap3A_186, %swap3A_187] {strides = array<i32>} : memref<5x128xi32, #tpu.memory_space<vmem>>, vector<1x16xi32>,
    %swap3A_189 = vector.shape_cast %swap3A_188 : vector<1x16xi32> to vector<16xi32>
    %swap3A_190 = vector.shape_cast %add3A_184 : vector<16xi32> to vector<1x16xi32>
    tpu.vector_store %arg10[%swap3A_186, %swap3A_187], %swap3A_190 {strides = array<i32>} : memref<5x128xi32, #tpu.memory_space<vmem>>, vector<1x16xi32>,
    %mul3A_191 = arith.constant 640 : i32
    %mul3A_192 = arith.muli %arg1, %mul3A_191 : i32
    %add3A_193 = arith.constant 128 : i32
    %add3A_194 = arith.addi %mul3A_192, %add3A_193 : i32
    %add3A_195 = arith.constant 80 : i32
    %add3A_196 = arith.addi %add3A_194, %add3A_195 : i32
    %iota3A_197 = tpu.iota {dimensions = array<i32: 0>} : vector<16xi32>
    %add3A_198 = vector.broadcast %add3A_196 : i32 to vector<16xi32>
    %add3A_199 = arith.addi %add3A_198, %iota3A_197 : vector<16xi32>
    %swap3A_200 = arith.constant 1 : i32
    %swap3A_201 = arith.index_cast %swap3A_200 : i32 to index
    %swap3A_202 = arith.constant 80 : index
    %swap3A_203 = tpu.vector_load %arg10[%swap3A_201, %swap3A_202] {strides = array<i32>} : memref<5x128xi32, #tpu.memory_space<vmem>>, vector<1x16xi32>,
    %swap3A_204 = vector.shape_cast %swap3A_203 : vector<1x16xi32> to vector<16xi32>
    %swap3A_205 = vector.shape_cast %add3A_199 : vector<16xi32> to vector<1x16xi32>
    tpu.vector_store %arg10[%swap3A_201, %swap3A_202], %swap3A_205 {strides = array<i32>} : memref<5x128xi32, #tpu.memory_space<vmem>>, vector<1x16xi32>,
    %mul3A_206 = arith.constant 640 : i32
    %mul3A_207 = arith.muli %arg1, %mul3A_206 : i32
    %add3A_208 = arith.constant 128 : i32
    %add3A_209 = arith.addi %mul3A_207, %add3A_208 : i32
    %add3A_210 = arith.constant 96 : i32
    %add3A_211 = arith.addi %add3A_209, %add3A_210 : i32
    %iota3A_212 = tpu.iota {dimensions = array<i32: 0>} : vector<16xi32>
    %add3A_213 = vector.broadcast %add3A_211 : i32 to vector<16xi32>
    %add3A_214 = arith.addi %add3A_213, %iota3A_212 : vector<16xi32>
    %swap3A_215 = arith.constant 1 : i32
    %swap3A_216 = arith.index_cast %swap3A_215 : i32 to index
    %swap3A_217 = arith.constant 96 : index
    %swap3A_218 = tpu.vector_load %arg10[%swap3A_216, %swap3A_217] {strides = array<i32>} : memref<5x128xi32, #tpu.memory_space<vmem>>, vector<1x16xi32>,
    %swap3A_219 = vector.shape_cast %swap3A_218 : vector<1x16xi32> to vector<16xi32>
    %swap3A_220 = vector.shape_cast %add3A_214 : vector<16xi32> to vector<1x16xi32>
    tpu.vector_store %arg10[%swap3A_216, %swap3A_217], %swap3A_220 {strides = array<i32>} : memref<5x128xi32, #tpu.memory_space<vmem>>, vector<1x16xi32>,
    %mul3A_221 = arith.constant 640 : i32
    %mul3A_222 = arith.muli %arg1, %mul3A_221 : i32
    %add3A_223 = arith.constant 128 : i32
    %add3A_224 = arith.addi %mul3A_222, %add3A_223 : i32
    %add3A_225 = arith.constant 112 : i32
    %add3A_226 = arith.addi %add3A_224, %add3A_225 : i32
    %iota3A_227 = tpu.iota {dimensions = array<i32: 0>} : vector<16xi32>
    %add3A_228 = vector.broadcast %add3A_226 : i32 to vector<16xi32>
    %add3A_229 = arith.addi %add3A_228, %iota3A_227 : vector<16xi32>
    %swap3A_230 = arith.constant 1 : i32
    %swap3A_231 = arith.index_cast %swap3A_230 : i32 to index
    %swap3A_232 = arith.constant 112 : index
    %swap3A_233 = tpu.vector_load %arg10[%swap3A_231, %swap3A_232] {strides = array<i32>} : memref<5x128xi32, #tpu.memory_space<vmem>>, vector<1x16xi32>,
    %swap3A_234 = vector.shape_cast %swap3A_233 : vector<1x16xi32> to vector<16xi32>
    %swap3A_235 = vector.shape_cast %add3A_229 : vector<16xi32> to vector<1x16xi32>
    tpu.vector_store %arg10[%swap3A_231, %swap3A_232], %swap3A_235 {strides = array<i32>} : memref<5x128xi32, #tpu.memory_space<vmem>>, vector<1x16xi32>,
    %mul3A_236 = arith.constant 640 : i32
    %mul3A_237 = arith.muli %arg1, %mul3A_236 : i32
    %add3A_238 = arith.constant 256 : i32
    %add3A_239 = arith.addi %mul3A_237, %add3A_238 : i32
    %add3A_240 = arith.constant 0 : i32
    %add3A_241 = arith.addi %add3A_239, %add3A_240 : i32
    %iota3A_242 = tpu.iota {dimensions = array<i32: 0>} : vector<16xi32>
    %add3A_243 = vector.broadcast %add3A_241 : i32 to vector<16xi32>
    %add3A_244 = arith.addi %add3A_243, %iota3A_242 : vector<16xi32>
    %swap3A_245 = arith.constant 2 : i32
    %swap3A_246 = arith.index_cast %swap3A_245 : i32 to index
    %swap3A_247 = arith.constant 0 : index
    %swap3A_248 = tpu.vector_load %arg10[%swap3A_246, %swap3A_247] {strides = array<i32>} : memref<5x128xi32, #tpu.memory_space<vmem>>, vector<1x16xi32>,
    %swap3A_249 = vector.shape_cast %swap3A_248 : vector<1x16xi32> to vector<16xi32>
    %swap3A_250 = vector.shape_cast %add3A_244 : vector<16xi32> to vector<1x16xi32>
    tpu.vector_store %arg10[%swap3A_246, %swap3A_247], %swap3A_250 {strides = array<i32>} : memref<5x128xi32, #tpu.memory_space<vmem>>, vector<1x16xi32>,
    %mul3A_251 = arith.constant 640 : i32
    %mul3A_252 = arith.muli %arg1, %mul3A_251 : i32
    %add3A_253 = arith.constant 256 : i32
    %add3A_254 = arith.addi %mul3A_252, %add3A_253 : i32
    %add3A_255 = arith.constant 16 : i32
    %add3A_256 = arith.addi %add3A_254, %add3A_255 : i32
    %iota3A_257 = tpu.iota {dimensions = array<i32: 0>} : vector<16xi32>
    %add3A_258 = vector.broadcast %add3A_256 : i32 to vector<16xi32>
    %add3A_259 = arith.addi %add3A_258, %iota3A_257 : vector<16xi32>
    %swap3A_260 = arith.constant 2 : i32
    %swap3A_261 = arith.index_cast %swap3A_260 : i32 to index
    %swap3A_262 = arith.constant 16 : index
    %swap3A_263 = tpu.vector_load %arg10[%swap3A_261, %swap3A_262] {strides = array<i32>} : memref<5x128xi32, #tpu.memory_space<vmem>>, vector<1x16xi32>,
    %swap3A_264 = vector.shape_cast %swap3A_263 : vector<1x16xi32> to vector<16xi32>
    %swap3A_265 = vector.shape_cast %add3A_259 : vector<16xi32> to vector<1x16xi32>
    tpu.vector_store %arg10[%swap3A_261, %swap3A_262], %swap3A_265 {strides = array<i32>} : memref<5x128xi32, #tpu.memory_space<vmem>>, vector<1x16xi32>,
    %mul3A_266 = arith.constant 640 : i32
    %mul3A_267 = arith.muli %arg1, %mul3A_266 : i32
    %add3A_268 = arith.constant 256 : i32
    %add3A_269 = arith.addi %mul3A_267, %add3A_268 : i32
    %add3A_270 = arith.constant 32 : i32
    %add3A_271 = arith.addi %add3A_269, %add3A_270 : i32
    %iota3A_272 = tpu.iota {dimensions = array<i32: 0>} : vector<16xi32>
    %add3A_273 = vector.broadcast %add3A_271 : i32 to vector<16xi32>
    %add3A_274 = arith.addi %add3A_273, %iota3A_272 : vector<16xi32>
    %swap3A_275 = arith.constant 2 : i32
    %swap3A_276 = arith.index_cast %swap3A_275 : i32 to index
    %swap3A_277 = arith.constant 32 : index
    %swap3A_278 = tpu.vector_load %arg10[%swap3A_276, %swap3A_277] {strides = array<i32>} : memref<5x128xi32, #tpu.memory_space<vmem>>, vector<1x16xi32>,
    %swap3A_279 = vector.shape_cast %swap3A_278 : vector<1x16xi32> to vector<16xi32>
    %swap3A_280 = vector.shape_cast %add3A_274 : vector<16xi32> to vector<1x16xi32>
    tpu.vector_store %arg10[%swap3A_276, %swap3A_277], %swap3A_280 {strides = array<i32>} : memref<5x128xi32, #tpu.memory_space<vmem>>, vector<1x16xi32>,
    %mul3A_281 = arith.constant 640 : i32
    %mul3A_282 = arith.muli %arg1, %mul3A_281 : i32
    %add3A_283 = arith.constant 256 : i32
    %add3A_284 = arith.addi %mul3A_282, %add3A_283 : i32
    %add3A_285 = arith.constant 48 : i32
    %add3A_286 = arith.addi %add3A_284, %add3A_285 : i32
    %iota3A_287 = tpu.iota {dimensions = array<i32: 0>} : vector<16xi32>
    %add3A_288 = vector.broadcast %add3A_286 : i32 to vector<16xi32>
    %add3A_289 = arith.addi %add3A_288, %iota3A_287 : vector<16xi32>
    %swap3A_290 = arith.constant 2 : i32
    %swap3A_291 = arith.index_cast %swap3A_290 : i32 to index
    %swap3A_292 = arith.constant 48 : index
    %swap3A_293 = tpu.vector_load %arg10[%swap3A_291, %swap3A_292] {strides = array<i32>} : memref<5x128xi32, #tpu.memory_space<vmem>>, vector<1x16xi32>,
    %swap3A_294 = vector.shape_cast %swap3A_293 : vector<1x16xi32> to vector<16xi32>
    %swap3A_295 = vector.shape_cast %add3A_289 : vector<16xi32> to vector<1x16xi32>
    tpu.vector_store %arg10[%swap3A_291, %swap3A_292], %swap3A_295 {strides = array<i32>} : memref<5x128xi32, #tpu.memory_space<vmem>>, vector<1x16xi32>,
    %mul3A_296 = arith.constant 640 : i32
    %mul3A_297 = arith.muli %arg1, %mul3A_296 : i32
    %add3A_298 = arith.constant 256 : i32
    %add3A_299 = arith.addi %mul3A_297, %add3A_298 : i32
    %add3A_300 = arith.constant 64 : i32
    %add3A_301 = arith.addi %add3A_299, %add3A_300 : i32
    %iota3A_302 = tpu.iota {dimensions = array<i32: 0>} : vector<16xi32>
    %add3A_303 = vector.broadcast %add3A_301 : i32 to vector<16xi32>
    %add3A_304 = arith.addi %add3A_303, %iota3A_302 : vector<16xi32>
    %swap3A_305 = arith.constant 2 : i32
    %swap3A_306 = arith.index_cast %swap3A_305 : i32 to index
    %swap3A_307 = arith.constant 64 : index
    %swap3A_308 = tpu.vector_load %arg10[%swap3A_306, %swap3A_307] {strides = array<i32>} : memref<5x128xi32, #tpu.memory_space<vmem>>, vector<1x16xi32>,
    %swap3A_309 = vector.shape_cast %swap3A_308 : vector<1x16xi32> to vector<16xi32>
    %swap3A_310 = vector.shape_cast %add3A_304 : vector<16xi32> to vector<1x16xi32>
    tpu.vector_store %arg10[%swap3A_306, %swap3A_307], %swap3A_310 {strides = array<i32>} : memref<5x128xi32, #tpu.memory_space<vmem>>, vector<1x16xi32>,
    %mul3A_311 = arith.constant 640 : i32
    %mul3A_312 = arith.muli %arg1, %mul3A_311 : i32
    %add3A_313 = arith.constant 256 : i32
    %add3A_314 = arith.addi %mul3A_312, %add3A_313 : i32
    %add3A_315 = arith.constant 80 : i32
    %add3A_316 = arith.addi %add3A_314, %add3A_315 : i32
    %iota3A_317 = tpu.iota {dimensions = array<i32: 0>} : vector<16xi32>
    %add3A_318 = vector.broadcast %add3A_316 : i32 to vector<16xi32>
    %add3A_319 = arith.addi %add3A_318, %iota3A_317 : vector<16xi32>
    %swap3A_320 = arith.constant 2 : i32
    %swap3A_321 = arith.index_cast %swap3A_320 : i32 to index
    %swap3A_322 = arith.constant 80 : index
    %swap3A_323 = tpu.vector_load %arg10[%swap3A_321, %swap3A_322] {strides = array<i32>} : memref<5x128xi32, #tpu.memory_space<vmem>>, vector<1x16xi32>,
    %swap3A_324 = vector.shape_cast %swap3A_323 : vector<1x16xi32> to vector<16xi32>
    %swap3A_325 = vector.shape_cast %add3A_319 : vector<16xi32> to vector<1x16xi32>
    tpu.vector_store %arg10[%swap3A_321, %swap3A_322], %swap3A_325 {strides = array<i32>} : memref<5x128xi32, #tpu.memory_space<vmem>>, vector<1x16xi32>,
    %mul3A_326 = arith.constant 640 : i32
    %mul3A_327 = arith.muli %arg1, %mul3A_326 : i32
    %add3A_328 = arith.constant 256 : i32
    %add3A_329 = arith.addi %mul3A_327, %add3A_328 : i32
    %add3A_330 = arith.constant 96 : i32
    %add3A_331 = arith.addi %add3A_329, %add3A_330 : i32
    %iota3A_332 = tpu.iota {dimensions = array<i32: 0>} : vector<16xi32>
    %add3A_333 = vector.broadcast %add3A_331 : i32 to vector<16xi32>
    %add3A_334 = arith.addi %add3A_333, %iota3A_332 : vector<16xi32>
    %swap3A_335 = arith.constant 2 : i32
    %swap3A_336 = arith.index_cast %swap3A_335 : i32 to index
    %swap3A_337 = arith.constant 96 : index
    %swap3A_338 = tpu.vector_load %arg10[%swap3A_336, %swap3A_337] {strides = array<i32>} : memref<5x128xi32, #tpu.memory_space<vmem>>, vector<1x16xi32>,
    %swap3A_339 = vector.shape_cast %swap3A_338 : vector<1x16xi32> to vector<16xi32>
    %swap3A_340 = vector.shape_cast %add3A_334 : vector<16xi32> to vector<1x16xi32>
    tpu.vector_store %arg10[%swap3A_336, %swap3A_337], %swap3A_340 {strides = array<i32>} : memref<5x128xi32, #tpu.memory_space<vmem>>, vector<1x16xi32>,
    %mul3A_341 = arith.constant 640 : i32
    %mul3A_342 = arith.muli %arg1, %mul3A_341 : i32
    %add3A_343 = arith.constant 256 : i32
    %add3A_344 = arith.addi %mul3A_342, %add3A_343 : i32
    %add3A_345 = arith.constant 112 : i32
    %add3A_346 = arith.addi %add3A_344, %add3A_345 : i32
    %iota3A_347 = tpu.iota {dimensions = array<i32: 0>} : vector<16xi32>
    %add3A_348 = vector.broadcast %add3A_346 : i32 to vector<16xi32>
    %add3A_349 = arith.addi %add3A_348, %iota3A_347 : vector<16xi32>
    %swap3A_350 = arith.constant 2 : i32
    %swap3A_351 = arith.index_cast %swap3A_350 : i32 to index
    %swap3A_352 = arith.constant 112 : index
    %swap3A_353 = tpu.vector_load %arg10[%swap3A_351, %swap3A_352] {strides = array<i32>} : memref<5x128xi32, #tpu.memory_space<vmem>>, vector<1x16xi32>,
    %swap3A_354 = vector.shape_cast %swap3A_353 : vector<1x16xi32> to vector<16xi32>
    %swap3A_355 = vector.shape_cast %add3A_349 : vector<16xi32> to vector<1x16xi32>
    tpu.vector_store %arg10[%swap3A_351, %swap3A_352], %swap3A_355 {strides = array<i32>} : memref<5x128xi32, #tpu.memory_space<vmem>>, vector<1x16xi32>,
    %mul3A_356 = arith.constant 640 : i32
    %mul3A_357 = arith.muli %arg1, %mul3A_356 : i32
    %add3A_358 = arith.constant 384 : i32
    %add3A_359 = arith.addi %mul3A_357, %add3A_358 : i32
    %add3A_360 = arith.constant 0 : i32
    %add3A_361 = arith.addi %add3A_359, %add3A_360 : i32
    %iota3A_362 = tpu.iota {dimensions = array<i32: 0>} : vector<16xi32>
    %add3A_363 = vector.broadcast %add3A_361 : i32 to vector<16xi32>
    %add3A_364 = arith.addi %add3A_363, %iota3A_362 : vector<16xi32>
    %swap3A_365 = arith.constant 3 : i32
    %swap3A_366 = arith.index_cast %swap3A_365 : i32 to index
    %swap3A_367 = arith.constant 0 : index
    %swap3A_368 = tpu.vector_load %arg10[%swap3A_366, %swap3A_367] {strides = array<i32>} : memref<5x128xi32, #tpu.memory_space<vmem>>, vector<1x16xi32>,
    %swap3A_369 = vector.shape_cast %swap3A_368 : vector<1x16xi32> to vector<16xi32>
    %swap3A_370 = vector.shape_cast %add3A_364 : vector<16xi32> to vector<1x16xi32>
    tpu.vector_store %arg10[%swap3A_366, %swap3A_367], %swap3A_370 {strides = array<i32>} : memref<5x128xi32, #tpu.memory_space<vmem>>, vector<1x16xi32>,
    %mul3A_371 = arith.constant 640 : i32
    %mul3A_372 = arith.muli %arg1, %mul3A_371 : i32
    %add3A_373 = arith.constant 384 : i32
    %add3A_374 = arith.addi %mul3A_372, %add3A_373 : i32
    %add3A_375 = arith.constant 16 : i32
    %add3A_376 = arith.addi %add3A_374, %add3A_375 : i32
    %iota3A_377 = tpu.iota {dimensions = array<i32: 0>} : vector<16xi32>
    %add3A_378 = vector.broadcast %add3A_376 : i32 to vector<16xi32>
    %add3A_379 = arith.addi %add3A_378, %iota3A_377 : vector<16xi32>
    %swap3A_380 = arith.constant 3 : i32
    %swap3A_381 = arith.index_cast %swap3A_380 : i32 to index
    %swap3A_382 = arith.constant 16 : index
    %swap3A_383 = tpu.vector_load %arg10[%swap3A_381, %swap3A_382] {strides = array<i32>} : memref<5x128xi32, #tpu.memory_space<vmem>>, vector<1x16xi32>,
    %swap3A_384 = vector.shape_cast %swap3A_383 : vector<1x16xi32> to vector<16xi32>
    %swap3A_385 = vector.shape_cast %add3A_379 : vector<16xi32> to vector<1x16xi32>
    tpu.vector_store %arg10[%swap3A_381, %swap3A_382], %swap3A_385 {strides = array<i32>} : memref<5x128xi32, #tpu.memory_space<vmem>>, vector<1x16xi32>,
    %mul3A_386 = arith.constant 640 : i32
    %mul3A_387 = arith.muli %arg1, %mul3A_386 : i32
    %add3A_388 = arith.constant 384 : i32
    %add3A_389 = arith.addi %mul3A_387, %add3A_388 : i32
    %add3A_390 = arith.constant 32 : i32
    %add3A_391 = arith.addi %add3A_389, %add3A_390 : i32
    %iota3A_392 = tpu.iota {dimensions = array<i32: 0>} : vector<16xi32>
    %add3A_393 = vector.broadcast %add3A_391 : i32 to vector<16xi32>
    %add3A_394 = arith.addi %add3A_393, %iota3A_392 : vector<16xi32>
    %swap3A_395 = arith.constant 3 : i32
    %swap3A_396 = arith.index_cast %swap3A_395 : i32 to index
    %swap3A_397 = arith.constant 32 : index
    %swap3A_398 = tpu.vector_load %arg10[%swap3A_396, %swap3A_397] {strides = array<i32>} : memref<5x128xi32, #tpu.memory_space<vmem>>, vector<1x16xi32>,
    %swap3A_399 = vector.shape_cast %swap3A_398 : vector<1x16xi32> to vector<16xi32>
    %swap3A_400 = vector.shape_cast %add3A_394 : vector<16xi32> to vector<1x16xi32>
    tpu.vector_store %arg10[%swap3A_396, %swap3A_397], %swap3A_400 {strides = array<i32>} : memref<5x128xi32, #tpu.memory_space<vmem>>, vector<1x16xi32>,
    %mul3A_401 = arith.constant 640 : i32
    %mul3A_402 = arith.muli %arg1, %mul3A_401 : i32
    %add3A_403 = arith.constant 384 : i32
    %add3A_404 = arith.addi %mul3A_402, %add3A_403 : i32
    %add3A_405 = arith.constant 48 : i32
    %add3A_406 = arith.addi %add3A_404, %add3A_405 : i32
    %iota3A_407 = tpu.iota {dimensions = array<i32: 0>} : vector<16xi32>
    %add3A_408 = vector.broadcast %add3A_406 : i32 to vector<16xi32>
    %add3A_409 = arith.addi %add3A_408, %iota3A_407 : vector<16xi32>
    %swap3A_410 = arith.constant 3 : i32
    %swap3A_411 = arith.index_cast %swap3A_410 : i32 to index
    %swap3A_412 = arith.constant 48 : index
    %swap3A_413 = tpu.vector_load %arg10[%swap3A_411, %swap3A_412] {strides = array<i32>} : memref<5x128xi32, #tpu.memory_space<vmem>>, vector<1x16xi32>,
    %swap3A_414 = vector.shape_cast %swap3A_413 : vector<1x16xi32> to vector<16xi32>
    %swap3A_415 = vector.shape_cast %add3A_409 : vector<16xi32> to vector<1x16xi32>
    tpu.vector_store %arg10[%swap3A_411, %swap3A_412], %swap3A_415 {strides = array<i32>} : memref<5x128xi32, #tpu.memory_space<vmem>>, vector<1x16xi32>,
    %mul3A_416 = arith.constant 640 : i32
    %mul3A_417 = arith.muli %arg1, %mul3A_416 : i32
    %add3A_418 = arith.constant 384 : i32
    %add3A_419 = arith.addi %mul3A_417, %add3A_418 : i32
    %add3A_420 = arith.constant 64 : i32
    %add3A_421 = arith.addi %add3A_419, %add3A_420 : i32
    %iota3A_422 = tpu.iota {dimensions = array<i32: 0>} : vector<16xi32>
    %add3A_423 = vector.broadcast %add3A_421 : i32 to vector<16xi32>
    %add3A_424 = arith.addi %add3A_423, %iota3A_422 : vector<16xi32>
    %swap3A_425 = arith.constant 3 : i32
    %swap3A_426 = arith.index_cast %swap3A_425 : i32 to index
    %swap3A_427 = arith.constant 64 : index
    %swap3A_428 = tpu.vector_load %arg10[%swap3A_426, %swap3A_427] {strides = array<i32>} : memref<5x128xi32, #tpu.memory_space<vmem>>, vector<1x16xi32>,
    %swap3A_429 = vector.shape_cast %swap3A_428 : vector<1x16xi32> to vector<16xi32>
    %swap3A_430 = vector.shape_cast %add3A_424 : vector<16xi32> to vector<1x16xi32>
    tpu.vector_store %arg10[%swap3A_426, %swap3A_427], %swap3A_430 {strides = array<i32>} : memref<5x128xi32, #tpu.memory_space<vmem>>, vector<1x16xi32>,
    %mul3A_431 = arith.constant 640 : i32
    %mul3A_432 = arith.muli %arg1, %mul3A_431 : i32
    %add3A_433 = arith.constant 384 : i32
    %add3A_434 = arith.addi %mul3A_432, %add3A_433 : i32
    %add3A_435 = arith.constant 80 : i32
    %add3A_436 = arith.addi %add3A_434, %add3A_435 : i32
    %iota3A_437 = tpu.iota {dimensions = array<i32: 0>} : vector<16xi32>
    %add3A_438 = vector.broadcast %add3A_436 : i32 to vector<16xi32>
    %add3A_439 = arith.addi %add3A_438, %iota3A_437 : vector<16xi32>
    %swap3A_440 = arith.constant 3 : i32
    %swap3A_441 = arith.index_cast %swap3A_440 : i32 to index
    %swap3A_442 = arith.constant 80 : index
    %swap3A_443 = tpu.vector_load %arg10[%swap3A_441, %swap3A_442] {strides = array<i32>} : memref<5x128xi32, #tpu.memory_space<vmem>>, vector<1x16xi32>,
    %swap3A_444 = vector.shape_cast %swap3A_443 : vector<1x16xi32> to vector<16xi32>
    %swap3A_445 = vector.shape_cast %add3A_439 : vector<16xi32> to vector<1x16xi32>
    tpu.vector_store %arg10[%swap3A_441, %swap3A_442], %swap3A_445 {strides = array<i32>} : memref<5x128xi32, #tpu.memory_space<vmem>>, vector<1x16xi32>,
    %mul3A_446 = arith.constant 640 : i32
    %mul3A_447 = arith.muli %arg1, %mul3A_446 : i32
    %add3A_448 = arith.constant 384 : i32
    %add3A_449 = arith.addi %mul3A_447, %add3A_448 : i32
    %add3A_450 = arith.constant 96 : i32
    %add3A_451 = arith.addi %add3A_449, %add3A_450 : i32
    %iota3A_452 = tpu.iota {dimensions = array<i32: 0>} : vector<16xi32>
    %add3A_453 = vector.broadcast %add3A_451 : i32 to vector<16xi32>
    %add3A_454 = arith.addi %add3A_453, %iota3A_452 : vector<16xi32>
    %swap3A_455 = arith.constant 3 : i32
    %swap3A_456 = arith.index_cast %swap3A_455 : i32 to index
    %swap3A_457 = arith.constant 96 : index
    %swap3A_458 = tpu.vector_load %arg10[%swap3A_456, %swap3A_457] {strides = array<i32>} : memref<5x128xi32, #tpu.memory_space<vmem>>, vector<1x16xi32>,
    %swap3A_459 = vector.shape_cast %swap3A_458 : vector<1x16xi32> to vector<16xi32>
    %swap3A_460 = vector.shape_cast %add3A_454 : vector<16xi32> to vector<1x16xi32>
    tpu.vector_store %arg10[%swap3A_456, %swap3A_457], %swap3A_460 {strides = array<i32>} : memref<5x128xi32, #tpu.memory_space<vmem>>, vector<1x16xi32>,
    %mul3A_461 = arith.constant 640 : i32
    %mul3A_462 = arith.muli %arg1, %mul3A_461 : i32
    %add3A_463 = arith.constant 384 : i32
    %add3A_464 = arith.addi %mul3A_462, %add3A_463 : i32
    %add3A_465 = arith.constant 112 : i32
    %add3A_466 = arith.addi %add3A_464, %add3A_465 : i32
    %iota3A_467 = tpu.iota {dimensions = array<i32: 0>} : vector<16xi32>
    %add3A_468 = vector.broadcast %add3A_466 : i32 to vector<16xi32>
    %add3A_469 = arith.addi %add3A_468, %iota3A_467 : vector<16xi32>
    %swap3A_470 = arith.constant 3 : i32
    %swap3A_471 = arith.index_cast %swap3A_470 : i32 to index
    %swap3A_472 = arith.constant 112 : index
    %swap3A_473 = tpu.vector_load %arg10[%swap3A_471, %swap3A_472] {strides = array<i32>} : memref<5x128xi32, #tpu.memory_space<vmem>>, vector<1x16xi32>,
    %swap3A_474 = vector.shape_cast %swap3A_473 : vector<1x16xi32> to vector<16xi32>
    %swap3A_475 = vector.shape_cast %add3A_469 : vector<16xi32> to vector<1x16xi32>
    tpu.vector_store %arg10[%swap3A_471, %swap3A_472], %swap3A_475 {strides = array<i32>} : memref<5x128xi32, #tpu.memory_space<vmem>>, vector<1x16xi32>,
    %mul3A_476 = arith.constant 640 : i32
    %mul3A_477 = arith.muli %arg1, %mul3A_476 : i32
    %add3A_478 = arith.constant 512 : i32
    %add3A_479 = arith.addi %mul3A_477, %add3A_478 : i32
    %add3A_480 = arith.constant 0 : i32
    %add3A_481 = arith.addi %add3A_479, %add3A_480 : i32
    %iota3A_482 = tpu.iota {dimensions = array<i32: 0>} : vector<16xi32>
    %add3A_483 = vector.broadcast %add3A_481 : i32 to vector<16xi32>
    %add3A_484 = arith.addi %add3A_483, %iota3A_482 : vector<16xi32>
    %swap3A_485 = arith.constant 4 : i32
    %swap3A_486 = arith.index_cast %swap3A_485 : i32 to index
    %swap3A_487 = arith.constant 0 : index
    %swap3A_488 = tpu.vector_load %arg10[%swap3A_486, %swap3A_487] {strides = array<i32>} : memref<5x128xi32, #tpu.memory_space<vmem>>, vector<1x16xi32>,
    %swap3A_489 = vector.shape_cast %swap3A_488 : vector<1x16xi32> to vector<16xi32>
    %swap3A_490 = vector.shape_cast %add3A_484 : vector<16xi32> to vector<1x16xi32>
    tpu.vector_store %arg10[%swap3A_486, %swap3A_487], %swap3A_490 {strides = array<i32>} : memref<5x128xi32, #tpu.memory_space<vmem>>, vector<1x16xi32>,
    %mul3A_491 = arith.constant 640 : i32
    %mul3A_492 = arith.muli %arg1, %mul3A_491 : i32
    %add3A_493 = arith.constant 512 : i32
    %add3A_494 = arith.addi %mul3A_492, %add3A_493 : i32
    %add3A_495 = arith.constant 16 : i32
    %add3A_496 = arith.addi %add3A_494, %add3A_495 : i32
    %iota3A_497 = tpu.iota {dimensions = array<i32: 0>} : vector<16xi32>
    %add3A_498 = vector.broadcast %add3A_496 : i32 to vector<16xi32>
    %add3A_499 = arith.addi %add3A_498, %iota3A_497 : vector<16xi32>
    %swap3A_500 = arith.constant 4 : i32
    %swap3A_501 = arith.index_cast %swap3A_500 : i32 to index
    %swap3A_502 = arith.constant 16 : index
    %swap3A_503 = tpu.vector_load %arg10[%swap3A_501, %swap3A_502] {strides = array<i32>} : memref<5x128xi32, #tpu.memory_space<vmem>>, vector<1x16xi32>,
    %swap3A_504 = vector.shape_cast %swap3A_503 : vector<1x16xi32> to vector<16xi32>
    %swap3A_505 = vector.shape_cast %add3A_499 : vector<16xi32> to vector<1x16xi32>
    tpu.vector_store %arg10[%swap3A_501, %swap3A_502], %swap3A_505 {strides = array<i32>} : memref<5x128xi32, #tpu.memory_space<vmem>>, vector<1x16xi32>,
    %mul3A_506 = arith.constant 640 : i32
    %mul3A_507 = arith.muli %arg1, %mul3A_506 : i32
    %add3A_508 = arith.constant 512 : i32
    %add3A_509 = arith.addi %mul3A_507, %add3A_508 : i32
    %add3A_510 = arith.constant 32 : i32
    %add3A_511 = arith.addi %add3A_509, %add3A_510 : i32
    %iota3A_512 = tpu.iota {dimensions = array<i32: 0>} : vector<16xi32>
    %add3A_513 = vector.broadcast %add3A_511 : i32 to vector<16xi32>
    %add3A_514 = arith.addi %add3A_513, %iota3A_512 : vector<16xi32>
    %swap3A_515 = arith.constant 4 : i32
    %swap3A_516 = arith.index_cast %swap3A_515 : i32 to index
    %swap3A_517 = arith.constant 32 : index
    %swap3A_518 = tpu.vector_load %arg10[%swap3A_516, %swap3A_517] {strides = array<i32>} : memref<5x128xi32, #tpu.memory_space<vmem>>, vector<1x16xi32>,
    %swap3A_519 = vector.shape_cast %swap3A_518 : vector<1x16xi32> to vector<16xi32>
    %swap3A_520 = vector.shape_cast %add3A_514 : vector<16xi32> to vector<1x16xi32>
    tpu.vector_store %arg10[%swap3A_516, %swap3A_517], %swap3A_520 {strides = array<i32>} : memref<5x128xi32, #tpu.memory_space<vmem>>, vector<1x16xi32>,
    %mul3A_521 = arith.constant 640 : i32
    %mul3A_522 = arith.muli %arg1, %mul3A_521 : i32
    %add3A_523 = arith.constant 512 : i32
    %add3A_524 = arith.addi %mul3A_522, %add3A_523 : i32
    %add3A_525 = arith.constant 48 : i32
    %add3A_526 = arith.addi %add3A_524, %add3A_525 : i32
    %iota3A_527 = tpu.iota {dimensions = array<i32: 0>} : vector<16xi32>
    %add3A_528 = vector.broadcast %add3A_526 : i32 to vector<16xi32>
    %add3A_529 = arith.addi %add3A_528, %iota3A_527 : vector<16xi32>
    %swap3A_530 = arith.constant 4 : i32
    %swap3A_531 = arith.index_cast %swap3A_530 : i32 to index
    %swap3A_532 = arith.constant 48 : index
    %swap3A_533 = tpu.vector_load %arg10[%swap3A_531, %swap3A_532] {strides = array<i32>} : memref<5x128xi32, #tpu.memory_space<vmem>>, vector<1x16xi32>,
    %swap3A_534 = vector.shape_cast %swap3A_533 : vector<1x16xi32> to vector<16xi32>
    %swap3A_535 = vector.shape_cast %add3A_529 : vector<16xi32> to vector<1x16xi32>
    tpu.vector_store %arg10[%swap3A_531, %swap3A_532], %swap3A_535 {strides = array<i32>} : memref<5x128xi32, #tpu.memory_space<vmem>>, vector<1x16xi32>,
    %mul3A_536 = arith.constant 640 : i32
    %mul3A_537 = arith.muli %arg1, %mul3A_536 : i32
    %add3A_538 = arith.constant 512 : i32
    %add3A_539 = arith.addi %mul3A_537, %add3A_538 : i32
    %add3A_540 = arith.constant 64 : i32
    %add3A_541 = arith.addi %add3A_539, %add3A_540 : i32
    %iota3A_542 = tpu.iota {dimensions = array<i32: 0>} : vector<16xi32>
    %add3A_543 = vector.broadcast %add3A_541 : i32 to vector<16xi32>
    %add3A_544 = arith.addi %add3A_543, %iota3A_542 : vector<16xi32>
    %swap3A_545 = arith.constant 4 : i32
    %swap3A_546 = arith.index_cast %swap3A_545 : i32 to index
    %swap3A_547 = arith.constant 64 : index
    %swap3A_548 = tpu.vector_load %arg10[%swap3A_546, %swap3A_547] {strides = array<i32>} : memref<5x128xi32, #tpu.memory_space<vmem>>, vector<1x16xi32>,
    %swap3A_549 = vector.shape_cast %swap3A_548 : vector<1x16xi32> to vector<16xi32>
    %swap3A_550 = vector.shape_cast %add3A_544 : vector<16xi32> to vector<1x16xi32>
    tpu.vector_store %arg10[%swap3A_546, %swap3A_547], %swap3A_550 {strides = array<i32>} : memref<5x128xi32, #tpu.memory_space<vmem>>, vector<1x16xi32>,
    %mul3A_551 = arith.constant 640 : i32
    %mul3A_552 = arith.muli %arg1, %mul3A_551 : i32
    %add3A_553 = arith.constant 512 : i32
    %add3A_554 = arith.addi %mul3A_552, %add3A_553 : i32
    %add3A_555 = arith.constant 80 : i32
    %add3A_556 = arith.addi %add3A_554, %add3A_555 : i32
    %iota3A_557 = tpu.iota {dimensions = array<i32: 0>} : vector<16xi32>
    %add3A_558 = vector.broadcast %add3A_556 : i32 to vector<16xi32>
    %add3A_559 = arith.addi %add3A_558, %iota3A_557 : vector<16xi32>
    %swap3A_560 = arith.constant 4 : i32
    %swap3A_561 = arith.index_cast %swap3A_560 : i32 to index
    %swap3A_562 = arith.constant 80 : index
    %swap3A_563 = tpu.vector_load %arg10[%swap3A_561, %swap3A_562] {strides = array<i32>} : memref<5x128xi32, #tpu.memory_space<vmem>>, vector<1x16xi32>,
    %swap3A_564 = vector.shape_cast %swap3A_563 : vector<1x16xi32> to vector<16xi32>
    %swap3A_565 = vector.shape_cast %add3A_559 : vector<16xi32> to vector<1x16xi32>
    tpu.vector_store %arg10[%swap3A_561, %swap3A_562], %swap3A_565 {strides = array<i32>} : memref<5x128xi32, #tpu.memory_space<vmem>>, vector<1x16xi32>,
    %mul3A_566 = arith.constant 640 : i32
    %mul3A_567 = arith.muli %arg1, %mul3A_566 : i32
    %add3A_568 = arith.constant 512 : i32
    %add3A_569 = arith.addi %mul3A_567, %add3A_568 : i32
    %add3A_570 = arith.constant 96 : i32
    %add3A_571 = arith.addi %add3A_569, %add3A_570 : i32
    %iota3A_572 = tpu.iota {dimensions = array<i32: 0>} : vector<16xi32>
    %add3A_573 = vector.broadcast %add3A_571 : i32 to vector<16xi32>
    %add3A_574 = arith.addi %add3A_573, %iota3A_572 : vector<16xi32>
    %swap3A_575 = arith.constant 4 : i32
    %swap3A_576 = arith.index_cast %swap3A_575 : i32 to index
    %swap3A_577 = arith.constant 96 : index
    %swap3A_578 = tpu.vector_load %arg10[%swap3A_576, %swap3A_577] {strides = array<i32>} : memref<5x128xi32, #tpu.memory_space<vmem>>, vector<1x16xi32>,
    %swap3A_579 = vector.shape_cast %swap3A_578 : vector<1x16xi32> to vector<16xi32>
    %swap3A_580 = vector.shape_cast %add3A_574 : vector<16xi32> to vector<1x16xi32>
    tpu.vector_store %arg10[%swap3A_576, %swap3A_577], %swap3A_580 {strides = array<i32>} : memref<5x128xi32, #tpu.memory_space<vmem>>, vector<1x16xi32>,
    %mul3A_581 = arith.constant 640 : i32
    %mul3A_582 = arith.muli %arg1, %mul3A_581 : i32
    %add3A_583 = arith.constant 512 : i32
    %add3A_584 = arith.addi %mul3A_582, %add3A_583 : i32
    %add3A_585 = arith.constant 112 : i32
    %add3A_586 = arith.addi %add3A_584, %add3A_585 : i32
    %iota3A_587 = tpu.iota {dimensions = array<i32: 0>} : vector<16xi32>
    %add3A_588 = vector.broadcast %add3A_586 : i32 to vector<16xi32>
    %add3A_589 = arith.addi %add3A_588, %iota3A_587 : vector<16xi32>
    %swap3A_590 = arith.constant 4 : i32
    %swap3A_591 = arith.index_cast %swap3A_590 : i32 to index
    %swap3A_592 = arith.constant 112 : index
    %swap3A_593 = tpu.vector_load %arg10[%swap3A_591, %swap3A_592] {strides = array<i32>} : memref<5x128xi32, #tpu.memory_space<vmem>>, vector<1x16xi32>,
    %swap3A_594 = vector.shape_cast %swap3A_593 : vector<1x16xi32> to vector<16xi32>
    %swap3A_595 = vector.shape_cast %add3A_589 : vector<16xi32> to vector<1x16xi32>
    tpu.vector_store %arg10[%swap3A_591, %swap3A_592], %swap3A_595 {strides = array<i32>} : memref<5x128xi32, #tpu.memory_space<vmem>>, vector<1x16xi32>,
    %mul3A_596 = arith.constant 640 : i32
    %mul3A_597 = arith.muli %arg1, %mul3A_596 : i32
    %add3A_598 = arith.constant 384 : i32
    %add3A_599 = arith.addi %mul3A_597, %add3A_598 : i32
    %iota3A_600 = tpu.iota {dimensions = array<i32: 0>} : vector<16xi32>
    %add3A_601 = vector.broadcast %add3A_599 : i32 to vector<16xi32>
    %add3A_602 = arith.addi %add3A_601, %iota3A_600 : vector<16xi32>
    %swap3A_603 = arith.constant 0 : index
    %swap3A_604 = tpu.vector_load %arg11[%swap3A_603] {strides = array<i32>} : memref<16xi32, #tpu.memory_space<vmem>>, vector<16xi32>,
    %swap3A_605 = vector.shape_cast %swap3A_604 : vector<16xi32> to vector<16xi32>
    %swap3A_606 = vector.shape_cast %add3A_602 : vector<16xi32> to vector<16xi32>
    tpu.vector_store %arg11[%swap3A_603], %swap3A_606 {strides = array<i32>} : memref<16xi32, #tpu.memory_space<vmem>>, vector<16xi32>,
    %scan3A = arith.constant 0 : i32
    %scan3A_607 = arith.constant 0 : i32
    %scan3A_608 = arith.constant 128 : i32
    %scan3A_609 = arith.addi %scan3A_607, %scan3A_608 : i32
    %scan3A_610 = arith.constant 1 : i32
    %scan3A_611 = scf.for %scan3A_685 = %scan3A_607 to %scan3A_609 step %scan3A_610 iter_args(%scan3A_686 = %scan3A) -> (i32)  : i32 {
      %broadcast_in_dim3A = arith.constant 0.000000e+00 : f32
      %broadcast_in_dim3A_687 = vector.broadcast %broadcast_in_dim3A : f32 to vector<16xf32>
      %swap3A_688 = arith.index_cast %scan3A_685 : i32 to index
      %swap3A_689 = arith.constant 0 : index
      %swap3A_690 = tpu.vector_load %arg8[%swap3A_688, %swap3A_689] {strides = array<i32>} : memref<128x128xf32, #tpu.memory_space<vmem>>, vector<1x16xf32>,
      %swap3A_691 = vector.shape_cast %swap3A_690 : vector<1x16xf32> to vector<16xf32>
      %swap3A_692 = vector.shape_cast %broadcast_in_dim3A_687 : vector<16xf32> to vector<1x16xf32>
      tpu.vector_store %arg8[%swap3A_688, %swap3A_689], %swap3A_692 {strides = array<i32>} : memref<128x128xf32, #tpu.memory_space<vmem>>, vector<1x16xf32>,
      %broadcast_in_dim3A_693 = arith.constant 0.000000e+00 : f32
      %broadcast_in_dim3A_694 = vector.broadcast %broadcast_in_dim3A_693 : f32 to vector<16xf32>
      %swap3A_695 = arith.index_cast %scan3A_685 : i32 to index
      %swap3A_696 = arith.constant 16 : index
      %swap3A_697 = tpu.vector_load %arg8[%swap3A_695, %swap3A_696] {strides = array<i32>} : memref<128x128xf32, #tpu.memory_space<vmem>>, vector<1x16xf32>,
      %swap3A_698 = vector.shape_cast %swap3A_697 : vector<1x16xf32> to vector<16xf32>
      %swap3A_699 = vector.shape_cast %broadcast_in_dim3A_694 : vector<16xf32> to vector<1x16xf32>
      tpu.vector_store %arg8[%swap3A_695, %swap3A_696], %swap3A_699 {strides = array<i32>} : memref<128x128xf32, #tpu.memory_space<vmem>>, vector<1x16xf32>,
      %broadcast_in_dim3A_700 = arith.constant 0.000000e+00 : f32
      %broadcast_in_dim3A_701 = vector.broadcast %broadcast_in_dim3A_700 : f32 to vector<16xf32>
      %swap3A_702 = arith.index_cast %scan3A_685 : i32 to index
      %swap3A_703 = arith.constant 32 : index
      %swap3A_704 = tpu.vector_load %arg8[%swap3A_702, %swap3A_703] {strides = array<i32>} : memref<128x128xf32, #tpu.memory_space<vmem>>, vector<1x16xf32>,
      %swap3A_705 = vector.shape_cast %swap3A_704 : vector<1x16xf32> to vector<16xf32>
      %swap3A_706 = vector.shape_cast %broadcast_in_dim3A_701 : vector<16xf32> to vector<1x16xf32>
      tpu.vector_store %arg8[%swap3A_702, %swap3A_703], %swap3A_706 {strides = array<i32>} : memref<128x128xf32, #tpu.memory_space<vmem>>, vector<1x16xf32>,
      %broadcast_in_dim3A_707 = arith.constant 0.000000e+00 : f32
      %broadcast_in_dim3A_708 = vector.broadcast %broadcast_in_dim3A_707 : f32 to vector<16xf32>
      %swap3A_709 = arith.index_cast %scan3A_685 : i32 to index
      %swap3A_710 = arith.constant 48 : index
      %swap3A_711 = tpu.vector_load %arg8[%swap3A_709, %swap3A_710] {strides = array<i32>} : memref<128x128xf32, #tpu.memory_space<vmem>>, vector<1x16xf32>,
      %swap3A_712 = vector.shape_cast %swap3A_711 : vector<1x16xf32> to vector<16xf32>
      %swap3A_713 = vector.shape_cast %broadcast_in_dim3A_708 : vector<16xf32> to vector<1x16xf32>
      tpu.vector_store %arg8[%swap3A_709, %swap3A_710], %swap3A_713 {strides = array<i32>} : memref<128x128xf32, #tpu.memory_space<vmem>>, vector<1x16xf32>,
      %broadcast_in_dim3A_714 = arith.constant 0.000000e+00 : f32
      %broadcast_in_dim3A_715 = vector.broadcast %broadcast_in_dim3A_714 : f32 to vector<16xf32>
      %swap3A_716 = arith.index_cast %scan3A_685 : i32 to index
      %swap3A_717 = arith.constant 64 : index
      %swap3A_718 = tpu.vector_load %arg8[%swap3A_716, %swap3A_717] {strides = array<i32>} : memref<128x128xf32, #tpu.memory_space<vmem>>, vector<1x16xf32>,
      %swap3A_719 = vector.shape_cast %swap3A_718 : vector<1x16xf32> to vector<16xf32>
      %swap3A_720 = vector.shape_cast %broadcast_in_dim3A_715 : vector<16xf32> to vector<1x16xf32>
      tpu.vector_store %arg8[%swap3A_716, %swap3A_717], %swap3A_720 {strides = array<i32>} : memref<128x128xf32, #tpu.memory_space<vmem>>, vector<1x16xf32>,
      %broadcast_in_dim3A_721 = arith.constant 0.000000e+00 : f32
      %broadcast_in_dim3A_722 = vector.broadcast %broadcast_in_dim3A_721 : f32 to vector<16xf32>
      %swap3A_723 = arith.index_cast %scan3A_685 : i32 to index
      %swap3A_724 = arith.constant 80 : index
      %swap3A_725 = tpu.vector_load %arg8[%swap3A_723, %swap3A_724] {strides = array<i32>} : memref<128x128xf32, #tpu.memory_space<vmem>>, vector<1x16xf32>,
      %swap3A_726 = vector.shape_cast %swap3A_725 : vector<1x16xf32> to vector<16xf32>
      %swap3A_727 = vector.shape_cast %broadcast_in_dim3A_722 : vector<16xf32> to vector<1x16xf32>
      tpu.vector_store %arg8[%swap3A_723, %swap3A_724], %swap3A_727 {strides = array<i32>} : memref<128x128xf32, #tpu.memory_space<vmem>>, vector<1x16xf32>,
      %broadcast_in_dim3A_728 = arith.constant 0.000000e+00 : f32
      %broadcast_in_dim3A_729 = vector.broadcast %broadcast_in_dim3A_728 : f32 to vector<16xf32>
      %swap3A_730 = arith.index_cast %scan3A_685 : i32 to index
      %swap3A_731 = arith.constant 96 : index
      %swap3A_732 = tpu.vector_load %arg8[%swap3A_730, %swap3A_731] {strides = array<i32>} : memref<128x128xf32, #tpu.memory_space<vmem>>, vector<1x16xf32>,
      %swap3A_733 = vector.shape_cast %swap3A_732 : vector<1x16xf32> to vector<16xf32>
      %swap3A_734 = vector.shape_cast %broadcast_in_dim3A_729 : vector<16xf32> to vector<1x16xf32>
      tpu.vector_store %arg8[%swap3A_730, %swap3A_731], %swap3A_734 {strides = array<i32>} : memref<128x128xf32, #tpu.memory_space<vmem>>, vector<1x16xf32>,
      %broadcast_in_dim3A_735 = arith.constant 0.000000e+00 : f32
      %broadcast_in_dim3A_736 = vector.broadcast %broadcast_in_dim3A_735 : f32 to vector<16xf32>
      %swap3A_737 = arith.index_cast %scan3A_685 : i32 to index
      %swap3A_738 = arith.constant 112 : index
      %swap3A_739 = tpu.vector_load %arg8[%swap3A_737, %swap3A_738] {strides = array<i32>} : memref<128x128xf32, #tpu.memory_space<vmem>>, vector<1x16xf32>,
      %swap3A_740 = vector.shape_cast %swap3A_739 : vector<1x16xf32> to vector<16xf32>
      %swap3A_741 = vector.shape_cast %broadcast_in_dim3A_736 : vector<16xf32> to vector<1x16xf32>
      tpu.vector_store %arg8[%swap3A_737, %swap3A_738], %swap3A_741 {strides = array<i32>} : memref<128x128xf32, #tpu.memory_space<vmem>>, vector<1x16xf32>,
      %scan3A_742 = arith.constant 0 : i32
      scf.yield %scan3A_742 : i32
    }
    %scan3A_612 = arith.constant 128 : i32
    %lt3A = arith.constant 15 : i32
    %lt3A_613 = arith.cmpi slt, %arg1, %lt3A : i32
    %convert_element_type3A = arith.extui %lt3A_613 : i1 to i32
    %cond3A = arith.constant 0 : i32
    %cond3A_614 = arith.cmpi ne, %convert_element_type3A, %cond3A : i32
    scf.if %cond3A_614 {
      %run_scoped3A = arith.constant 0 : i32
      "tpu.region"() ({
        %run_scoped3A_689 = tpu.sem_alloc : memref<!tpu.dma_semaphore, #tpu.memory_space<semaphore_mem>>
        %dma_start3A_690 = arith.constant 0 : i32
        %dma_start3A_691 = tpu.memref_slice %arg10[%run_scoped3A, %dma_start3A_690] : memref<5x128xi32, #tpu.memory_space<vmem>> -> memref<1x128xi32, #tpu.memory_space<vmem>>
        %dma_start3A_692 = tpu.memref_squeeze %dma_start3A_691 : memref<1x128xi32, #tpu.memory_space<vmem>> -> memref<128xi32, #tpu.memory_space<vmem>>
        %dma_start3A_693 = arith.constant 0 : i32
        %dma_start3A_694 = arith.constant 0 : i32
        %dma_start3A_695 = tpu.memref_slice %arg12[%dma_start3A_693, %dma_start3A_694] : memref<10000x128xf32, #tpu.memory_space<vmem_shared>> -> memref<10000x128xf32, #tpu.memory_space<vmem_shared>>
        tpu.enqueue_indirect_dma source(%arg8 : memref<128x128xf32, #tpu.memory_space<vmem>>) target(%dma_start3A_695 : memref<10000x128xf32, #tpu.memory_space<vmem_shared>>) offsets(%dma_start3A_692 : memref<128xi32, #tpu.memory_space<vmem>>) semaphore(%run_scoped3A_689 : memref<!tpu.dma_semaphore, #tpu.memory_space<semaphore_mem>>)
        %dma_wait3A = arith.constant 0 : i32
        %dma_wait3A_696 = tpu.memref_slice %arg10[%run_scoped3A, %dma_wait3A] : memref<5x128xi32, #tpu.memory_space<vmem>> -> memref<1x128xi32, #tpu.memory_space<vmem>>
        %dma_wait3A_697 = tpu.memref_squeeze %dma_wait3A_696 : memref<1x128xi32, #tpu.memory_space<vmem>> -> memref<128xi32, #tpu.memory_space<vmem>>
        %dma_wait3A_698 = arith.constant 0 : i32
        %dma_wait3A_699 = arith.constant 0 : i32
        %dma_wait3A_700 = tpu.memref_slice %arg12[%dma_wait3A_698, %dma_wait3A_699] : memref<10000x128xf32, #tpu.memory_space<vmem_shared>> -> memref<10000x128xf32, #tpu.memory_space<vmem_shared>>
        tpu.wait_indirect_dma semaphore(%run_scoped3A_689 : memref<!tpu.dma_semaphore, #tpu.memory_space<semaphore_mem>>) src(%arg8 : memref<128x128xf32, #tpu.memory_space<vmem>>) dst(%dma_wait3A_700 : memref<10000x128xf32, #tpu.memory_space<vmem_shared>>)
        tpu.yield
      }) : () -> ()
      %run_scoped3A_685 = arith.constant 1 : i32
      "tpu.region"() ({
        %run_scoped3A_689 = tpu.sem_alloc : memref<!tpu.dma_semaphore, #tpu.memory_space<semaphore_mem>>
        %dma_start3A_690 = arith.constant 0 : i32
        %dma_start3A_691 = tpu.memref_slice %arg10[%run_scoped3A_685, %dma_start3A_690] : memref<5x128xi32, #tpu.memory_space<vmem>> -> memref<1x128xi32, #tpu.memory_space<vmem>>
        %dma_start3A_692 = tpu.memref_squeeze %dma_start3A_691 : memref<1x128xi32, #tpu.memory_space<vmem>> -> memref<128xi32, #tpu.memory_space<vmem>>
        %dma_start3A_693 = arith.constant 0 : i32
        %dma_start3A_694 = arith.constant 0 : i32
        %dma_start3A_695 = tpu.memref_slice %arg12[%dma_start3A_693, %dma_start3A_694] : memref<10000x128xf32, #tpu.memory_space<vmem_shared>> -> memref<10000x128xf32, #tpu.memory_space<vmem_shared>>
        tpu.enqueue_indirect_dma source(%arg8 : memref<128x128xf32, #tpu.memory_space<vmem>>) target(%dma_start3A_695 : memref<10000x128xf32, #tpu.memory_space<vmem_shared>>) offsets(%dma_start3A_692 : memref<128xi32, #tpu.memory_space<vmem>>) semaphore(%run_scoped3A_689 : memref<!tpu.dma_semaphore, #tpu.memory_space<semaphore_mem>>)
        %dma_wait3A = arith.constant 0 : i32
        %dma_wait3A_696 = tpu.memref_slice %arg10[%run_scoped3A_685, %dma_wait3A] : memref<5x128xi32, #tpu.memory_space<vmem>> -> memref<1x128xi32, #tpu.memory_space<vmem>>
        %dma_wait3A_697 = tpu.memref_squeeze %dma_wait3A_696 : memref<1x128xi32, #tpu.memory_space<vmem>> -> memref<128xi32, #tpu.memory_space<vmem>>
        %dma_wait3A_698 = arith.constant 0 : i32
        %dma_wait3A_699 = arith.constant 0 : i32
        %dma_wait3A_700 = tpu.memref_slice %arg12[%dma_wait3A_698, %dma_wait3A_699] : memref<10000x128xf32, #tpu.memory_space<vmem_shared>> -> memref<10000x128xf32, #tpu.memory_space<vmem_shared>>
        tpu.wait_indirect_dma semaphore(%run_scoped3A_689 : memref<!tpu.dma_semaphore, #tpu.memory_space<semaphore_mem>>) src(%arg8 : memref<128x128xf32, #tpu.memory_space<vmem>>) dst(%dma_wait3A_700 : memref<10000x128xf32, #tpu.memory_space<vmem_shared>>)
        tpu.yield
      }) : () -> ()
      %run_scoped3A_686 = arith.constant 2 : i32
      "tpu.region"() ({
        %run_scoped3A_689 = tpu.sem_alloc : memref<!tpu.dma_semaphore, #tpu.memory_space<semaphore_mem>>
        %dma_start3A_690 = arith.constant 0 : i32
        %dma_start3A_691 = tpu.memref_slice %arg10[%run_scoped3A_686, %dma_start3A_690] : memref<5x128xi32, #tpu.memory_space<vmem>> -> memref<1x128xi32, #tpu.memory_space<vmem>>
        %dma_start3A_692 = tpu.memref_squeeze %dma_start3A_691 : memref<1x128xi32, #tpu.memory_space<vmem>> -> memref<128xi32, #tpu.memory_space<vmem>>
        %dma_start3A_693 = arith.constant 0 : i32
        %dma_start3A_694 = arith.constant 0 : i32
        %dma_start3A_695 = tpu.memref_slice %arg12[%dma_start3A_693, %dma_start3A_694] : memref<10000x128xf32, #tpu.memory_space<vmem_shared>> -> memref<10000x128xf32, #tpu.memory_space<vmem_shared>>
        tpu.enqueue_indirect_dma source(%arg8 : memref<128x128xf32, #tpu.memory_space<vmem>>) target(%dma_start3A_695 : memref<10000x128xf32, #tpu.memory_space<vmem_shared>>) offsets(%dma_start3A_692 : memref<128xi32, #tpu.memory_space<vmem>>) semaphore(%run_scoped3A_689 : memref<!tpu.dma_semaphore, #tpu.memory_space<semaphore_mem>>)
        %dma_wait3A = arith.constant 0 : i32
        %dma_wait3A_696 = tpu.memref_slice %arg10[%run_scoped3A_686, %dma_wait3A] : memref<5x128xi32, #tpu.memory_space<vmem>> -> memref<1x128xi32, #tpu.memory_space<vmem>>
        %dma_wait3A_697 = tpu.memref_squeeze %dma_wait3A_696 : memref<1x128xi32, #tpu.memory_space<vmem>> -> memref<128xi32, #tpu.memory_space<vmem>>
        %dma_wait3A_698 = arith.constant 0 : i32
        %dma_wait3A_699 = arith.constant 0 : i32
        %dma_wait3A_700 = tpu.memref_slice %arg12[%dma_wait3A_698, %dma_wait3A_699] : memref<10000x128xf32, #tpu.memory_space<vmem_shared>> -> memref<10000x128xf32, #tpu.memory_space<vmem_shared>>
        tpu.wait_indirect_dma semaphore(%run_scoped3A_689 : memref<!tpu.dma_semaphore, #tpu.memory_space<semaphore_mem>>) src(%arg8 : memref<128x128xf32, #tpu.memory_space<vmem>>) dst(%dma_wait3A_700 : memref<10000x128xf32, #tpu.memory_space<vmem_shared>>)
        tpu.yield
      }) : () -> ()
      %run_scoped3A_687 = arith.constant 3 : i32
      "tpu.region"() ({
        %run_scoped3A_689 = tpu.sem_alloc : memref<!tpu.dma_semaphore, #tpu.memory_space<semaphore_mem>>
        %dma_start3A_690 = arith.constant 0 : i32
        %dma_start3A_691 = tpu.memref_slice %arg10[%run_scoped3A_687, %dma_start3A_690] : memref<5x128xi32, #tpu.memory_space<vmem>> -> memref<1x128xi32, #tpu.memory_space<vmem>>
        %dma_start3A_692 = tpu.memref_squeeze %dma_start3A_691 : memref<1x128xi32, #tpu.memory_space<vmem>> -> memref<128xi32, #tpu.memory_space<vmem>>
        %dma_start3A_693 = arith.constant 0 : i32
        %dma_start3A_694 = arith.constant 0 : i32
        %dma_start3A_695 = tpu.memref_slice %arg12[%dma_start3A_693, %dma_start3A_694] : memref<10000x128xf32, #tpu.memory_space<vmem_shared>> -> memref<10000x128xf32, #tpu.memory_space<vmem_shared>>
        tpu.enqueue_indirect_dma source(%arg8 : memref<128x128xf32, #tpu.memory_space<vmem>>) target(%dma_start3A_695 : memref<10000x128xf32, #tpu.memory_space<vmem_shared>>) offsets(%dma_start3A_692 : memref<128xi32, #tpu.memory_space<vmem>>) semaphore(%run_scoped3A_689 : memref<!tpu.dma_semaphore, #tpu.memory_space<semaphore_mem>>)
        %dma_wait3A = arith.constant 0 : i32
        %dma_wait3A_696 = tpu.memref_slice %arg10[%run_scoped3A_687, %dma_wait3A] : memref<5x128xi32, #tpu.memory_space<vmem>> -> memref<1x128xi32, #tpu.memory_space<vmem>>
        %dma_wait3A_697 = tpu.memref_squeeze %dma_wait3A_696 : memref<1x128xi32, #tpu.memory_space<vmem>> -> memref<128xi32, #tpu.memory_space<vmem>>
        %dma_wait3A_698 = arith.constant 0 : i32
        %dma_wait3A_699 = arith.constant 0 : i32
        %dma_wait3A_700 = tpu.memref_slice %arg12[%dma_wait3A_698, %dma_wait3A_699] : memref<10000x128xf32, #tpu.memory_space<vmem_shared>> -> memref<10000x128xf32, #tpu.memory_space<vmem_shared>>
        tpu.wait_indirect_dma semaphore(%run_scoped3A_689 : memref<!tpu.dma_semaphore, #tpu.memory_space<semaphore_mem>>) src(%arg8 : memref<128x128xf32, #tpu.memory_space<vmem>>) dst(%dma_wait3A_700 : memref<10000x128xf32, #tpu.memory_space<vmem_shared>>)
        tpu.yield
      }) : () -> ()
      %run_scoped3A_688 = arith.constant 4 : i32
      "tpu.region"() ({
        %run_scoped3A_689 = tpu.sem_alloc : memref<!tpu.dma_semaphore, #tpu.memory_space<semaphore_mem>>
        %dma_start3A_690 = arith.constant 0 : i32
        %dma_start3A_691 = tpu.memref_slice %arg10[%run_scoped3A_688, %dma_start3A_690] : memref<5x128xi32, #tpu.memory_space<vmem>> -> memref<1x128xi32, #tpu.memory_space<vmem>>
        %dma_start3A_692 = tpu.memref_squeeze %dma_start3A_691 : memref<1x128xi32, #tpu.memory_space<vmem>> -> memref<128xi32, #tpu.memory_space<vmem>>
        %dma_start3A_693 = arith.constant 0 : i32
        %dma_start3A_694 = arith.constant 0 : i32
        %dma_start3A_695 = tpu.memref_slice %arg12[%dma_start3A_693, %dma_start3A_694] : memref<10000x128xf32, #tpu.memory_space<vmem_shared>> -> memref<10000x128xf32, #tpu.memory_space<vmem_shared>>
        tpu.enqueue_indirect_dma source(%arg8 : memref<128x128xf32, #tpu.memory_space<vmem>>) target(%dma_start3A_695 : memref<10000x128xf32, #tpu.memory_space<vmem_shared>>) offsets(%dma_start3A_692 : memref<128xi32, #tpu.memory_space<vmem>>) semaphore(%run_scoped3A_689 : memref<!tpu.dma_semaphore, #tpu.memory_space<semaphore_mem>>)
        %dma_wait3A = arith.constant 0 : i32
        %dma_wait3A_696 = tpu.memref_slice %arg10[%run_scoped3A_688, %dma_wait3A] : memref<5x128xi32, #tpu.memory_space<vmem>> -> memref<1x128xi32, #tpu.memory_space<vmem>>
        %dma_wait3A_697 = tpu.memref_squeeze %dma_wait3A_696 : memref<1x128xi32, #tpu.memory_space<vmem>> -> memref<128xi32, #tpu.memory_space<vmem>>
        %dma_wait3A_698 = arith.constant 0 : i32
        %dma_wait3A_699 = arith.constant 0 : i32
        %dma_wait3A_700 = tpu.memref_slice %arg12[%dma_wait3A_698, %dma_wait3A_699] : memref<10000x128xf32, #tpu.memory_space<vmem_shared>> -> memref<10000x128xf32, #tpu.memory_space<vmem_shared>>
        tpu.wait_indirect_dma semaphore(%run_scoped3A_689 : memref<!tpu.dma_semaphore, #tpu.memory_space<semaphore_mem>>) src(%arg8 : memref<128x128xf32, #tpu.memory_space<vmem>>) dst(%dma_wait3A_700 : memref<10000x128xf32, #tpu.memory_space<vmem_shared>>)
        tpu.yield
      }) : () -> ()
    } else {
    }
    %eq3A = arith.constant 15 : i32
    %eq3A_615 = arith.cmpi eq, %arg1, %eq3A : i32
    %convert_element_type3A_616 = arith.extui %eq3A_615 : i1 to i32
    %cond3A_617 = arith.constant 0 : i32
    %cond3A_618 = arith.cmpi ne, %convert_element_type3A_616, %cond3A_617 : i32
    scf.if %cond3A_618 {
      %run_scoped3A = arith.constant 0 : i32
      "tpu.region"() ({
        %run_scoped3A_687 = tpu.sem_alloc : memref<!tpu.dma_semaphore, #tpu.memory_space<semaphore_mem>>
        %dma_start3A_688 = arith.constant 0 : i32
        %dma_start3A_689 = tpu.memref_slice %arg10[%run_scoped3A, %dma_start3A_688] : memref<5x128xi32, #tpu.memory_space<vmem>> -> memref<1x128xi32, #tpu.memory_space<vmem>>
        %dma_start3A_690 = tpu.memref_squeeze %dma_start3A_689 : memref<1x128xi32, #tpu.memory_space<vmem>> -> memref<128xi32, #tpu.memory_space<vmem>>
        %dma_start3A_691 = arith.constant 0 : i32
        %dma_start3A_692 = arith.constant 0 : i32
        %dma_start3A_693 = tpu.memref_slice %arg12[%dma_start3A_691, %dma_start3A_692] : memref<10000x128xf32, #tpu.memory_space<vmem_shared>> -> memref<10000x128xf32, #tpu.memory_space<vmem_shared>>
        tpu.enqueue_indirect_dma source(%arg8 : memref<128x128xf32, #tpu.memory_space<vmem>>) target(%dma_start3A_693 : memref<10000x128xf32, #tpu.memory_space<vmem_shared>>) offsets(%dma_start3A_690 : memref<128xi32, #tpu.memory_space<vmem>>) semaphore(%run_scoped3A_687 : memref<!tpu.dma_semaphore, #tpu.memory_space<semaphore_mem>>)
        %dma_wait3A = arith.constant 0 : i32
        %dma_wait3A_694 = tpu.memref_slice %arg10[%run_scoped3A, %dma_wait3A] : memref<5x128xi32, #tpu.memory_space<vmem>> -> memref<1x128xi32, #tpu.memory_space<vmem>>
        %dma_wait3A_695 = tpu.memref_squeeze %dma_wait3A_694 : memref<1x128xi32, #tpu.memory_space<vmem>> -> memref<128xi32, #tpu.memory_space<vmem>>
        %dma_wait3A_696 = arith.constant 0 : i32
        %dma_wait3A_697 = arith.constant 0 : i32
        %dma_wait3A_698 = tpu.memref_slice %arg12[%dma_wait3A_696, %dma_wait3A_697] : memref<10000x128xf32, #tpu.memory_space<vmem_shared>> -> memref<10000x128xf32, #tpu.memory_space<vmem_shared>>
        tpu.wait_indirect_dma semaphore(%run_scoped3A_687 : memref<!tpu.dma_semaphore, #tpu.memory_space<semaphore_mem>>) src(%arg8 : memref<128x128xf32, #tpu.memory_space<vmem>>) dst(%dma_wait3A_698 : memref<10000x128xf32, #tpu.memory_space<vmem_shared>>)
        tpu.yield
      }) : () -> ()
      %run_scoped3A_685 = arith.constant 1 : i32
      "tpu.region"() ({
        %run_scoped3A_687 = tpu.sem_alloc : memref<!tpu.dma_semaphore, #tpu.memory_space<semaphore_mem>>
        %dma_start3A_688 = arith.constant 0 : i32
        %dma_start3A_689 = tpu.memref_slice %arg10[%run_scoped3A_685, %dma_start3A_688] : memref<5x128xi32, #tpu.memory_space<vmem>> -> memref<1x128xi32, #tpu.memory_space<vmem>>
        %dma_start3A_690 = tpu.memref_squeeze %dma_start3A_689 : memref<1x128xi32, #tpu.memory_space<vmem>> -> memref<128xi32, #tpu.memory_space<vmem>>
        %dma_start3A_691 = arith.constant 0 : i32
        %dma_start3A_692 = arith.constant 0 : i32
        %dma_start3A_693 = tpu.memref_slice %arg12[%dma_start3A_691, %dma_start3A_692] : memref<10000x128xf32, #tpu.memory_space<vmem_shared>> -> memref<10000x128xf32, #tpu.memory_space<vmem_shared>>
        tpu.enqueue_indirect_dma source(%arg8 : memref<128x128xf32, #tpu.memory_space<vmem>>) target(%dma_start3A_693 : memref<10000x128xf32, #tpu.memory_space<vmem_shared>>) offsets(%dma_start3A_690 : memref<128xi32, #tpu.memory_space<vmem>>) semaphore(%run_scoped3A_687 : memref<!tpu.dma_semaphore, #tpu.memory_space<semaphore_mem>>)
        %dma_wait3A = arith.constant 0 : i32
        %dma_wait3A_694 = tpu.memref_slice %arg10[%run_scoped3A_685, %dma_wait3A] : memref<5x128xi32, #tpu.memory_space<vmem>> -> memref<1x128xi32, #tpu.memory_space<vmem>>
        %dma_wait3A_695 = tpu.memref_squeeze %dma_wait3A_694 : memref<1x128xi32, #tpu.memory_space<vmem>> -> memref<128xi32, #tpu.memory_space<vmem>>
        %dma_wait3A_696 = arith.constant 0 : i32
        %dma_wait3A_697 = arith.constant 0 : i32
        %dma_wait3A_698 = tpu.memref_slice %arg12[%dma_wait3A_696, %dma_wait3A_697] : memref<10000x128xf32, #tpu.memory_space<vmem_shared>> -> memref<10000x128xf32, #tpu.memory_space<vmem_shared>>
        tpu.wait_indirect_dma semaphore(%run_scoped3A_687 : memref<!tpu.dma_semaphore, #tpu.memory_space<semaphore_mem>>) src(%arg8 : memref<128x128xf32, #tpu.memory_space<vmem>>) dst(%dma_wait3A_698 : memref<10000x128xf32, #tpu.memory_space<vmem_shared>>)
        tpu.yield
      }) : () -> ()
      %run_scoped3A_686 = arith.constant 2 : i32
      "tpu.region"() ({
        %run_scoped3A_687 = tpu.sem_alloc : memref<!tpu.dma_semaphore, #tpu.memory_space<semaphore_mem>>
        %dma_start3A_688 = arith.constant 0 : i32
        %dma_start3A_689 = tpu.memref_slice %arg10[%run_scoped3A_686, %dma_start3A_688] : memref<5x128xi32, #tpu.memory_space<vmem>> -> memref<1x128xi32, #tpu.memory_space<vmem>>
        %dma_start3A_690 = tpu.memref_squeeze %dma_start3A_689 : memref<1x128xi32, #tpu.memory_space<vmem>> -> memref<128xi32, #tpu.memory_space<vmem>>
        %dma_start3A_691 = arith.constant 0 : i32
        %dma_start3A_692 = arith.constant 0 : i32
        %dma_start3A_693 = tpu.memref_slice %arg12[%dma_start3A_691, %dma_start3A_692] : memref<10000x128xf32, #tpu.memory_space<vmem_shared>> -> memref<10000x128xf32, #tpu.memory_space<vmem_shared>>
        tpu.enqueue_indirect_dma source(%arg8 : memref<128x128xf32, #tpu.memory_space<vmem>>) target(%dma_start3A_693 : memref<10000x128xf32, #tpu.memory_space<vmem_shared>>) offsets(%dma_start3A_690 : memref<128xi32, #tpu.memory_space<vmem>>) semaphore(%run_scoped3A_687 : memref<!tpu.dma_semaphore, #tpu.memory_space<semaphore_mem>>)
        %dma_wait3A = arith.constant 0 : i32
        %dma_wait3A_694 = tpu.memref_slice %arg10[%run_scoped3A_686, %dma_wait3A] : memref<5x128xi32, #tpu.memory_space<vmem>> -> memref<1x128xi32, #tpu.memory_space<vmem>>
        %dma_wait3A_695 = tpu.memref_squeeze %dma_wait3A_694 : memref<1x128xi32, #tpu.memory_space<vmem>> -> memref<128xi32, #tpu.memory_space<vmem>>
        %dma_wait3A_696 = arith.constant 0 : i32
        %dma_wait3A_697 = arith.constant 0 : i32
        %dma_wait3A_698 = tpu.memref_slice %arg12[%dma_wait3A_696, %dma_wait3A_697] : memref<10000x128xf32, #tpu.memory_space<vmem_shared>> -> memref<10000x128xf32, #tpu.memory_space<vmem_shared>>
        tpu.wait_indirect_dma semaphore(%run_scoped3A_687 : memref<!tpu.dma_semaphore, #tpu.memory_space<semaphore_mem>>) src(%arg8 : memref<128x128xf32, #tpu.memory_space<vmem>>) dst(%dma_wait3A_698 : memref<10000x128xf32, #tpu.memory_space<vmem_shared>>)
        tpu.yield
      }) : () -> ()
      "tpu.region"() ({
        %run_scoped3A_687 = tpu.sem_alloc : memref<!tpu.dma_semaphore, #tpu.memory_space<semaphore_mem>>
        %dma_start3A_688 = arith.constant 0 : i32
        %dma_start3A_689 = arith.constant 0 : i32
        %dma_start3A_690 = tpu.memref_slice %arg8[%dma_start3A_688, %dma_start3A_689] : memref<128x128xf32, #tpu.memory_space<vmem>> -> memref<16x128xf32, #tpu.memory_space<vmem>>
        %dma_start3A_691 = arith.constant 0 : i32
        %dma_start3A_692 = arith.constant 0 : i32
        %dma_start3A_693 = tpu.memref_slice %arg12[%dma_start3A_691, %dma_start3A_692] : memref<10000x128xf32, #tpu.memory_space<vmem_shared>> -> memref<10000x128xf32, #tpu.memory_space<vmem_shared>>
        tpu.enqueue_indirect_dma source(%dma_start3A_690 : memref<16x128xf32, #tpu.memory_space<vmem>>) target(%dma_start3A_693 : memref<10000x128xf32, #tpu.memory_space<vmem_shared>>) offsets(%arg11 : memref<16xi32, #tpu.memory_space<vmem>>) semaphore(%run_scoped3A_687 : memref<!tpu.dma_semaphore, #tpu.memory_space<semaphore_mem>>)
        %dma_wait3A = arith.constant 0 : i32
        %dma_wait3A_694 = arith.constant 0 : i32
        %dma_wait3A_695 = tpu.memref_slice %arg8[%dma_wait3A, %dma_wait3A_694] : memref<128x128xf32, #tpu.memory_space<vmem>> -> memref<16x128xf32, #tpu.memory_space<vmem>>
        %dma_wait3A_696 = arith.constant 0 : i32
        %dma_wait3A_697 = arith.constant 0 : i32
        %dma_wait3A_698 = tpu.memref_slice %arg12[%dma_wait3A_696, %dma_wait3A_697] : memref<10000x128xf32, #tpu.memory_space<vmem_shared>> -> memref<10000x128xf32, #tpu.memory_space<vmem_shared>>
        tpu.wait_indirect_dma semaphore(%run_scoped3A_687 : memref<!tpu.dma_semaphore, #tpu.memory_space<semaphore_mem>>) src(%dma_wait3A_695 : memref<16x128xf32, #tpu.memory_space<vmem>>) dst(%dma_wait3A_698 : memref<10000x128xf32, #tpu.memory_space<vmem_shared>>)
        tpu.yield
      }) : () -> ()
    } else {
    }
    %barrier3A = arith.constant 0 : index
    tpu.barrier barrier_id(%barrier3A)
    %mul3A_619 = arith.constant 10000 : i32
    %mul3A_620 = arith.muli %arg0, %mul3A_619 : i32
    %multiple_of3A = tpu.assume_multiple %mul3A_620, 8 : i32
    %mul3A_621 = arith.constant 80 : i32
    %mul3A_622 = arith.muli %arg1, %mul3A_621 : i32
    %add3A_623 = arith.constant 0 : i32
    %add3A_624 = arith.addi %mul3A_622, %add3A_623 : i32
    "tpu.region"() ({
      %run_scoped3A = tpu.sem_alloc : memref<!tpu.dma_semaphore, #tpu.memory_space<semaphore_mem>>
      %dma_start3A_685 = arith.constant 0 : i32
      %dma_start3A_686 = tpu.memref_slice %arg3[%add3A_624, %dma_start3A_685] : memref<1280x125xi32, #tpu.memory_space<hbm>> -> memref<40x125xi32, #tpu.memory_space<hbm>>
      %dma_start3A_687 = arith.constant 0 : i32
      %dma_start3A_688 = tpu.memref_slice %arg3[%add3A_624, %dma_start3A_687] : memref<1280x125xi32, #tpu.memory_space<hbm>> -> memref<40x125xi32, #tpu.memory_space<hbm>>
      tpu.enqueue_dma source(%dma_start3A_688 : memref<40x125xi32, #tpu.memory_space<hbm>>) target(%arg6 : memref<40x125xi32, #tpu.memory_space<vmem>>) target_semaphore(%run_scoped3A : memref<!tpu.dma_semaphore, #tpu.memory_space<semaphore_mem>>)
      %dma_wait3A = arith.constant 0 : i32
      %dma_wait3A_689 = tpu.memref_slice %arg3[%add3A_624, %dma_wait3A] : memref<1280x125xi32, #tpu.memory_space<hbm>> -> memref<40x125xi32, #tpu.memory_space<hbm>>
      %dma_wait3A_690 = arith.constant 0 : i32
      %dma_wait3A_691 = tpu.memref_slice %arg3[%add3A_624, %dma_wait3A_690] : memref<1280x125xi32, #tpu.memory_space<hbm>> -> memref<40x125xi32, #tpu.memory_space<hbm>>
      tpu.wait_dma2 semaphore(%run_scoped3A : memref<!tpu.dma_semaphore, #tpu.memory_space<semaphore_mem>>) src(%dma_wait3A_691 : memref<40x125xi32, #tpu.memory_space<hbm>>) dst(%arg6 : memref<40x125xi32, #tpu.memory_space<vmem>>)
      tpu.yield
    }) : () -> ()
    %mul3A_625 = arith.constant 80 : i32
    %mul3A_626 = arith.muli %arg1, %mul3A_625 : i32
    %add3A_627 = arith.constant 0 : i32
    %add3A_628 = arith.addi %mul3A_626, %add3A_627 : i32
    "tpu.region"() ({
      %run_scoped3A = tpu.sem_alloc : memref<!tpu.dma_semaphore, #tpu.memory_space<semaphore_mem>>
      %dma_start3A_685 = arith.constant 0 : i32
      %dma_start3A_686 = tpu.memref_slice %arg4[%add3A_628, %dma_start3A_685] : memref<1280x125xi32, #tpu.memory_space<hbm>> -> memref<40x125xi32, #tpu.memory_space<hbm>>
      %dma_start3A_687 = arith.constant 0 : i32
      %dma_start3A_688 = tpu.memref_slice %arg4[%add3A_628, %dma_start3A_687] : memref<1280x125xi32, #tpu.memory_space<hbm>> -> memref<40x125xi32, #tpu.memory_space<hbm>>
      tpu.enqueue_dma source(%dma_start3A_688 : memref<40x125xi32, #tpu.memory_space<hbm>>) target(%arg7 : memref<40x125xi32, #tpu.memory_space<vmem>>) target_semaphore(%run_scoped3A : memref<!tpu.dma_semaphore, #tpu.memory_space<semaphore_mem>>)
      %dma_wait3A = arith.constant 0 : i32
      %dma_wait3A_689 = tpu.memref_slice %arg4[%add3A_628, %dma_wait3A] : memref<1280x125xi32, #tpu.memory_space<hbm>> -> memref<40x125xi32, #tpu.memory_space<hbm>>
      %dma_wait3A_690 = arith.constant 0 : i32
      %dma_wait3A_691 = tpu.memref_slice %arg4[%add3A_628, %dma_wait3A_690] : memref<1280x125xi32, #tpu.memory_space<hbm>> -> memref<40x125xi32, #tpu.memory_space<hbm>>
      tpu.wait_dma2 semaphore(%run_scoped3A : memref<!tpu.dma_semaphore, #tpu.memory_space<semaphore_mem>>) src(%dma_wait3A_691 : memref<40x125xi32, #tpu.memory_space<hbm>>) dst(%arg7 : memref<40x125xi32, #tpu.memory_space<vmem>>)
      tpu.yield
    }) : () -> ()
    %dma_start3A = arith.constant 0 : i32
    %dma_start3A_629 = arith.constant 0 : i32
    %dma_start3A_630 = arith.constant 0 : i32
    %dma_start3A_631 = tpu.memref_slice %arg8[%dma_start3A_629, %dma_start3A_630] : memref<128x128xf32, #tpu.memory_space<vmem>> -> memref<125x128xf32, #tpu.memory_space<vmem>>
    %dma_start3A_632 = arith.constant 0 : i32
    %dma_start3A_633 = tpu.memref_slice %arg6[%dma_start3A, %dma_start3A_632] : memref<40x125xi32, #tpu.memory_space<vmem>> -> memref<1x125xi32, #tpu.memory_space<vmem>>
    %dma_start3A_634 = tpu.memref_squeeze %dma_start3A_633 : memref<1x125xi32, #tpu.memory_space<vmem>> -> memref<125xi32, #tpu.memory_space<vmem>>
    %dma_start3A_635 = arith.constant 0 : i32
    %dma_start3A_636 = tpu.memref_slice %arg2[%multiple_of3A, %dma_start3A_635] : memref<20000x128xf32, #tpu.memory_space<hbm>> -> memref<10000x128xf32, #tpu.memory_space<hbm>>
    %dma_start3A_637 = arith.constant 0 : i32
    %dma_start3A_638 = arith.constant 0 : i32
    %dma_start3A_639 = tpu.memref_slice %dma_start3A_636[%dma_start3A_637, %dma_start3A_638] : memref<10000x128xf32, #tpu.memory_space<hbm>> -> memref<10000x128xf32, #tpu.memory_space<hbm>>
    tpu.enqueue_indirect_dma source(%dma_start3A_639 : memref<10000x128xf32, #tpu.memory_space<hbm>>) target(%dma_start3A_631 : memref<125x128xf32, #tpu.memory_space<vmem>>) offsets(%dma_start3A_634 : memref<125xi32, #tpu.memory_space<vmem>>) semaphore(%arg13 : memref<!tpu.dma_semaphore, #tpu.memory_space<semaphore_mem>>)
    %scan3A_640 = arith.constant 0 : i32
    %scan3A_641 = arith.constant 0 : i32
    %scan3A_642 = arith.constant 20 : i32
    %scan3A_643 = arith.addi %scan3A_641, %scan3A_642 : i32
    %scan3A_644 = arith.constant 1 : i32
    %scan3A_645 = scf.for %scan3A_685 = %scan3A_641 to %scan3A_643 step %scan3A_644 iter_args(%scan3A_686 = %scan3A_640) -> (i32)  : i32 {
      %mul3A_687 = arith.constant 2 : i32
      %mul3A_688 = arith.muli %mul3A_687, %scan3A_685 : i32
      %add3A_689 = arith.constant 1 : i32
      %add3A_690 = arith.addi %mul3A_688, %add3A_689 : i32
      %dma_start3A_691 = arith.constant 0 : i32
      %dma_start3A_692 = tpu.memref_slice %arg6[%add3A_690, %dma_start3A_691] : memref<40x125xi32, #tpu.memory_space<vmem>> -> memref<1x125xi32, #tpu.memory_space<vmem>>
      %dma_start3A_693 = tpu.memref_squeeze %dma_start3A_692 : memref<1x125xi32, #tpu.memory_space<vmem>> -> memref<125xi32, #tpu.memory_space<vmem>>
      %dma_start3A_694 = arith.constant 0 : i32
      %dma_start3A_695 = tpu.memref_slice %arg2[%multiple_of3A, %dma_start3A_694] : memref<20000x128xf32, #tpu.memory_space<hbm>> -> memref<10000x128xf32, #tpu.memory_space<hbm>>
      %dma_start3A_696 = arith.constant 0 : i32
      %dma_start3A_697 = arith.constant 0 : i32
      %dma_start3A_698 = tpu.memref_slice %dma_start3A_695[%dma_start3A_696, %dma_start3A_697] : memref<10000x128xf32, #tpu.memory_space<hbm>> -> memref<10000x128xf32, #tpu.memory_space<hbm>>
      tpu.enqueue_indirect_dma source(%dma_start3A_698 : memref<10000x128xf32, #tpu.memory_space<hbm>>) target(%arg9 : memref<125x128xf32, #tpu.memory_space<vmem>>) offsets(%dma_start3A_693 : memref<125xi32, #tpu.memory_space<vmem>>) semaphore(%arg14 : memref<!tpu.dma_semaphore, #tpu.memory_space<semaphore_mem>>)
      %dma_wait3A = arith.constant 0 : i32
      %dma_wait3A_699 = arith.constant 0 : i32
      %dma_wait3A_700 = tpu.memref_slice %arg8[%dma_wait3A, %dma_wait3A_699] : memref<128x128xf32, #tpu.memory_space<vmem>> -> memref<125x128xf32, #tpu.memory_space<vmem>>
      %dma_wait3A_701 = arith.constant 0 : i32
      %dma_wait3A_702 = tpu.memref_slice %arg6[%mul3A_688, %dma_wait3A_701] : memref<40x125xi32, #tpu.memory_space<vmem>> -> memref<1x125xi32, #tpu.memory_space<vmem>>
      %dma_wait3A_703 = tpu.memref_squeeze %dma_wait3A_702 : memref<1x125xi32, #tpu.memory_space<vmem>> -> memref<125xi32, #tpu.memory_space<vmem>>
      %dma_wait3A_704 = arith.constant 0 : i32
      %dma_wait3A_705 = tpu.memref_slice %arg2[%multiple_of3A, %dma_wait3A_704] : memref<20000x128xf32, #tpu.memory_space<hbm>> -> memref<10000x128xf32, #tpu.memory_space<hbm>>
      %dma_wait3A_706 = arith.constant 0 : i32
      %dma_wait3A_707 = arith.constant 0 : i32
      %dma_wait3A_708 = tpu.memref_slice %dma_wait3A_705[%dma_wait3A_706, %dma_wait3A_707] : memref<10000x128xf32, #tpu.memory_space<hbm>> -> memref<10000x128xf32, #tpu.memory_space<hbm>>
      tpu.wait_indirect_dma semaphore(%arg13 : memref<!tpu.dma_semaphore, #tpu.memory_space<semaphore_mem>>) src(%dma_wait3A_708 : memref<10000x128xf32, #tpu.memory_space<hbm>>) dst(%dma_wait3A_700 : memref<125x128xf32, #tpu.memory_space<vmem>>)
      "tpu.region"() ({
        %run_scoped3A = tpu.sem_alloc : memref<!tpu.dma_semaphore, #tpu.memory_space<semaphore_mem>>
        %dma_start3A_725 = arith.constant 0 : i32
        %dma_start3A_726 = arith.constant 0 : i32
        %dma_start3A_727 = tpu.memref_slice %arg8[%dma_start3A_725, %dma_start3A_726] : memref<128x128xf32, #tpu.memory_space<vmem>> -> memref<125x128xf32, #tpu.memory_space<vmem>>
        %dma_start3A_728 = arith.constant 0 : i32
        %dma_start3A_729 = tpu.memref_slice %arg7[%mul3A_688, %dma_start3A_728] : memref<40x125xi32, #tpu.memory_space<vmem>> -> memref<1x125xi32, #tpu.memory_space<vmem>>
        %dma_start3A_730 = tpu.memref_squeeze %dma_start3A_729 : memref<1x125xi32, #tpu.memory_space<vmem>> -> memref<125xi32, #tpu.memory_space<vmem>>
        %dma_start3A_731 = arith.constant 0 : i32
        %dma_start3A_732 = arith.constant 0 : i32
        %dma_start3A_733 = tpu.memref_slice %arg12[%dma_start3A_731, %dma_start3A_732] : memref<10000x128xf32, #tpu.memory_space<vmem_shared>> -> memref<10000x128xf32, #tpu.memory_space<vmem_shared>>
        tpu.enqueue_indirect_dma source(%dma_start3A_727 : memref<125x128xf32, #tpu.memory_space<vmem>>) target(%dma_start3A_733 : memref<10000x128xf32, #tpu.memory_space<vmem_shared>>) offsets(%dma_start3A_730 : memref<125xi32, #tpu.memory_space<vmem>>) semaphore(%run_scoped3A : memref<!tpu.dma_semaphore, #tpu.memory_space<semaphore_mem>>) {add = true}
        %dma_wait3A_734 = arith.constant 0 : i32
        %dma_wait3A_735 = arith.constant 0 : i32
        %dma_wait3A_736 = tpu.memref_slice %arg8[%dma_wait3A_734, %dma_wait3A_735] : memref<128x128xf32, #tpu.memory_space<vmem>> -> memref<125x128xf32, #tpu.memory_space<vmem>>
        %dma_wait3A_737 = arith.constant 0 : i32
        %dma_wait3A_738 = tpu.memref_slice %arg7[%mul3A_688, %dma_wait3A_737] : memref<40x125xi32, #tpu.memory_space<vmem>> -> memref<1x125xi32, #tpu.memory_space<vmem>>
        %dma_wait3A_739 = tpu.memref_squeeze %dma_wait3A_738 : memref<1x125xi32, #tpu.memory_space<vmem>> -> memref<125xi32, #tpu.memory_space<vmem>>
        %dma_wait3A_740 = arith.constant 0 : i32
        %dma_wait3A_741 = arith.constant 0 : i32
        %dma_wait3A_742 = tpu.memref_slice %arg12[%dma_wait3A_740, %dma_wait3A_741] : memref<10000x128xf32, #tpu.memory_space<vmem_shared>> -> memref<10000x128xf32, #tpu.memory_space<vmem_shared>>
        tpu.wait_indirect_dma semaphore(%run_scoped3A : memref<!tpu.dma_semaphore, #tpu.memory_space<semaphore_mem>>) src(%dma_wait3A_736 : memref<125x128xf32, #tpu.memory_space<vmem>>) dst(%dma_wait3A_742 : memref<10000x128xf32, #tpu.memory_space<vmem_shared>>)
        tpu.yield
      }) : () -> ()
      %lt3A_709 = arith.constant 19 : i32
      %lt3A_710 = arith.cmpi slt, %scan3A_685, %lt3A_709 : i32
      %convert_element_type3A_711 = arith.extui %lt3A_710 : i1 to i32
      %cond3A_712 = arith.constant 0 : i32
      %cond3A_713 = arith.cmpi ne, %convert_element_type3A_711, %cond3A_712 : i32
      scf.if %cond3A_713 {
        %add3A_725 = arith.constant 2 : i32
        %add3A_726 = arith.addi %mul3A_688, %add3A_725 : i32
        %dma_start3A_727 = arith.constant 0 : i32
        %dma_start3A_728 = arith.constant 0 : i32
        %dma_start3A_729 = tpu.memref_slice %arg8[%dma_start3A_727, %dma_start3A_728] : memref<128x128xf32, #tpu.memory_space<vmem>> -> memref<125x128xf32, #tpu.memory_space<vmem>>
        %dma_start3A_730 = arith.constant 0 : i32
        %dma_start3A_731 = tpu.memref_slice %arg6[%add3A_726, %dma_start3A_730] : memref<40x125xi32, #tpu.memory_space<vmem>> -> memref<1x125xi32, #tpu.memory_space<vmem>>
        %dma_start3A_732 = tpu.memref_squeeze %dma_start3A_731 : memref<1x125xi32, #tpu.memory_space<vmem>> -> memref<125xi32, #tpu.memory_space<vmem>>
        %dma_start3A_733 = arith.constant 0 : i32
        %dma_start3A_734 = tpu.memref_slice %arg2[%multiple_of3A, %dma_start3A_733] : memref<20000x128xf32, #tpu.memory_space<hbm>> -> memref<10000x128xf32, #tpu.memory_space<hbm>>
        %dma_start3A_735 = arith.constant 0 : i32
        %dma_start3A_736 = arith.constant 0 : i32
        %dma_start3A_737 = tpu.memref_slice %dma_start3A_734[%dma_start3A_735, %dma_start3A_736] : memref<10000x128xf32, #tpu.memory_space<hbm>> -> memref<10000x128xf32, #tpu.memory_space<hbm>>
        tpu.enqueue_indirect_dma source(%dma_start3A_737 : memref<10000x128xf32, #tpu.memory_space<hbm>>) target(%dma_start3A_729 : memref<125x128xf32, #tpu.memory_space<vmem>>) offsets(%dma_start3A_732 : memref<125xi32, #tpu.memory_space<vmem>>) semaphore(%arg13 : memref<!tpu.dma_semaphore, #tpu.memory_space<semaphore_mem>>)
      } else {
      }
      %dma_wait3A_714 = arith.constant 0 : i32
      %dma_wait3A_715 = tpu.memref_slice %arg6[%add3A_690, %dma_wait3A_714] : memref<40x125xi32, #tpu.memory_space<vmem>> -> memref<1x125xi32, #tpu.memory_space<vmem>>
      %dma_wait3A_716 = tpu.memref_squeeze %dma_wait3A_715 : memref<1x125xi32, #tpu.memory_space<vmem>> -> memref<125xi32, #tpu.memory_space<vmem>>
      %dma_wait3A_717 = arith.constant 0 : i32
      %dma_wait3A_718 = tpu.memref_slice %arg2[%multiple_of3A, %dma_wait3A_717] : memref<20000x128xf32, #tpu.memory_space<hbm>> -> memref<10000x128xf32, #tpu.memory_space<hbm>>
      %dma_wait3A_719 = arith.constant 0 : i32
      %dma_wait3A_720 = arith.constant 0 : i32
      %dma_wait3A_721 = tpu.memref_slice %dma_wait3A_718[%dma_wait3A_719, %dma_wait3A_720] : memref<10000x128xf32, #tpu.memory_space<hbm>> -> memref<10000x128xf32, #tpu.memory_space<hbm>>
      tpu.wait_indirect_dma semaphore(%arg14 : memref<!tpu.dma_semaphore, #tpu.memory_space<semaphore_mem>>) src(%dma_wait3A_721 : memref<10000x128xf32, #tpu.memory_space<hbm>>) dst(%arg9 : memref<125x128xf32, #tpu.memory_space<vmem>>)
      %add3A_722 = arith.constant 1 : i32
      %add3A_723 = arith.addi %mul3A_688, %add3A_722 : i32
      "tpu.region"() ({
        %run_scoped3A = tpu.sem_alloc : memref<!tpu.dma_semaphore, #tpu.memory_space<semaphore_mem>>
        %dma_start3A_725 = arith.constant 0 : i32
        %dma_start3A_726 = tpu.memref_slice %arg7[%add3A_723, %dma_start3A_725] : memref<40x125xi32, #tpu.memory_space<vmem>> -> memref<1x125xi32, #tpu.memory_space<vmem>>
        %dma_start3A_727 = tpu.memref_squeeze %dma_start3A_726 : memref<1x125xi32, #tpu.memory_space<vmem>> -> memref<125xi32, #tpu.memory_space<vmem>>
        %dma_start3A_728 = arith.constant 0 : i32
        %dma_start3A_729 = arith.constant 0 : i32
        %dma_start3A_730 = tpu.memref_slice %arg12[%dma_start3A_728, %dma_start3A_729] : memref<10000x128xf32, #tpu.memory_space<vmem_shared>> -> memref<10000x128xf32, #tpu.memory_space<vmem_shared>>
        tpu.enqueue_indirect_dma source(%arg9 : memref<125x128xf32, #tpu.memory_space<vmem>>) target(%dma_start3A_730 : memref<10000x128xf32, #tpu.memory_space<vmem_shared>>) offsets(%dma_start3A_727 : memref<125xi32, #tpu.memory_space<vmem>>) semaphore(%run_scoped3A : memref<!tpu.dma_semaphore, #tpu.memory_space<semaphore_mem>>) {add = true}
        %dma_wait3A_731 = arith.constant 0 : i32
        %dma_wait3A_732 = tpu.memref_slice %arg7[%add3A_723, %dma_wait3A_731] : memref<40x125xi32, #tpu.memory_space<vmem>> -> memref<1x125xi32, #tpu.memory_space<vmem>>
        %dma_wait3A_733 = tpu.memref_squeeze %dma_wait3A_732 : memref<1x125xi32, #tpu.memory_space<vmem>> -> memref<125xi32, #tpu.memory_space<vmem>>
        %dma_wait3A_734 = arith.constant 0 : i32
        %dma_wait3A_735 = arith.constant 0 : i32
        %dma_wait3A_736 = tpu.memref_slice %arg12[%dma_wait3A_734, %dma_wait3A_735] : memref<10000x128xf32, #tpu.memory_space<vmem_shared>> -> memref<10000x128xf32, #tpu.memory_space<vmem_shared>>
        tpu.wait_indirect_dma semaphore(%run_scoped3A : memref<!tpu.dma_semaphore, #tpu.memory_space<semaphore_mem>>) src(%arg9 : memref<125x128xf32, #tpu.memory_space<vmem>>) dst(%dma_wait3A_736 : memref<10000x128xf32, #tpu.memory_space<vmem_shared>>)
        tpu.yield
      }) : () -> ()
      %scan3A_724 = arith.constant 0 : i32
      scf.yield %scan3A_724 : i32
    }
    %scan3A_646 = arith.constant 20 : i32
    %mul3A_647 = arith.constant 80 : i32
    %mul3A_648 = arith.muli %arg1, %mul3A_647 : i32
    %add3A_649 = arith.constant 40 : i32
    %add3A_650 = arith.addi %mul3A_648, %add3A_649 : i32
    "tpu.region"() ({
      %run_scoped3A = tpu.sem_alloc : memref<!tpu.dma_semaphore, #tpu.memory_space<semaphore_mem>>
      %dma_start3A_685 = arith.constant 0 : i32
      %dma_start3A_686 = tpu.memref_slice %arg3[%add3A_650, %dma_start3A_685] : memref<1280x125xi32, #tpu.memory_space<hbm>> -> memref<40x125xi32, #tpu.memory_space<hbm>>
      %dma_start3A_687 = arith.constant 0 : i32
      %dma_start3A_688 = tpu.memref_slice %arg3[%add3A_650, %dma_start3A_687] : memref<1280x125xi32, #tpu.memory_space<hbm>> -> memref<40x125xi32, #tpu.memory_space<hbm>>
      tpu.enqueue_dma source(%dma_start3A_688 : memref<40x125xi32, #tpu.memory_space<hbm>>) target(%arg6 : memref<40x125xi32, #tpu.memory_space<vmem>>) target_semaphore(%run_scoped3A : memref<!tpu.dma_semaphore, #tpu.memory_space<semaphore_mem>>)
      %dma_wait3A = arith.constant 0 : i32
      %dma_wait3A_689 = tpu.memref_slice %arg3[%add3A_650, %dma_wait3A] : memref<1280x125xi32, #tpu.memory_space<hbm>> -> memref<40x125xi32, #tpu.memory_space<hbm>>
      %dma_wait3A_690 = arith.constant 0 : i32
      %dma_wait3A_691 = tpu.memref_slice %arg3[%add3A_650, %dma_wait3A_690] : memref<1280x125xi32, #tpu.memory_space<hbm>> -> memref<40x125xi32, #tpu.memory_space<hbm>>
      tpu.wait_dma2 semaphore(%run_scoped3A : memref<!tpu.dma_semaphore, #tpu.memory_space<semaphore_mem>>) src(%dma_wait3A_691 : memref<40x125xi32, #tpu.memory_space<hbm>>) dst(%arg6 : memref<40x125xi32, #tpu.memory_space<vmem>>)
      tpu.yield
    }) : () -> ()
    %mul3A_651 = arith.constant 80 : i32
    %mul3A_652 = arith.muli %arg1, %mul3A_651 : i32
    %add3A_653 = arith.constant 40 : i32
    %add3A_654 = arith.addi %mul3A_652, %add3A_653 : i32
    "tpu.region"() ({
      %run_scoped3A = tpu.sem_alloc : memref<!tpu.dma_semaphore, #tpu.memory_space<semaphore_mem>>
      %dma_start3A_685 = arith.constant 0 : i32
      %dma_start3A_686 = tpu.memref_slice %arg4[%add3A_654, %dma_start3A_685] : memref<1280x125xi32, #tpu.memory_space<hbm>> -> memref<40x125xi32, #tpu.memory_space<hbm>>
      %dma_start3A_687 = arith.constant 0 : i32
      %dma_start3A_688 = tpu.memref_slice %arg4[%add3A_654, %dma_start3A_687] : memref<1280x125xi32, #tpu.memory_space<hbm>> -> memref<40x125xi32, #tpu.memory_space<hbm>>
      tpu.enqueue_dma source(%dma_start3A_688 : memref<40x125xi32, #tpu.memory_space<hbm>>) target(%arg7 : memref<40x125xi32, #tpu.memory_space<vmem>>) target_semaphore(%run_scoped3A : memref<!tpu.dma_semaphore, #tpu.memory_space<semaphore_mem>>)
      %dma_wait3A = arith.constant 0 : i32
      %dma_wait3A_689 = tpu.memref_slice %arg4[%add3A_654, %dma_wait3A] : memref<1280x125xi32, #tpu.memory_space<hbm>> -> memref<40x125xi32, #tpu.memory_space<hbm>>
      %dma_wait3A_690 = arith.constant 0 : i32
      %dma_wait3A_691 = tpu.memref_slice %arg4[%add3A_654, %dma_wait3A_690] : memref<1280x125xi32, #tpu.memory_space<hbm>> -> memref<40x125xi32, #tpu.memory_space<hbm>>
      tpu.wait_dma2 semaphore(%run_scoped3A : memref<!tpu.dma_semaphore, #tpu.memory_space<semaphore_mem>>) src(%dma_wait3A_691 : memref<40x125xi32, #tpu.memory_space<hbm>>) dst(%arg7 : memref<40x125xi32, #tpu.memory_space<vmem>>)
      tpu.yield
    }) : () -> ()
    %dma_start3A_655 = arith.constant 0 : i32
    %dma_start3A_656 = arith.constant 0 : i32
    %dma_start3A_657 = arith.constant 0 : i32
    %dma_start3A_658 = tpu.memref_slice %arg8[%dma_start3A_656, %dma_start3A_657] : memref<128x128xf32, #tpu.memory_space<vmem>> -> memref<125x128xf32, #tpu.memory_space<vmem>>
    %dma_start3A_659 = arith.constant 0 : i32
    %dma_start3A_660 = tpu.memref_slice %arg6[%dma_start3A_655, %dma_start3A_659] : memref<40x125xi32, #tpu.memory_space<vmem>> -> memref<1x125xi32, #tpu.memory_space<vmem>>
    %dma_start3A_661 = tpu.memref_squeeze %dma_start3A_660 : memref<1x125xi32, #tpu.memory_space<vmem>> -> memref<125xi32, #tpu.memory_space<vmem>>
    %dma_start3A_662 = arith.constant 0 : i32
    %dma_start3A_663 = tpu.memref_slice %arg2[%multiple_of3A, %dma_start3A_662] : memref<20000x128xf32, #tpu.memory_space<hbm>> -> memref<10000x128xf32, #tpu.memory_space<hbm>>
    %dma_start3A_664 = arith.constant 0 : i32
    %dma_start3A_665 = arith.constant 0 : i32
    %dma_start3A_666 = tpu.memref_slice %dma_start3A_663[%dma_start3A_664, %dma_start3A_665] : memref<10000x128xf32, #tpu.memory_space<hbm>> -> memref<10000x128xf32, #tpu.memory_space<hbm>>
    tpu.enqueue_indirect_dma source(%dma_start3A_666 : memref<10000x128xf32, #tpu.memory_space<hbm>>) target(%dma_start3A_658 : memref<125x128xf32, #tpu.memory_space<vmem>>) offsets(%dma_start3A_661 : memref<125xi32, #tpu.memory_space<vmem>>) semaphore(%arg13 : memref<!tpu.dma_semaphore, #tpu.memory_space<semaphore_mem>>)
    %scan3A_667 = arith.constant 0 : i32
    %scan3A_668 = arith.constant 0 : i32
    %scan3A_669 = arith.constant 20 : i32
    %scan3A_670 = arith.addi %scan3A_668, %scan3A_669 : i32
    %scan3A_671 = arith.constant 1 : i32
    %scan3A_672 = scf.for %scan3A_685 = %scan3A_668 to %scan3A_670 step %scan3A_671 iter_args(%scan3A_686 = %scan3A_667) -> (i32)  : i32 {
      %mul3A_687 = arith.constant 2 : i32
      %mul3A_688 = arith.muli %mul3A_687, %scan3A_685 : i32
      %add3A_689 = arith.constant 1 : i32
      %add3A_690 = arith.addi %mul3A_688, %add3A_689 : i32
      %dma_start3A_691 = arith.constant 0 : i32
      %dma_start3A_692 = tpu.memref_slice %arg6[%add3A_690, %dma_start3A_691] : memref<40x125xi32, #tpu.memory_space<vmem>> -> memref<1x125xi32, #tpu.memory_space<vmem>>
      %dma_start3A_693 = tpu.memref_squeeze %dma_start3A_692 : memref<1x125xi32, #tpu.memory_space<vmem>> -> memref<125xi32, #tpu.memory_space<vmem>>
      %dma_start3A_694 = arith.constant 0 : i32
      %dma_start3A_695 = tpu.memref_slice %arg2[%multiple_of3A, %dma_start3A_694] : memref<20000x128xf32, #tpu.memory_space<hbm>> -> memref<10000x128xf32, #tpu.memory_space<hbm>>
      %dma_start3A_696 = arith.constant 0 : i32
      %dma_start3A_697 = arith.constant 0 : i32
      %dma_start3A_698 = tpu.memref_slice %dma_start3A_695[%dma_start3A_696, %dma_start3A_697] : memref<10000x128xf32, #tpu.memory_space<hbm>> -> memref<10000x128xf32, #tpu.memory_space<hbm>>
      tpu.enqueue_indirect_dma source(%dma_start3A_698 : memref<10000x128xf32, #tpu.memory_space<hbm>>) target(%arg9 : memref<125x128xf32, #tpu.memory_space<vmem>>) offsets(%dma_start3A_693 : memref<125xi32, #tpu.memory_space<vmem>>) semaphore(%arg14 : memref<!tpu.dma_semaphore, #tpu.memory_space<semaphore_mem>>)
      %dma_wait3A = arith.constant 0 : i32
      %dma_wait3A_699 = arith.constant 0 : i32
      %dma_wait3A_700 = tpu.memref_slice %arg8[%dma_wait3A, %dma_wait3A_699] : memref<128x128xf32, #tpu.memory_space<vmem>> -> memref<125x128xf32, #tpu.memory_space<vmem>>
      %dma_wait3A_701 = arith.constant 0 : i32
      %dma_wait3A_702 = tpu.memref_slice %arg6[%mul3A_688, %dma_wait3A_701] : memref<40x125xi32, #tpu.memory_space<vmem>> -> memref<1x125xi32, #tpu.memory_space<vmem>>
      %dma_wait3A_703 = tpu.memref_squeeze %dma_wait3A_702 : memref<1x125xi32, #tpu.memory_space<vmem>> -> memref<125xi32, #tpu.memory_space<vmem>>
      %dma_wait3A_704 = arith.constant 0 : i32
      %dma_wait3A_705 = tpu.memref_slice %arg2[%multiple_of3A, %dma_wait3A_704] : memref<20000x128xf32, #tpu.memory_space<hbm>> -> memref<10000x128xf32, #tpu.memory_space<hbm>>
      %dma_wait3A_706 = arith.constant 0 : i32
      %dma_wait3A_707 = arith.constant 0 : i32
      %dma_wait3A_708 = tpu.memref_slice %dma_wait3A_705[%dma_wait3A_706, %dma_wait3A_707] : memref<10000x128xf32, #tpu.memory_space<hbm>> -> memref<10000x128xf32, #tpu.memory_space<hbm>>
      tpu.wait_indirect_dma semaphore(%arg13 : memref<!tpu.dma_semaphore, #tpu.memory_space<semaphore_mem>>) src(%dma_wait3A_708 : memref<10000x128xf32, #tpu.memory_space<hbm>>) dst(%dma_wait3A_700 : memref<125x128xf32, #tpu.memory_space<vmem>>)
      "tpu.region"() ({
        %run_scoped3A = tpu.sem_alloc : memref<!tpu.dma_semaphore, #tpu.memory_space<semaphore_mem>>
        %dma_start3A_725 = arith.constant 0 : i32
        %dma_start3A_726 = arith.constant 0 : i32
        %dma_start3A_727 = tpu.memref_slice %arg8[%dma_start3A_725, %dma_start3A_726] : memref<128x128xf32, #tpu.memory_space<vmem>> -> memref<125x128xf32, #tpu.memory_space<vmem>>
        %dma_start3A_728 = arith.constant 0 : i32
        %dma_start3A_729 = tpu.memref_slice %arg7[%mul3A_688, %dma_start3A_728] : memref<40x125xi32, #tpu.memory_space<vmem>> -> memref<1x125xi32, #tpu.memory_space<vmem>>
        %dma_start3A_730 = tpu.memref_squeeze %dma_start3A_729 : memref<1x125xi32, #tpu.memory_space<vmem>> -> memref<125xi32, #tpu.memory_space<vmem>>
        %dma_start3A_731 = arith.constant 0 : i32
        %dma_start3A_732 = arith.constant 0 : i32
        %dma_start3A_733 = tpu.memref_slice %arg12[%dma_start3A_731, %dma_start3A_732] : memref<10000x128xf32, #tpu.memory_space<vmem_shared>> -> memref<10000x128xf32, #tpu.memory_space<vmem_shared>>
        tpu.enqueue_indirect_dma source(%dma_start3A_727 : memref<125x128xf32, #tpu.memory_space<vmem>>) target(%dma_start3A_733 : memref<10000x128xf32, #tpu.memory_space<vmem_shared>>) offsets(%dma_start3A_730 : memref<125xi32, #tpu.memory_space<vmem>>) semaphore(%run_scoped3A : memref<!tpu.dma_semaphore, #tpu.memory_space<semaphore_mem>>) {add = true}
        %dma_wait3A_734 = arith.constant 0 : i32
        %dma_wait3A_735 = arith.constant 0 : i32
        %dma_wait3A_736 = tpu.memref_slice %arg8[%dma_wait3A_734, %dma_wait3A_735] : memref<128x128xf32, #tpu.memory_space<vmem>> -> memref<125x128xf32, #tpu.memory_space<vmem>>
        %dma_wait3A_737 = arith.constant 0 : i32
        %dma_wait3A_738 = tpu.memref_slice %arg7[%mul3A_688, %dma_wait3A_737] : memref<40x125xi32, #tpu.memory_space<vmem>> -> memref<1x125xi32, #tpu.memory_space<vmem>>
        %dma_wait3A_739 = tpu.memref_squeeze %dma_wait3A_738 : memref<1x125xi32, #tpu.memory_space<vmem>> -> memref<125xi32, #tpu.memory_space<vmem>>
        %dma_wait3A_740 = arith.constant 0 : i32
        %dma_wait3A_741 = arith.constant 0 : i32
        %dma_wait3A_742 = tpu.memref_slice %arg12[%dma_wait3A_740, %dma_wait3A_741] : memref<10000x128xf32, #tpu.memory_space<vmem_shared>> -> memref<10000x128xf32, #tpu.memory_space<vmem_shared>>
        tpu.wait_indirect_dma semaphore(%run_scoped3A : memref<!tpu.dma_semaphore, #tpu.memory_space<semaphore_mem>>) src(%dma_wait3A_736 : memref<125x128xf32, #tpu.memory_space<vmem>>) dst(%dma_wait3A_742 : memref<10000x128xf32, #tpu.memory_space<vmem_shared>>)
        tpu.yield
      }) : () -> ()
      %lt3A_709 = arith.constant 19 : i32
      %lt3A_710 = arith.cmpi slt, %scan3A_685, %lt3A_709 : i32
      %convert_element_type3A_711 = arith.extui %lt3A_710 : i1 to i32
      %cond3A_712 = arith.constant 0 : i32
      %cond3A_713 = arith.cmpi ne, %convert_element_type3A_711, %cond3A_712 : i32
      scf.if %cond3A_713 {
        %add3A_725 = arith.constant 2 : i32
        %add3A_726 = arith.addi %mul3A_688, %add3A_725 : i32
        %dma_start3A_727 = arith.constant 0 : i32
        %dma_start3A_728 = arith.constant 0 : i32
        %dma_start3A_729 = tpu.memref_slice %arg8[%dma_start3A_727, %dma_start3A_728] : memref<128x128xf32, #tpu.memory_space<vmem>> -> memref<125x128xf32, #tpu.memory_space<vmem>>
        %dma_start3A_730 = arith.constant 0 : i32
        %dma_start3A_731 = tpu.memref_slice %arg6[%add3A_726, %dma_start3A_730] : memref<40x125xi32, #tpu.memory_space<vmem>> -> memref<1x125xi32, #tpu.memory_space<vmem>>
        %dma_start3A_732 = tpu.memref_squeeze %dma_start3A_731 : memref<1x125xi32, #tpu.memory_space<vmem>> -> memref<125xi32, #tpu.memory_space<vmem>>
        %dma_start3A_733 = arith.constant 0 : i32
        %dma_start3A_734 = tpu.memref_slice %arg2[%multiple_of3A, %dma_start3A_733] : memref<20000x128xf32, #tpu.memory_space<hbm>> -> memref<10000x128xf32, #tpu.memory_space<hbm>>
        %dma_start3A_735 = arith.constant 0 : i32
        %dma_start3A_736 = arith.constant 0 : i32
        %dma_start3A_737 = tpu.memref_slice %dma_start3A_734[%dma_start3A_735, %dma_start3A_736] : memref<10000x128xf32, #tpu.memory_space<hbm>> -> memref<10000x128xf32, #tpu.memory_space<hbm>>
        tpu.enqueue_indirect_dma source(%dma_start3A_737 : memref<10000x128xf32, #tpu.memory_space<hbm>>) target(%dma_start3A_729 : memref<125x128xf32, #tpu.memory_space<vmem>>) offsets(%dma_start3A_732 : memref<125xi32, #tpu.memory_space<vmem>>) semaphore(%arg13 : memref<!tpu.dma_semaphore, #tpu.memory_space<semaphore_mem>>)
      } else {
      }
      %dma_wait3A_714 = arith.constant 0 : i32
      %dma_wait3A_715 = tpu.memref_slice %arg6[%add3A_690, %dma_wait3A_714] : memref<40x125xi32, #tpu.memory_space<vmem>> -> memref<1x125xi32, #tpu.memory_space<vmem>>
      %dma_wait3A_716 = tpu.memref_squeeze %dma_wait3A_715 : memref<1x125xi32, #tpu.memory_space<vmem>> -> memref<125xi32, #tpu.memory_space<vmem>>
      %dma_wait3A_717 = arith.constant 0 : i32
      %dma_wait3A_718 = tpu.memref_slice %arg2[%multiple_of3A, %dma_wait3A_717] : memref<20000x128xf32, #tpu.memory_space<hbm>> -> memref<10000x128xf32, #tpu.memory_space<hbm>>
      %dma_wait3A_719 = arith.constant 0 : i32
      %dma_wait3A_720 = arith.constant 0 : i32
      %dma_wait3A_721 = tpu.memref_slice %dma_wait3A_718[%dma_wait3A_719, %dma_wait3A_720] : memref<10000x128xf32, #tpu.memory_space<hbm>> -> memref<10000x128xf32, #tpu.memory_space<hbm>>
      tpu.wait_indirect_dma semaphore(%arg14 : memref<!tpu.dma_semaphore, #tpu.memory_space<semaphore_mem>>) src(%dma_wait3A_721 : memref<10000x128xf32, #tpu.memory_space<hbm>>) dst(%arg9 : memref<125x128xf32, #tpu.memory_space<vmem>>)
      %add3A_722 = arith.constant 1 : i32
      %add3A_723 = arith.addi %mul3A_688, %add3A_722 : i32
      "tpu.region"() ({
        %run_scoped3A = tpu.sem_alloc : memref<!tpu.dma_semaphore, #tpu.memory_space<semaphore_mem>>
        %dma_start3A_725 = arith.constant 0 : i32
        %dma_start3A_726 = tpu.memref_slice %arg7[%add3A_723, %dma_start3A_725] : memref<40x125xi32, #tpu.memory_space<vmem>> -> memref<1x125xi32, #tpu.memory_space<vmem>>
        %dma_start3A_727 = tpu.memref_squeeze %dma_start3A_726 : memref<1x125xi32, #tpu.memory_space<vmem>> -> memref<125xi32, #tpu.memory_space<vmem>>
        %dma_start3A_728 = arith.constant 0 : i32
        %dma_start3A_729 = arith.constant 0 : i32
        %dma_start3A_730 = tpu.memref_slice %arg12[%dma_start3A_728, %dma_start3A_729] : memref<10000x128xf32, #tpu.memory_space<vmem_shared>> -> memref<10000x128xf32, #tpu.memory_space<vmem_shared>>
        tpu.enqueue_indirect_dma source(%arg9 : memref<125x128xf32, #tpu.memory_space<vmem>>) target(%dma_start3A_730 : memref<10000x128xf32, #tpu.memory_space<vmem_shared>>) offsets(%dma_start3A_727 : memref<125xi32, #tpu.memory_space<vmem>>) semaphore(%run_scoped3A : memref<!tpu.dma_semaphore, #tpu.memory_space<semaphore_mem>>) {add = true}
        %dma_wait3A_731 = arith.constant 0 : i32
        %dma_wait3A_732 = tpu.memref_slice %arg7[%add3A_723, %dma_wait3A_731] : memref<40x125xi32, #tpu.memory_space<vmem>> -> memref<1x125xi32, #tpu.memory_space<vmem>>
        %dma_wait3A_733 = tpu.memref_squeeze %dma_wait3A_732 : memref<1x125xi32, #tpu.memory_space<vmem>> -> memref<125xi32, #tpu.memory_space<vmem>>
        %dma_wait3A_734 = arith.constant 0 : i32
        %dma_wait3A_735 = arith.constant 0 : i32
        %dma_wait3A_736 = tpu.memref_slice %arg12[%dma_wait3A_734, %dma_wait3A_735] : memref<10000x128xf32, #tpu.memory_space<vmem_shared>> -> memref<10000x128xf32, #tpu.memory_space<vmem_shared>>
        tpu.wait_indirect_dma semaphore(%run_scoped3A : memref<!tpu.dma_semaphore, #tpu.memory_space<semaphore_mem>>) src(%arg9 : memref<125x128xf32, #tpu.memory_space<vmem>>) dst(%dma_wait3A_736 : memref<10000x128xf32, #tpu.memory_space<vmem_shared>>)
        tpu.yield
      }) : () -> ()
      %scan3A_724 = arith.constant 0 : i32
      scf.yield %scan3A_724 : i32
    }
    %scan3A_673 = arith.constant 20 : i32
    %barrier3A_674 = arith.constant 0 : index
    tpu.barrier barrier_id(%barrier3A_674)
    %lt3A_675 = arith.constant 15 : i32
    %lt3A_676 = arith.cmpi slt, %arg1, %lt3A_675 : i32
    %convert_element_type3A_677 = arith.extui %lt3A_676 : i1 to i32
    %cond3A_678 = arith.constant 0 : i32
    %cond3A_679 = arith.cmpi ne, %convert_element_type3A_677, %cond3A_678 : i32
    scf.if %cond3A_679 {
      %dma_start3A_685 = arith.constant 0 : i32
      %dma_start3A_686 = arith.constant 0 : i32
      %dma_start3A_687 = tpu.memref_slice %arg10[%dma_start3A_685, %dma_start3A_686] : memref<5x128xi32, #tpu.memory_space<vmem>> -> memref<1x128xi32, #tpu.memory_space<vmem>>
      %dma_start3A_688 = tpu.memref_squeeze %dma_start3A_687 : memref<1x128xi32, #tpu.memory_space<vmem>> -> memref<128xi32, #tpu.memory_space<vmem>>
      %dma_start3A_689 = arith.constant 0 : i32
      %dma_start3A_690 = arith.constant 0 : i32
      %dma_start3A_691 = tpu.memref_slice %arg12[%dma_start3A_689, %dma_start3A_690] : memref<10000x128xf32, #tpu.memory_space<vmem_shared>> -> memref<10000x128xf32, #tpu.memory_space<vmem_shared>>
      tpu.enqueue_indirect_dma source(%dma_start3A_691 : memref<10000x128xf32, #tpu.memory_space<vmem_shared>>) target(%arg8 : memref<128x128xf32, #tpu.memory_space<vmem>>) offsets(%dma_start3A_688 : memref<128xi32, #tpu.memory_space<vmem>>) semaphore(%arg13 : memref<!tpu.dma_semaphore, #tpu.memory_space<semaphore_mem>>)
      %dma_wait3A = arith.constant 0 : i32
      %dma_wait3A_692 = arith.constant 0 : i32
      %dma_wait3A_693 = tpu.memref_slice %arg10[%dma_wait3A, %dma_wait3A_692] : memref<5x128xi32, #tpu.memory_space<vmem>> -> memref<1x128xi32, #tpu.memory_space<vmem>>
      %dma_wait3A_694 = tpu.memref_squeeze %dma_wait3A_693 : memref<1x128xi32, #tpu.memory_space<vmem>> -> memref<128xi32, #tpu.memory_space<vmem>>
      %dma_wait3A_695 = arith.constant 0 : i32
      %dma_wait3A_696 = arith.constant 0 : i32
      %dma_wait3A_697 = tpu.memref_slice %arg12[%dma_wait3A_695, %dma_wait3A_696] : memref<10000x128xf32, #tpu.memory_space<vmem_shared>> -> memref<10000x128xf32, #tpu.memory_space<vmem_shared>>
      tpu.wait_indirect_dma semaphore(%arg13 : memref<!tpu.dma_semaphore, #tpu.memory_space<semaphore_mem>>) src(%dma_wait3A_697 : memref<10000x128xf32, #tpu.memory_space<vmem_shared>>) dst(%arg8 : memref<128x128xf32, #tpu.memory_space<vmem>>)
      %mul3A_698 = arith.constant 10000 : i32
      %mul3A_699 = arith.muli %arg0, %mul3A_698 : i32
      %mul3A_700 = arith.constant 640 : i32
      %mul3A_701 = arith.muli %arg1, %mul3A_700 : i32
      %add3A_702 = arith.addi %mul3A_699, %mul3A_701 : i32
      %add3A_703 = arith.constant 0 : i32
      %add3A_704 = arith.addi %add3A_702, %add3A_703 : i32
      "tpu.region"() ({
        %run_scoped3A = tpu.sem_alloc : memref<!tpu.dma_semaphore, #tpu.memory_space<semaphore_mem>>
        %dma_start3A_789 = arith.constant 0 : i32
        %dma_start3A_790 = tpu.memref_slice %arg5[%add3A_704, %dma_start3A_789] : memref<20000x128xf32, #tpu.memory_space<hbm>> -> memref<128x128xf32, #tpu.memory_space<hbm>>
        %dma_start3A_791 = arith.constant 0 : i32
        %dma_start3A_792 = tpu.memref_slice %arg5[%add3A_704, %dma_start3A_791] : memref<20000x128xf32, #tpu.memory_space<hbm>> -> memref<128x128xf32, #tpu.memory_space<hbm>>
        tpu.enqueue_dma source(%arg8 : memref<128x128xf32, #tpu.memory_space<vmem>>) target(%dma_start3A_792 : memref<128x128xf32, #tpu.memory_space<hbm>>) target_semaphore(%run_scoped3A : memref<!tpu.dma_semaphore, #tpu.memory_space<semaphore_mem>>)
        %dma_wait3A_793 = arith.constant 0 : i32
        %dma_wait3A_794 = tpu.memref_slice %arg5[%add3A_704, %dma_wait3A_793] : memref<20000x128xf32, #tpu.memory_space<hbm>> -> memref<128x128xf32, #tpu.memory_space<hbm>>
        %dma_wait3A_795 = arith.constant 0 : i32
        %dma_wait3A_796 = tpu.memref_slice %arg5[%add3A_704, %dma_wait3A_795] : memref<20000x128xf32, #tpu.memory_space<hbm>> -> memref<128x128xf32, #tpu.memory_space<hbm>>
        tpu.wait_dma2 semaphore(%run_scoped3A : memref<!tpu.dma_semaphore, #tpu.memory_space<semaphore_mem>>) src(%arg8 : memref<128x128xf32, #tpu.memory_space<vmem>>) dst(%dma_wait3A_796 : memref<128x128xf32, #tpu.memory_space<hbm>>)
        tpu.yield
      }) : () -> ()
      %dma_start3A_705 = arith.constant 1 : i32
      %dma_start3A_706 = arith.constant 0 : i32
      %dma_start3A_707 = tpu.memref_slice %arg10[%dma_start3A_705, %dma_start3A_706] : memref<5x128xi32, #tpu.memory_space<vmem>> -> memref<1x128xi32, #tpu.memory_space<vmem>>
      %dma_start3A_708 = tpu.memref_squeeze %dma_start3A_707 : memref<1x128xi32, #tpu.memory_space<vmem>> -> memref<128xi32, #tpu.memory_space<vmem>>
      %dma_start3A_709 = arith.constant 0 : i32
      %dma_start3A_710 = arith.constant 0 : i32
      %dma_start3A_711 = tpu.memref_slice %arg12[%dma_start3A_709, %dma_start3A_710] : memref<10000x128xf32, #tpu.memory_space<vmem_shared>> -> memref<10000x128xf32, #tpu.memory_space<vmem_shared>>
      tpu.enqueue_indirect_dma source(%dma_start3A_711 : memref<10000x128xf32, #tpu.memory_space<vmem_shared>>) target(%arg8 : memref<128x128xf32, #tpu.memory_space<vmem>>) offsets(%dma_start3A_708 : memref<128xi32, #tpu.memory_space<vmem>>) semaphore(%arg13 : memref<!tpu.dma_semaphore, #tpu.memory_space<semaphore_mem>>)
      %dma_wait3A_712 = arith.constant 1 : i32
      %dma_wait3A_713 = arith.constant 0 : i32
      %dma_wait3A_714 = tpu.memref_slice %arg10[%dma_wait3A_712, %dma_wait3A_713] : memref<5x128xi32, #tpu.memory_space<vmem>> -> memref<1x128xi32, #tpu.memory_space<vmem>>
      %dma_wait3A_715 = tpu.memref_squeeze %dma_wait3A_714 : memref<1x128xi32, #tpu.memory_space<vmem>> -> memref<128xi32, #tpu.memory_space<vmem>>
      %dma_wait3A_716 = arith.constant 0 : i32
      %dma_wait3A_717 = arith.constant 0 : i32
      %dma_wait3A_718 = tpu.memref_slice %arg12[%dma_wait3A_716, %dma_wait3A_717] : memref<10000x128xf32, #tpu.memory_space<vmem_shared>> -> memref<10000x128xf32, #tpu.memory_space<vmem_shared>>
      tpu.wait_indirect_dma semaphore(%arg13 : memref<!tpu.dma_semaphore, #tpu.memory_space<semaphore_mem>>) src(%dma_wait3A_718 : memref<10000x128xf32, #tpu.memory_space<vmem_shared>>) dst(%arg8 : memref<128x128xf32, #tpu.memory_space<vmem>>)
      %mul3A_719 = arith.constant 10000 : i32
      %mul3A_720 = arith.muli %arg0, %mul3A_719 : i32
      %mul3A_721 = arith.constant 640 : i32
      %mul3A_722 = arith.muli %arg1, %mul3A_721 : i32
      %add3A_723 = arith.addi %mul3A_720, %mul3A_722 : i32
      %add3A_724 = arith.constant 128 : i32
      %add3A_725 = arith.addi %add3A_723, %add3A_724 : i32
      "tpu.region"() ({
        %run_scoped3A = tpu.sem_alloc : memref<!tpu.dma_semaphore, #tpu.memory_space<semaphore_mem>>
        %dma_start3A_789 = arith.constant 0 : i32
        %dma_start3A_790 = tpu.memref_slice %arg5[%add3A_725, %dma_start3A_789] : memref<20000x128xf32, #tpu.memory_space<hbm>> -> memref<128x128xf32, #tpu.memory_space<hbm>>
        %dma_start3A_791 = arith.constant 0 : i32
        %dma_start3A_792 = tpu.memref_slice %arg5[%add3A_725, %dma_start3A_791] : memref<20000x128xf32, #tpu.memory_space<hbm>> -> memref<128x128xf32, #tpu.memory_space<hbm>>
        tpu.enqueue_dma source(%arg8 : memref<128x128xf32, #tpu.memory_space<vmem>>) target(%dma_start3A_792 : memref<128x128xf32, #tpu.memory_space<hbm>>) target_semaphore(%run_scoped3A : memref<!tpu.dma_semaphore, #tpu.memory_space<semaphore_mem>>)
        %dma_wait3A_793 = arith.constant 0 : i32
        %dma_wait3A_794 = tpu.memref_slice %arg5[%add3A_725, %dma_wait3A_793] : memref<20000x128xf32, #tpu.memory_space<hbm>> -> memref<128x128xf32, #tpu.memory_space<hbm>>
        %dma_wait3A_795 = arith.constant 0 : i32
        %dma_wait3A_796 = tpu.memref_slice %arg5[%add3A_725, %dma_wait3A_795] : memref<20000x128xf32, #tpu.memory_space<hbm>> -> memref<128x128xf32, #tpu.memory_space<hbm>>
        tpu.wait_dma2 semaphore(%run_scoped3A : memref<!tpu.dma_semaphore, #tpu.memory_space<semaphore_mem>>) src(%arg8 : memref<128x128xf32, #tpu.memory_space<vmem>>) dst(%dma_wait3A_796 : memref<128x128xf32, #tpu.memory_space<hbm>>)
        tpu.yield
      }) : () -> ()
      %dma_start3A_726 = arith.constant 2 : i32
      %dma_start3A_727 = arith.constant 0 : i32
      %dma_start3A_728 = tpu.memref_slice %arg10[%dma_start3A_726, %dma_start3A_727] : memref<5x128xi32, #tpu.memory_space<vmem>> -> memref<1x128xi32, #tpu.memory_space<vmem>>
      %dma_start3A_729 = tpu.memref_squeeze %dma_start3A_728 : memref<1x128xi32, #tpu.memory_space<vmem>> -> memref<128xi32, #tpu.memory_space<vmem>>
      %dma_start3A_730 = arith.constant 0 : i32
      %dma_start3A_731 = arith.constant 0 : i32
      %dma_start3A_732 = tpu.memref_slice %arg12[%dma_start3A_730, %dma_start3A_731] : memref<10000x128xf32, #tpu.memory_space<vmem_shared>> -> memref<10000x128xf32, #tpu.memory_space<vmem_shared>>
      tpu.enqueue_indirect_dma source(%dma_start3A_732 : memref<10000x128xf32, #tpu.memory_space<vmem_shared>>) target(%arg8 : memref<128x128xf32, #tpu.memory_space<vmem>>) offsets(%dma_start3A_729 : memref<128xi32, #tpu.memory_space<vmem>>) semaphore(%arg13 : memref<!tpu.dma_semaphore, #tpu.memory_space<semaphore_mem>>)
      %dma_wait3A_733 = arith.constant 2 : i32
      %dma_wait3A_734 = arith.constant 0 : i32
      %dma_wait3A_735 = tpu.memref_slice %arg10[%dma_wait3A_733, %dma_wait3A_734] : memref<5x128xi32, #tpu.memory_space<vmem>> -> memref<1x128xi32, #tpu.memory_space<vmem>>
      %dma_wait3A_736 = tpu.memref_squeeze %dma_wait3A_735 : memref<1x128xi32, #tpu.memory_space<vmem>> -> memref<128xi32, #tpu.memory_space<vmem>>
      %dma_wait3A_737 = arith.constant 0 : i32
      %dma_wait3A_738 = arith.constant 0 : i32
      %dma_wait3A_739 = tpu.memref_slice %arg12[%dma_wait3A_737, %dma_wait3A_738] : memref<10000x128xf32, #tpu.memory_space<vmem_shared>> -> memref<10000x128xf32, #tpu.memory_space<vmem_shared>>
      tpu.wait_indirect_dma semaphore(%arg13 : memref<!tpu.dma_semaphore, #tpu.memory_space<semaphore_mem>>) src(%dma_wait3A_739 : memref<10000x128xf32, #tpu.memory_space<vmem_shared>>) dst(%arg8 : memref<128x128xf32, #tpu.memory_space<vmem>>)
      %mul3A_740 = arith.constant 10000 : i32
      %mul3A_741 = arith.muli %arg0, %mul3A_740 : i32
      %mul3A_742 = arith.constant 640 : i32
      %mul3A_743 = arith.muli %arg1, %mul3A_742 : i32
      %add3A_744 = arith.addi %mul3A_741, %mul3A_743 : i32
      %add3A_745 = arith.constant 256 : i32
      %add3A_746 = arith.addi %add3A_744, %add3A_745 : i32
      "tpu.region"() ({
        %run_scoped3A = tpu.sem_alloc : memref<!tpu.dma_semaphore, #tpu.memory_space<semaphore_mem>>
        %dma_start3A_789 = arith.constant 0 : i32
        %dma_start3A_790 = tpu.memref_slice %arg5[%add3A_746, %dma_start3A_789] : memref<20000x128xf32, #tpu.memory_space<hbm>> -> memref<128x128xf32, #tpu.memory_space<hbm>>
        %dma_start3A_791 = arith.constant 0 : i32
        %dma_start3A_792 = tpu.memref_slice %arg5[%add3A_746, %dma_start3A_791] : memref<20000x128xf32, #tpu.memory_space<hbm>> -> memref<128x128xf32, #tpu.memory_space<hbm>>
        tpu.enqueue_dma source(%arg8 : memref<128x128xf32, #tpu.memory_space<vmem>>) target(%dma_start3A_792 : memref<128x128xf32, #tpu.memory_space<hbm>>) target_semaphore(%run_scoped3A : memref<!tpu.dma_semaphore, #tpu.memory_space<semaphore_mem>>)
        %dma_wait3A_793 = arith.constant 0 : i32
        %dma_wait3A_794 = tpu.memref_slice %arg5[%add3A_746, %dma_wait3A_793] : memref<20000x128xf32, #tpu.memory_space<hbm>> -> memref<128x128xf32, #tpu.memory_space<hbm>>
        %dma_wait3A_795 = arith.constant 0 : i32
        %dma_wait3A_796 = tpu.memref_slice %arg5[%add3A_746, %dma_wait3A_795] : memref<20000x128xf32, #tpu.memory_space<hbm>> -> memref<128x128xf32, #tpu.memory_space<hbm>>
        tpu.wait_dma2 semaphore(%run_scoped3A : memref<!tpu.dma_semaphore, #tpu.memory_space<semaphore_mem>>) src(%arg8 : memref<128x128xf32, #tpu.memory_space<vmem>>) dst(%dma_wait3A_796 : memref<128x128xf32, #tpu.memory_space<hbm>>)
        tpu.yield
      }) : () -> ()
      %dma_start3A_747 = arith.constant 3 : i32
      %dma_start3A_748 = arith.constant 0 : i32
      %dma_start3A_749 = tpu.memref_slice %arg10[%dma_start3A_747, %dma_start3A_748] : memref<5x128xi32, #tpu.memory_space<vmem>> -> memref<1x128xi32, #tpu.memory_space<vmem>>
      %dma_start3A_750 = tpu.memref_squeeze %dma_start3A_749 : memref<1x128xi32, #tpu.memory_space<vmem>> -> memref<128xi32, #tpu.memory_space<vmem>>
      %dma_start3A_751 = arith.constant 0 : i32
      %dma_start3A_752 = arith.constant 0 : i32
      %dma_start3A_753 = tpu.memref_slice %arg12[%dma_start3A_751, %dma_start3A_752] : memref<10000x128xf32, #tpu.memory_space<vmem_shared>> -> memref<10000x128xf32, #tpu.memory_space<vmem_shared>>
      tpu.enqueue_indirect_dma source(%dma_start3A_753 : memref<10000x128xf32, #tpu.memory_space<vmem_shared>>) target(%arg8 : memref<128x128xf32, #tpu.memory_space<vmem>>) offsets(%dma_start3A_750 : memref<128xi32, #tpu.memory_space<vmem>>) semaphore(%arg13 : memref<!tpu.dma_semaphore, #tpu.memory_space<semaphore_mem>>)
      %dma_wait3A_754 = arith.constant 3 : i32
      %dma_wait3A_755 = arith.constant 0 : i32
      %dma_wait3A_756 = tpu.memref_slice %arg10[%dma_wait3A_754, %dma_wait3A_755] : memref<5x128xi32, #tpu.memory_space<vmem>> -> memref<1x128xi32, #tpu.memory_space<vmem>>
      %dma_wait3A_757 = tpu.memref_squeeze %dma_wait3A_756 : memref<1x128xi32, #tpu.memory_space<vmem>> -> memref<128xi32, #tpu.memory_space<vmem>>
      %dma_wait3A_758 = arith.constant 0 : i32
      %dma_wait3A_759 = arith.constant 0 : i32
      %dma_wait3A_760 = tpu.memref_slice %arg12[%dma_wait3A_758, %dma_wait3A_759] : memref<10000x128xf32, #tpu.memory_space<vmem_shared>> -> memref<10000x128xf32, #tpu.memory_space<vmem_shared>>
      tpu.wait_indirect_dma semaphore(%arg13 : memref<!tpu.dma_semaphore, #tpu.memory_space<semaphore_mem>>) src(%dma_wait3A_760 : memref<10000x128xf32, #tpu.memory_space<vmem_shared>>) dst(%arg8 : memref<128x128xf32, #tpu.memory_space<vmem>>)
      %mul3A_761 = arith.constant 10000 : i32
      %mul3A_762 = arith.muli %arg0, %mul3A_761 : i32
      %mul3A_763 = arith.constant 640 : i32
      %mul3A_764 = arith.muli %arg1, %mul3A_763 : i32
      %add3A_765 = arith.addi %mul3A_762, %mul3A_764 : i32
      %add3A_766 = arith.constant 384 : i32
      %add3A_767 = arith.addi %add3A_765, %add3A_766 : i32
      "tpu.region"() ({
        %run_scoped3A = tpu.sem_alloc : memref<!tpu.dma_semaphore, #tpu.memory_space<semaphore_mem>>
        %dma_start3A_789 = arith.constant 0 : i32
        %dma_start3A_790 = tpu.memref_slice %arg5[%add3A_767, %dma_start3A_789] : memref<20000x128xf32, #tpu.memory_space<hbm>> -> memref<128x128xf32, #tpu.memory_space<hbm>>
        %dma_start3A_791 = arith.constant 0 : i32
        %dma_start3A_792 = tpu.memref_slice %arg5[%add3A_767, %dma_start3A_791] : memref<20000x128xf32, #tpu.memory_space<hbm>> -> memref<128x128xf32, #tpu.memory_space<hbm>>
        tpu.enqueue_dma source(%arg8 : memref<128x128xf32, #tpu.memory_space<vmem>>) target(%dma_start3A_792 : memref<128x128xf32, #tpu.memory_space<hbm>>) target_semaphore(%run_scoped3A : memref<!tpu.dma_semaphore, #tpu.memory_space<semaphore_mem>>)
        %dma_wait3A_793 = arith.constant 0 : i32
        %dma_wait3A_794 = tpu.memref_slice %arg5[%add3A_767, %dma_wait3A_793] : memref<20000x128xf32, #tpu.memory_space<hbm>> -> memref<128x128xf32, #tpu.memory_space<hbm>>
        %dma_wait3A_795 = arith.constant 0 : i32
        %dma_wait3A_796 = tpu.memref_slice %arg5[%add3A_767, %dma_wait3A_795] : memref<20000x128xf32, #tpu.memory_space<hbm>> -> memref<128x128xf32, #tpu.memory_space<hbm>>
        tpu.wait_dma2 semaphore(%run_scoped3A : memref<!tpu.dma_semaphore, #tpu.memory_space<semaphore_mem>>) src(%arg8 : memref<128x128xf32, #tpu.memory_space<vmem>>) dst(%dma_wait3A_796 : memref<128x128xf32, #tpu.memory_space<hbm>>)
        tpu.yield
      }) : () -> ()
      %dma_start3A_768 = arith.constant 4 : i32
      %dma_start3A_769 = arith.constant 0 : i32
      %dma_start3A_770 = tpu.memref_slice %arg10[%dma_start3A_768, %dma_start3A_769] : memref<5x128xi32, #tpu.memory_space<vmem>> -> memref<1x128xi32, #tpu.memory_space<vmem>>
      %dma_start3A_771 = tpu.memref_squeeze %dma_start3A_770 : memref<1x128xi32, #tpu.memory_space<vmem>> -> memref<128xi32, #tpu.memory_space<vmem>>
      %dma_start3A_772 = arith.constant 0 : i32
      %dma_start3A_773 = arith.constant 0 : i32
      %dma_start3A_774 = tpu.memref_slice %arg12[%dma_start3A_772, %dma_start3A_773] : memref<10000x128xf32, #tpu.memory_space<vmem_shared>> -> memref<10000x128xf32, #tpu.memory_space<vmem_shared>>
      tpu.enqueue_indirect_dma source(%dma_start3A_774 : memref<10000x128xf32, #tpu.memory_space<vmem_shared>>) target(%arg8 : memref<128x128xf32, #tpu.memory_space<vmem>>) offsets(%dma_start3A_771 : memref<128xi32, #tpu.memory_space<vmem>>) semaphore(%arg13 : memref<!tpu.dma_semaphore, #tpu.memory_space<semaphore_mem>>)
      %dma_wait3A_775 = arith.constant 4 : i32
      %dma_wait3A_776 = arith.constant 0 : i32
      %dma_wait3A_777 = tpu.memref_slice %arg10[%dma_wait3A_775, %dma_wait3A_776] : memref<5x128xi32, #tpu.memory_space<vmem>> -> memref<1x128xi32, #tpu.memory_space<vmem>>
      %dma_wait3A_778 = tpu.memref_squeeze %dma_wait3A_777 : memref<1x128xi32, #tpu.memory_space<vmem>> -> memref<128xi32, #tpu.memory_space<vmem>>
      %dma_wait3A_779 = arith.constant 0 : i32
      %dma_wait3A_780 = arith.constant 0 : i32
      %dma_wait3A_781 = tpu.memref_slice %arg12[%dma_wait3A_779, %dma_wait3A_780] : memref<10000x128xf32, #tpu.memory_space<vmem_shared>> -> memref<10000x128xf32, #tpu.memory_space<vmem_shared>>
      tpu.wait_indirect_dma semaphore(%arg13 : memref<!tpu.dma_semaphore, #tpu.memory_space<semaphore_mem>>) src(%dma_wait3A_781 : memref<10000x128xf32, #tpu.memory_space<vmem_shared>>) dst(%arg8 : memref<128x128xf32, #tpu.memory_space<vmem>>)
      %mul3A_782 = arith.constant 10000 : i32
      %mul3A_783 = arith.muli %arg0, %mul3A_782 : i32
      %mul3A_784 = arith.constant 640 : i32
      %mul3A_785 = arith.muli %arg1, %mul3A_784 : i32
      %add3A_786 = arith.addi %mul3A_783, %mul3A_785 : i32
      %add3A_787 = arith.constant 512 : i32
      %add3A_788 = arith.addi %add3A_786, %add3A_787 : i32
      "tpu.region"() ({
        %run_scoped3A = tpu.sem_alloc : memref<!tpu.dma_semaphore, #tpu.memory_space<semaphore_mem>>
        %dma_start3A_789 = arith.constant 0 : i32
        %dma_start3A_790 = tpu.memref_slice %arg5[%add3A_788, %dma_start3A_789] : memref<20000x128xf32, #tpu.memory_space<hbm>> -> memref<128x128xf32, #tpu.memory_space<hbm>>
        %dma_start3A_791 = arith.constant 0 : i32
        %dma_start3A_792 = tpu.memref_slice %arg5[%add3A_788, %dma_start3A_791] : memref<20000x128xf32, #tpu.memory_space<hbm>> -> memref<128x128xf32, #tpu.memory_space<hbm>>
        tpu.enqueue_dma source(%arg8 : memref<128x128xf32, #tpu.memory_space<vmem>>) target(%dma_start3A_792 : memref<128x128xf32, #tpu.memory_space<hbm>>) target_semaphore(%run_scoped3A : memref<!tpu.dma_semaphore, #tpu.memory_space<semaphore_mem>>)
        %dma_wait3A_793 = arith.constant 0 : i32
        %dma_wait3A_794 = tpu.memref_slice %arg5[%add3A_788, %dma_wait3A_793] : memref<20000x128xf32, #tpu.memory_space<hbm>> -> memref<128x128xf32, #tpu.memory_space<hbm>>
        %dma_wait3A_795 = arith.constant 0 : i32
        %dma_wait3A_796 = tpu.memref_slice %arg5[%add3A_788, %dma_wait3A_795] : memref<20000x128xf32, #tpu.memory_space<hbm>> -> memref<128x128xf32, #tpu.memory_space<hbm>>
        tpu.wait_dma2 semaphore(%run_scoped3A : memref<!tpu.dma_semaphore, #tpu.memory_space<semaphore_mem>>) src(%arg8 : memref<128x128xf32, #tpu.memory_space<vmem>>) dst(%dma_wait3A_796 : memref<128x128xf32, #tpu.memory_space<hbm>>)
        tpu.yield
      }) : () -> ()
    } else {
    }
    %eq3A_680 = arith.constant 15 : i32
    %eq3A_681 = arith.cmpi eq, %arg1, %eq3A_680 : i32
    %convert_element_type3A_682 = arith.extui %eq3A_681 : i1 to i32
    %cond3A_683 = arith.constant 0 : i32
    %cond3A_684 = arith.cmpi ne, %convert_element_type3A_682, %cond3A_683 : i32
    scf.if %cond3A_684 {
      %dma_start3A_685 = arith.constant 0 : i32
      %dma_start3A_686 = arith.constant 0 : i32
      %dma_start3A_687 = tpu.memref_slice %arg10[%dma_start3A_685, %dma_start3A_686] : memref<5x128xi32, #tpu.memory_space<vmem>> -> memref<1x128xi32, #tpu.memory_space<vmem>>
      %dma_start3A_688 = tpu.memref_squeeze %dma_start3A_687 : memref<1x128xi32, #tpu.memory_space<vmem>> -> memref<128xi32, #tpu.memory_space<vmem>>
      %dma_start3A_689 = arith.constant 0 : i32
      %dma_start3A_690 = arith.constant 0 : i32
      %dma_start3A_691 = tpu.memref_slice %arg12[%dma_start3A_689, %dma_start3A_690] : memref<10000x128xf32, #tpu.memory_space<vmem_shared>> -> memref<10000x128xf32, #tpu.memory_space<vmem_shared>>
      tpu.enqueue_indirect_dma source(%dma_start3A_691 : memref<10000x128xf32, #tpu.memory_space<vmem_shared>>) target(%arg8 : memref<128x128xf32, #tpu.memory_space<vmem>>) offsets(%dma_start3A_688 : memref<128xi32, #tpu.memory_space<vmem>>) semaphore(%arg13 : memref<!tpu.dma_semaphore, #tpu.memory_space<semaphore_mem>>)
      %dma_wait3A = arith.constant 0 : i32
      %dma_wait3A_692 = arith.constant 0 : i32
      %dma_wait3A_693 = tpu.memref_slice %arg10[%dma_wait3A, %dma_wait3A_692] : memref<5x128xi32, #tpu.memory_space<vmem>> -> memref<1x128xi32, #tpu.memory_space<vmem>>
      %dma_wait3A_694 = tpu.memref_squeeze %dma_wait3A_693 : memref<1x128xi32, #tpu.memory_space<vmem>> -> memref<128xi32, #tpu.memory_space<vmem>>
      %dma_wait3A_695 = arith.constant 0 : i32
      %dma_wait3A_696 = arith.constant 0 : i32
      %dma_wait3A_697 = tpu.memref_slice %arg12[%dma_wait3A_695, %dma_wait3A_696] : memref<10000x128xf32, #tpu.memory_space<vmem_shared>> -> memref<10000x128xf32, #tpu.memory_space<vmem_shared>>
      tpu.wait_indirect_dma semaphore(%arg13 : memref<!tpu.dma_semaphore, #tpu.memory_space<semaphore_mem>>) src(%dma_wait3A_697 : memref<10000x128xf32, #tpu.memory_space<vmem_shared>>) dst(%arg8 : memref<128x128xf32, #tpu.memory_space<vmem>>)
      %mul3A_698 = arith.constant 10000 : i32
      %mul3A_699 = arith.muli %arg0, %mul3A_698 : i32
      %mul3A_700 = arith.constant 640 : i32
      %mul3A_701 = arith.muli %arg1, %mul3A_700 : i32
      %add3A_702 = arith.addi %mul3A_699, %mul3A_701 : i32
      %add3A_703 = arith.constant 0 : i32
      %add3A_704 = arith.addi %add3A_702, %add3A_703 : i32
      "tpu.region"() ({
        %run_scoped3A = tpu.sem_alloc : memref<!tpu.dma_semaphore, #tpu.memory_space<semaphore_mem>>
        %dma_start3A_766 = arith.constant 0 : i32
        %dma_start3A_767 = tpu.memref_slice %arg5[%add3A_704, %dma_start3A_766] : memref<20000x128xf32, #tpu.memory_space<hbm>> -> memref<128x128xf32, #tpu.memory_space<hbm>>
        %dma_start3A_768 = arith.constant 0 : i32
        %dma_start3A_769 = tpu.memref_slice %arg5[%add3A_704, %dma_start3A_768] : memref<20000x128xf32, #tpu.memory_space<hbm>> -> memref<128x128xf32, #tpu.memory_space<hbm>>
        tpu.enqueue_dma source(%arg8 : memref<128x128xf32, #tpu.memory_space<vmem>>) target(%dma_start3A_769 : memref<128x128xf32, #tpu.memory_space<hbm>>) target_semaphore(%run_scoped3A : memref<!tpu.dma_semaphore, #tpu.memory_space<semaphore_mem>>)
        %dma_wait3A_770 = arith.constant 0 : i32
        %dma_wait3A_771 = tpu.memref_slice %arg5[%add3A_704, %dma_wait3A_770] : memref<20000x128xf32, #tpu.memory_space<hbm>> -> memref<128x128xf32, #tpu.memory_space<hbm>>
        %dma_wait3A_772 = arith.constant 0 : i32
        %dma_wait3A_773 = tpu.memref_slice %arg5[%add3A_704, %dma_wait3A_772] : memref<20000x128xf32, #tpu.memory_space<hbm>> -> memref<128x128xf32, #tpu.memory_space<hbm>>
        tpu.wait_dma2 semaphore(%run_scoped3A : memref<!tpu.dma_semaphore, #tpu.memory_space<semaphore_mem>>) src(%arg8 : memref<128x128xf32, #tpu.memory_space<vmem>>) dst(%dma_wait3A_773 : memref<128x128xf32, #tpu.memory_space<hbm>>)
        tpu.yield
      }) : () -> ()
      %dma_start3A_705 = arith.constant 1 : i32
      %dma_start3A_706 = arith.constant 0 : i32
      %dma_start3A_707 = tpu.memref_slice %arg10[%dma_start3A_705, %dma_start3A_706] : memref<5x128xi32, #tpu.memory_space<vmem>> -> memref<1x128xi32, #tpu.memory_space<vmem>>
      %dma_start3A_708 = tpu.memref_squeeze %dma_start3A_707 : memref<1x128xi32, #tpu.memory_space<vmem>> -> memref<128xi32, #tpu.memory_space<vmem>>
      %dma_start3A_709 = arith.constant 0 : i32
      %dma_start3A_710 = arith.constant 0 : i32
      %dma_start3A_711 = tpu.memref_slice %arg12[%dma_start3A_709, %dma_start3A_710] : memref<10000x128xf32, #tpu.memory_space<vmem_shared>> -> memref<10000x128xf32, #tpu.memory_space<vmem_shared>>
      tpu.enqueue_indirect_dma source(%dma_start3A_711 : memref<10000x128xf32, #tpu.memory_space<vmem_shared>>) target(%arg8 : memref<128x128xf32, #tpu.memory_space<vmem>>) offsets(%dma_start3A_708 : memref<128xi32, #tpu.memory_space<vmem>>) semaphore(%arg13 : memref<!tpu.dma_semaphore, #tpu.memory_space<semaphore_mem>>)
      %dma_wait3A_712 = arith.constant 1 : i32
      %dma_wait3A_713 = arith.constant 0 : i32
      %dma_wait3A_714 = tpu.memref_slice %arg10[%dma_wait3A_712, %dma_wait3A_713] : memref<5x128xi32, #tpu.memory_space<vmem>> -> memref<1x128xi32, #tpu.memory_space<vmem>>
      %dma_wait3A_715 = tpu.memref_squeeze %dma_wait3A_714 : memref<1x128xi32, #tpu.memory_space<vmem>> -> memref<128xi32, #tpu.memory_space<vmem>>
      %dma_wait3A_716 = arith.constant 0 : i32
      %dma_wait3A_717 = arith.constant 0 : i32
      %dma_wait3A_718 = tpu.memref_slice %arg12[%dma_wait3A_716, %dma_wait3A_717] : memref<10000x128xf32, #tpu.memory_space<vmem_shared>> -> memref<10000x128xf32, #tpu.memory_space<vmem_shared>>
      tpu.wait_indirect_dma semaphore(%arg13 : memref<!tpu.dma_semaphore, #tpu.memory_space<semaphore_mem>>) src(%dma_wait3A_718 : memref<10000x128xf32, #tpu.memory_space<vmem_shared>>) dst(%arg8 : memref<128x128xf32, #tpu.memory_space<vmem>>)
      %mul3A_719 = arith.constant 10000 : i32
      %mul3A_720 = arith.muli %arg0, %mul3A_719 : i32
      %mul3A_721 = arith.constant 640 : i32
      %mul3A_722 = arith.muli %arg1, %mul3A_721 : i32
      %add3A_723 = arith.addi %mul3A_720, %mul3A_722 : i32
      %add3A_724 = arith.constant 128 : i32
      %add3A_725 = arith.addi %add3A_723, %add3A_724 : i32
      "tpu.region"() ({
        %run_scoped3A = tpu.sem_alloc : memref<!tpu.dma_semaphore, #tpu.memory_space<semaphore_mem>>
        %dma_start3A_766 = arith.constant 0 : i32
        %dma_start3A_767 = tpu.memref_slice %arg5[%add3A_725, %dma_start3A_766] : memref<20000x128xf32, #tpu.memory_space<hbm>> -> memref<128x128xf32, #tpu.memory_space<hbm>>
        %dma_start3A_768 = arith.constant 0 : i32
        %dma_start3A_769 = tpu.memref_slice %arg5[%add3A_725, %dma_start3A_768] : memref<20000x128xf32, #tpu.memory_space<hbm>> -> memref<128x128xf32, #tpu.memory_space<hbm>>
        tpu.enqueue_dma source(%arg8 : memref<128x128xf32, #tpu.memory_space<vmem>>) target(%dma_start3A_769 : memref<128x128xf32, #tpu.memory_space<hbm>>) target_semaphore(%run_scoped3A : memref<!tpu.dma_semaphore, #tpu.memory_space<semaphore_mem>>)
        %dma_wait3A_770 = arith.constant 0 : i32
        %dma_wait3A_771 = tpu.memref_slice %arg5[%add3A_725, %dma_wait3A_770] : memref<20000x128xf32, #tpu.memory_space<hbm>> -> memref<128x128xf32, #tpu.memory_space<hbm>>
        %dma_wait3A_772 = arith.constant 0 : i32
        %dma_wait3A_773 = tpu.memref_slice %arg5[%add3A_725, %dma_wait3A_772] : memref<20000x128xf32, #tpu.memory_space<hbm>> -> memref<128x128xf32, #tpu.memory_space<hbm>>
        tpu.wait_dma2 semaphore(%run_scoped3A : memref<!tpu.dma_semaphore, #tpu.memory_space<semaphore_mem>>) src(%arg8 : memref<128x128xf32, #tpu.memory_space<vmem>>) dst(%dma_wait3A_773 : memref<128x128xf32, #tpu.memory_space<hbm>>)
        tpu.yield
      }) : () -> ()
      %dma_start3A_726 = arith.constant 2 : i32
      %dma_start3A_727 = arith.constant 0 : i32
      %dma_start3A_728 = tpu.memref_slice %arg10[%dma_start3A_726, %dma_start3A_727] : memref<5x128xi32, #tpu.memory_space<vmem>> -> memref<1x128xi32, #tpu.memory_space<vmem>>
      %dma_start3A_729 = tpu.memref_squeeze %dma_start3A_728 : memref<1x128xi32, #tpu.memory_space<vmem>> -> memref<128xi32, #tpu.memory_space<vmem>>
      %dma_start3A_730 = arith.constant 0 : i32
      %dma_start3A_731 = arith.constant 0 : i32
      %dma_start3A_732 = tpu.memref_slice %arg12[%dma_start3A_730, %dma_start3A_731] : memref<10000x128xf32, #tpu.memory_space<vmem_shared>> -> memref<10000x128xf32, #tpu.memory_space<vmem_shared>>
      tpu.enqueue_indirect_dma source(%dma_start3A_732 : memref<10000x128xf32, #tpu.memory_space<vmem_shared>>) target(%arg8 : memref<128x128xf32, #tpu.memory_space<vmem>>) offsets(%dma_start3A_729 : memref<128xi32, #tpu.memory_space<vmem>>) semaphore(%arg13 : memref<!tpu.dma_semaphore, #tpu.memory_space<semaphore_mem>>)
      %dma_wait3A_733 = arith.constant 2 : i32
      %dma_wait3A_734 = arith.constant 0 : i32
      %dma_wait3A_735 = tpu.memref_slice %arg10[%dma_wait3A_733, %dma_wait3A_734] : memref<5x128xi32, #tpu.memory_space<vmem>> -> memref<1x128xi32, #tpu.memory_space<vmem>>
      %dma_wait3A_736 = tpu.memref_squeeze %dma_wait3A_735 : memref<1x128xi32, #tpu.memory_space<vmem>> -> memref<128xi32, #tpu.memory_space<vmem>>
      %dma_wait3A_737 = arith.constant 0 : i32
      %dma_wait3A_738 = arith.constant 0 : i32
      %dma_wait3A_739 = tpu.memref_slice %arg12[%dma_wait3A_737, %dma_wait3A_738] : memref<10000x128xf32, #tpu.memory_space<vmem_shared>> -> memref<10000x128xf32, #tpu.memory_space<vmem_shared>>
      tpu.wait_indirect_dma semaphore(%arg13 : memref<!tpu.dma_semaphore, #tpu.memory_space<semaphore_mem>>) src(%dma_wait3A_739 : memref<10000x128xf32, #tpu.memory_space<vmem_shared>>) dst(%arg8 : memref<128x128xf32, #tpu.memory_space<vmem>>)
      %mul3A_740 = arith.constant 10000 : i32
      %mul3A_741 = arith.muli %arg0, %mul3A_740 : i32
      %mul3A_742 = arith.constant 640 : i32
      %mul3A_743 = arith.muli %arg1, %mul3A_742 : i32
      %add3A_744 = arith.addi %mul3A_741, %mul3A_743 : i32
      %add3A_745 = arith.constant 256 : i32
      %add3A_746 = arith.addi %add3A_744, %add3A_745 : i32
      "tpu.region"() ({
        %run_scoped3A = tpu.sem_alloc : memref<!tpu.dma_semaphore, #tpu.memory_space<semaphore_mem>>
        %dma_start3A_766 = arith.constant 0 : i32
        %dma_start3A_767 = tpu.memref_slice %arg5[%add3A_746, %dma_start3A_766] : memref<20000x128xf32, #tpu.memory_space<hbm>> -> memref<128x128xf32, #tpu.memory_space<hbm>>
        %dma_start3A_768 = arith.constant 0 : i32
        %dma_start3A_769 = tpu.memref_slice %arg5[%add3A_746, %dma_start3A_768] : memref<20000x128xf32, #tpu.memory_space<hbm>> -> memref<128x128xf32, #tpu.memory_space<hbm>>
        tpu.enqueue_dma source(%arg8 : memref<128x128xf32, #tpu.memory_space<vmem>>) target(%dma_start3A_769 : memref<128x128xf32, #tpu.memory_space<hbm>>) target_semaphore(%run_scoped3A : memref<!tpu.dma_semaphore, #tpu.memory_space<semaphore_mem>>)
        %dma_wait3A_770 = arith.constant 0 : i32
        %dma_wait3A_771 = tpu.memref_slice %arg5[%add3A_746, %dma_wait3A_770] : memref<20000x128xf32, #tpu.memory_space<hbm>> -> memref<128x128xf32, #tpu.memory_space<hbm>>
        %dma_wait3A_772 = arith.constant 0 : i32
        %dma_wait3A_773 = tpu.memref_slice %arg5[%add3A_746, %dma_wait3A_772] : memref<20000x128xf32, #tpu.memory_space<hbm>> -> memref<128x128xf32, #tpu.memory_space<hbm>>
        tpu.wait_dma2 semaphore(%run_scoped3A : memref<!tpu.dma_semaphore, #tpu.memory_space<semaphore_mem>>) src(%arg8 : memref<128x128xf32, #tpu.memory_space<vmem>>) dst(%dma_wait3A_773 : memref<128x128xf32, #tpu.memory_space<hbm>>)
        tpu.yield
      }) : () -> ()
      %dma_start3A_747 = arith.constant 0 : i32
      %dma_start3A_748 = arith.constant 0 : i32
      %dma_start3A_749 = tpu.memref_slice %arg8[%dma_start3A_747, %dma_start3A_748] : memref<128x128xf32, #tpu.memory_space<vmem>> -> memref<16x128xf32, #tpu.memory_space<vmem>>
      %dma_start3A_750 = arith.constant 0 : i32
      %dma_start3A_751 = arith.constant 0 : i32
      %dma_start3A_752 = tpu.memref_slice %arg12[%dma_start3A_750, %dma_start3A_751] : memref<10000x128xf32, #tpu.memory_space<vmem_shared>> -> memref<10000x128xf32, #tpu.memory_space<vmem_shared>>
      tpu.enqueue_indirect_dma source(%dma_start3A_752 : memref<10000x128xf32, #tpu.memory_space<vmem_shared>>) target(%dma_start3A_749 : memref<16x128xf32, #tpu.memory_space<vmem>>) offsets(%arg11 : memref<16xi32, #tpu.memory_space<vmem>>) semaphore(%arg13 : memref<!tpu.dma_semaphore, #tpu.memory_space<semaphore_mem>>)
      %dma_wait3A_753 = arith.constant 0 : i32
      %dma_wait3A_754 = arith.constant 0 : i32
      %dma_wait3A_755 = tpu.memref_slice %arg8[%dma_wait3A_753, %dma_wait3A_754] : memref<128x128xf32, #tpu.memory_space<vmem>> -> memref<16x128xf32, #tpu.memory_space<vmem>>
      %dma_wait3A_756 = arith.constant 0 : i32
      %dma_wait3A_757 = arith.constant 0 : i32
      %dma_wait3A_758 = tpu.memref_slice %arg12[%dma_wait3A_756, %dma_wait3A_757] : memref<10000x128xf32, #tpu.memory_space<vmem_shared>> -> memref<10000x128xf32, #tpu.memory_space<vmem_shared>>
      tpu.wait_indirect_dma semaphore(%arg13 : memref<!tpu.dma_semaphore, #tpu.memory_space<semaphore_mem>>) src(%dma_wait3A_758 : memref<10000x128xf32, #tpu.memory_space<vmem_shared>>) dst(%dma_wait3A_755 : memref<16x128xf32, #tpu.memory_space<vmem>>)
      %mul3A_759 = arith.constant 10000 : i32
      %mul3A_760 = arith.muli %arg0, %mul3A_759 : i32
      %mul3A_761 = arith.constant 640 : i32
      %mul3A_762 = arith.muli %arg1, %mul3A_761 : i32
      %add3A_763 = arith.addi %mul3A_760, %mul3A_762 : i32
      %add3A_764 = arith.constant 384 : i32
      %add3A_765 = arith.addi %add3A_763, %add3A_764 : i32
      "tpu.region"() ({
        %run_scoped3A = tpu.sem_alloc : memref<!tpu.dma_semaphore, #tpu.memory_space<semaphore_mem>>
        %dma_start3A_766 = arith.constant 0 : i32
        %dma_start3A_767 = arith.constant 0 : i32
        %dma_start3A_768 = tpu.memref_slice %arg8[%dma_start3A_766, %dma_start3A_767] : memref<128x128xf32, #tpu.memory_space<vmem>> -> memref<16x128xf32, #tpu.memory_space<vmem>>
        %dma_start3A_769 = arith.constant 0 : i32
        %dma_start3A_770 = tpu.memref_slice %arg5[%add3A_765, %dma_start3A_769] : memref<20000x128xf32, #tpu.memory_space<hbm>> -> memref<16x128xf32, #tpu.memory_space<hbm>>
        %dma_start3A_771 = arith.constant 0 : i32
        %dma_start3A_772 = tpu.memref_slice %arg5[%add3A_765, %dma_start3A_771] : memref<20000x128xf32, #tpu.memory_space<hbm>> -> memref<16x128xf32, #tpu.memory_space<hbm>>
        %dma_start3A_773 = arith.constant 0 : i32
        %dma_start3A_774 = arith.constant 0 : i32
        %dma_start3A_775 = tpu.memref_slice %arg8[%dma_start3A_773, %dma_start3A_774] : memref<128x128xf32, #tpu.memory_space<vmem>> -> memref<16x128xf32, #tpu.memory_space<vmem>>
        tpu.enqueue_dma source(%dma_start3A_775 : memref<16x128xf32, #tpu.memory_space<vmem>>) target(%dma_start3A_772 : memref<16x128xf32, #tpu.memory_space<hbm>>) target_semaphore(%run_scoped3A : memref<!tpu.dma_semaphore, #tpu.memory_space<semaphore_mem>>)
        %dma_wait3A_776 = arith.constant 0 : i32
        %dma_wait3A_777 = arith.constant 0 : i32
        %dma_wait3A_778 = tpu.memref_slice %arg8[%dma_wait3A_776, %dma_wait3A_777] : memref<128x128xf32, #tpu.memory_space<vmem>> -> memref<16x128xf32, #tpu.memory_space<vmem>>
        %dma_wait3A_779 = arith.constant 0 : i32
        %dma_wait3A_780 = tpu.memref_slice %arg5[%add3A_765, %dma_wait3A_779] : memref<20000x128xf32, #tpu.memory_space<hbm>> -> memref<16x128xf32, #tpu.memory_space<hbm>>
        %dma_wait3A_781 = arith.constant 0 : i32
        %dma_wait3A_782 = tpu.memref_slice %arg5[%add3A_765, %dma_wait3A_781] : memref<20000x128xf32, #tpu.memory_space<hbm>> -> memref<16x128xf32, #tpu.memory_space<hbm>>
        %dma_wait3A_783 = arith.constant 0 : i32
        %dma_wait3A_784 = arith.constant 0 : i32
        %dma_wait3A_785 = tpu.memref_slice %arg8[%dma_wait3A_783, %dma_wait3A_784] : memref<128x128xf32, #tpu.memory_space<vmem>> -> memref<16x128xf32, #tpu.memory_space<vmem>>
        tpu.wait_dma2 semaphore(%run_scoped3A : memref<!tpu.dma_semaphore, #tpu.memory_space<semaphore_mem>>) src(%dma_wait3A_785 : memref<16x128xf32, #tpu.memory_space<vmem>>) dst(%dma_wait3A_782 : memref<16x128xf32, #tpu.memory_space<hbm>>)
        tpu.yield
      }) : () -> ()
    } else {
    }
    return
  }
}

module attributes {stable_mosaic.version = 14 : i64} {
  func.func @_mm_body(%arg0: i32, %arg1: i32, %arg2: memref<10000x256xf32, #tpu.memory_space<vmem>>, %arg3: memref<256x128xf32, #tpu.memory_space<vmem>>, %arg4: memref<10000x2xf32, #tpu.memory_space<vmem>>, %arg5: memref<10000x128xf32, #tpu.memory_space<vmem>>) attributes {dimension_semantics = [#tpu.dimension_semantics<arbitrary>, #tpu.dimension_semantics<arbitrary>], iteration_bounds = array<i64: 1, 2>, scalar_prefetch = 0 : i64, scratch_operands = 0 : i64, tpu.core_type = #tpu.core_type<tc>, window_params = [{transform_indices = @transform_0, window_bounds = array<i64: 10000, 256>}, {transform_indices = @transform_1, window_bounds = array<i64: 256, 128>}, {transform_indices = @transform_2, window_bounds = array<i64: 10000, 2>}, {transform_indices = @transform_3, window_bounds = array<i64: 10000, 128>}]} {
    %get3A = arith.constant 0 : index
    %get3A_0 = arith.constant 0 : index
    %get3A_1 = vector.load %arg4[%get3A, %get3A_0] : memref<10000x2xf32, #tpu.memory_space<vmem>>, vector<10000x1xf32>
    %get3A_2 = vector.shape_cast %get3A_1 : vector<10000x1xf32> to vector<10000xf32>
    %get3A_3 = arith.constant 0 : index
    %get3A_4 = arith.constant 1 : index
    %get3A_5 = vector.load %arg4[%get3A_3, %get3A_4] : memref<10000x2xf32, #tpu.memory_space<vmem>>, vector<10000x1xf32>
    %get3A_6 = vector.shape_cast %get3A_5 : vector<10000x1xf32> to vector<10000xf32>
    %add3A = arith.addf %get3A_2, %get3A_6 : vector<10000xf32>
    %gt3A = arith.constant 0.000000e+00 : f32
    %gt3A_7 = vector.broadcast %gt3A : f32 to vector<10000xf32>
    %gt3A_8 = arith.cmpf ogt, %add3A, %gt3A_7 : vector<10000xf32>
    %jit3A = arith.constant 1.000000e+00 : f32
    %broadcast_in_dim3A = vector.broadcast %jit3A : f32 to vector<10000xf32>
    %select_n3A = arith.select %gt3A_8, %add3A, %broadcast_in_dim3A : vector<10000xi1>, vector<10000xf32>
    %rsqrt3A = math.rsqrt %select_n3A : vector<10000xf32>
    %get3A_9 = arith.constant 0 : index
    %get3A_10 = arith.constant 0 : index
    %get3A_11 = vector.load %arg2[%get3A_9, %get3A_10] : memref<10000x256xf32, #tpu.memory_space<vmem>>, vector<10000x256xf32>
    %get3A_12 = arith.constant 0 : index
    %get3A_13 = arith.constant 0 : index
    %get3A_14 = vector.load %arg3[%get3A_12, %get3A_13] : memref<256x128xf32, #tpu.memory_space<vmem>>, vector<256x128xf32>
    %dot_general3A = arith.constant dense<0.000000e+00> : vector<10000x128xf32>
    %dot_general3A_15 = tpu.matmul %get3A_11, %get3A_14, %dot_general3A {dimension_numbers = #tpu.dot_dimension_numbers<[1], [0], [0], [1], [0, 0, 1, 1], [], []>, transpose_lhs_hint = false} : vector<10000x256xf32>, vector<256x128xf32>, vector<10000x128xf32> -> vector<10000x128xf32>
    %broadcast_in_dim3A_16 = vector.shape_cast %rsqrt3A : vector<10000xf32> to vector<10000x1xf32>
    %mul3A = vector.broadcast %broadcast_in_dim3A_16 : vector<10000x1xf32> to vector<10000x128xf32>
    %mul3A_17 = arith.mulf %dot_general3A_15, %mul3A : vector<10000x128xf32>
    %swap3A = arith.constant 0 : index
    %swap3A_18 = arith.constant 0 : index
    %swap3A_19 = vector.load %arg5[%swap3A, %swap3A_18] : memref<10000x128xf32, #tpu.memory_space<vmem>>, vector<10000x128xf32>
    tpu.vector_store %arg5[%swap3A, %swap3A_18], %mul3A_17 {strides = array<i32>} : memref<10000x128xf32, #tpu.memory_space<vmem>>, vector<10000x128xf32>,
    return
  }
  func.func @transform_0(%arg0: i32, %arg1: i32) -> (i32, i32) {
    %c0_i32 = arith.constant 0 : i32
    %c0_i32_0 = arith.constant 0 : i32
    return %arg0, %c0_i32 : i32, i32
  }
  func.func @transform_1(%arg0: i32, %arg1: i32) -> (i32, i32) {
    %c0_i32 = arith.constant 0 : i32
    %c0_i32_0 = arith.constant 0 : i32
    return %c0_i32, %arg1 : i32, i32
  }
  func.func @transform_2(%arg0: i32, %arg1: i32) -> (i32, i32) {
    %c0_i32 = arith.constant 0 : i32
    %c0_i32_0 = arith.constant 0 : i32
    return %arg0, %c0_i32 : i32, i32
  }
  func.func @transform_3(%arg0: i32, %arg1: i32) -> (i32, i32) {
    %mul3A = arith.constant 1 : i32
    %mul3A_0 = arith.muli %arg1, %mul3A : i32
    %add3A = arith.addi %mul3A_0, %arg0 : i32
    %c0_i32 = arith.constant 0 : i32
    %c0_i32_1 = arith.constant 0 : i32
    return %add3A, %c0_i32 : i32, i32
  }
}

module attributes {stable_mosaic.version = 14 : i64} {
  func.func @_final_body(%arg0: i32, %arg1: i32, %arg2: memref<10000x128xf32, #tpu.memory_space<vmem>>, %arg3: memref<10000x2xf32, #tpu.memory_space<vmem>>, %arg4: memref<2x128xf32, #tpu.memory_space<vmem>>, %arg5: memref<10000x128xf32, #tpu.memory_space<vmem>>) attributes {dimension_semantics = [#tpu.dimension_semantics<arbitrary>, #tpu.dimension_semantics<arbitrary>], iteration_bounds = array<i64: 1, 2>, scalar_prefetch = 0 : i64, scratch_operands = 0 : i64, tpu.core_type = #tpu.core_type<tc>, window_params = [{transform_indices = @transform_0, window_bounds = array<i64: 10000, 128>}, {transform_indices = @transform_1, window_bounds = array<i64: 10000, 2>}, {pipeline_mode = #tpu.pipeline_mode<synchronous>, transform_indices = @transform_2, window_bounds = array<i64: 2, 128>}, {transform_indices = @transform_3, window_bounds = array<i64: 10000, 128>}]} {
    %get3A = arith.constant 0 : index
    %get3A_0 = arith.constant 0 : index
    %get3A_1 = vector.load %arg3[%get3A, %get3A_0] : memref<10000x2xf32, #tpu.memory_space<vmem>>, vector<10000x1xf32>
    %get3A_2 = vector.shape_cast %get3A_1 : vector<10000x1xf32> to vector<10000xf32>
    %get3A_3 = arith.constant 0 : index
    %get3A_4 = arith.constant 1 : index
    %get3A_5 = vector.load %arg3[%get3A_3, %get3A_4] : memref<10000x2xf32, #tpu.memory_space<vmem>>, vector<10000x1xf32>
    %get3A_6 = vector.shape_cast %get3A_5 : vector<10000x1xf32> to vector<10000xf32>
    %add3A = arith.addf %get3A_2, %get3A_6 : vector<10000xf32>
    %gt3A = arith.constant 0.000000e+00 : f32
    %gt3A_7 = vector.broadcast %gt3A : f32 to vector<10000xf32>
    %gt3A_8 = arith.cmpf ogt, %add3A, %gt3A_7 : vector<10000xf32>
    %jit3A = arith.constant 1.000000e+00 : f32
    %broadcast_in_dim3A = vector.broadcast %jit3A : f32 to vector<10000xf32>
    %select_n3A = arith.select %gt3A_8, %add3A, %broadcast_in_dim3A : vector<10000xi1>, vector<10000xf32>
    %rsqrt3A = math.rsqrt %select_n3A : vector<10000xf32>
    %eq3A = arith.constant 0 : i32
    %eq3A_9 = arith.cmpi eq, %arg1, %eq3A : i32
    %get3A_10 = arith.constant 0 : index
    %get3A_11 = arith.constant 0 : index
    %get3A_12 = vector.load %arg4[%get3A_10, %get3A_11] : memref<2x128xf32, #tpu.memory_space<vmem>>, vector<1x128xf32>
    %get3A_13 = vector.shape_cast %get3A_12 : vector<1x128xf32> to vector<128xf32>
    %get3A_14 = arith.constant 1 : index
    %get3A_15 = arith.constant 0 : index
    %get3A_16 = vector.load %arg4[%get3A_14, %get3A_15] : memref<2x128xf32, #tpu.memory_space<vmem>>, vector<1x128xf32>
    %get3A_17 = vector.shape_cast %get3A_16 : vector<1x128xf32> to vector<128xf32>
    %select_n3A_18 = arith.select %eq3A_9, %get3A_13, %get3A_17 : vector<128xf32>
    %get3A_19 = arith.constant 0 : index
    %get3A_20 = arith.constant 0 : index
    %get3A_21 = vector.load %arg2[%get3A_19, %get3A_20] : memref<10000x128xf32, #tpu.memory_space<vmem>>, vector<10000x128xf32>
    %broadcast_in_dim3A_22 = vector.shape_cast %rsqrt3A : vector<10000xf32> to vector<10000x1xf32>
    %mul3A = vector.broadcast %broadcast_in_dim3A_22 : vector<10000x1xf32> to vector<10000x128xf32>
    %mul3A_23 = arith.mulf %get3A_21, %mul3A : vector<10000x128xf32>
    %broadcast_in_dim3A_24 = vector.shape_cast %select_n3A_18 : vector<128xf32> to vector<1x128xf32>
    %add3A_25 = vector.broadcast %broadcast_in_dim3A_24 : vector<1x128xf32> to vector<10000x128xf32>
    %add3A_26 = arith.addf %mul3A_23, %add3A_25 : vector<10000x128xf32>
    %max3A = arith.constant 0.000000e+00 : f32
    %max3A_27 = vector.broadcast %max3A : f32 to vector<10000x128xf32>
    %max3A_28 = arith.maximumf %add3A_26, %max3A_27 : vector<10000x128xf32>
    %swap3A = arith.constant 0 : index
    %swap3A_29 = arith.constant 0 : index
    %swap3A_30 = vector.load %arg5[%swap3A, %swap3A_29] : memref<10000x128xf32, #tpu.memory_space<vmem>>, vector<10000x128xf32>
    tpu.vector_store %arg5[%swap3A, %swap3A_29], %max3A_28 {strides = array<i32>} : memref<10000x128xf32, #tpu.memory_space<vmem>>, vector<10000x128xf32>,
    return
  }
  func.func @transform_0(%arg0: i32, %arg1: i32) -> (i32, i32) {
    %mul3A = arith.constant 1 : i32
    %mul3A_0 = arith.muli %arg1, %mul3A : i32
    %add3A = arith.addi %mul3A_0, %arg0 : i32
    %c0_i32 = arith.constant 0 : i32
    %c0_i32_1 = arith.constant 0 : i32
    return %add3A, %c0_i32 : i32, i32
  }
  func.func @transform_1(%arg0: i32, %arg1: i32) -> (i32, i32) {
    %c0_i32 = arith.constant 0 : i32
    %c0_i32_0 = arith.constant 0 : i32
    return %arg0, %c0_i32 : i32, i32
  }
  func.func @transform_2(%arg0: i32, %arg1: i32) -> (i32, i32) {
    %c0_i32 = arith.constant 0 : i32
    %c0_i32_0 = arith.constant 0 : i32
    %c0_i32_1 = arith.constant 0 : i32
    return %c0_i32, %c0_i32_0 : i32, i32
  }
  func.func @transform_3(%arg0: i32, %arg1: i32) -> (i32, i32) {
    %c0_i32 = arith.constant 0 : i32
    return %arg0, %arg1 : i32, i32
  }
}

</mosaic_0001>

<sc_bundles>
// kernel: kernel.6.cloned.1.call-start
scs
__scs_entry_jumppad:
0x0: {  	(pc) =	sbr.rel $0x88, $3  }
0x1: {  	(tag) =	ssettag $0x0;
	lr =	simm.s32 $0x1  }
0x2: {  	[smem:$0x3F9D] =	sst lr;
	_ =	strace $0xD0000000  }
0x3: {  	_ = 	snop  }
0x4: {  	_ = 	snop  }
0x5: {  	_ = 	snop  }
0x6: {  	_ = 	snop  }
0x7: {  	_ = 	snop  }
__scs_overlays_trampoline_lowered:
0x8: {  	[smem:$0x3FAC] =	sst s0  }
0x9: {  	[smem:$0x3FAD] =	sst s1  }
0xa: {  	[smem:$0x3FAE] =	sst s2  }
0xb: {  	[smem:$0x3FAF] =	sst s3  }
0xc: {  	[smem:$0x3FB0] =	sst s4  }
0xd: {  	[smem:$0x3FB1] =	sst s5  }
0xe: {  	[smem:$0x3FB2] =	sst s6  }
0xf: {  	[smem:$0x3FB3] =	sst s7  }
0x10: {  	[smem:$0x3FB4] =	sst s8  }
0x11: {  	[smem:$0x3FB5] =	sst s9;
	s0 =	simm.s32 @!p0 $0x0  }
0x12: {  	s1 =	sld [smem:$0x3F9B];
	s0 =	simm.s32 @p0 $0x1  }
0x13: {  	[smem:$0x3FB6] =	sst s0;
	s0 =	simm.s32 @!p1 $0x0  }
0x14: {  	s2 =	sld [smem:$0x3F9A];
	s0 =	simm.s32 @p1 $0x1  }
0x15: {  	[smem:$0x3FB7] =	sst s0;
	s0 =	simm.s32 @!p2 $0x0  }
0x16: {  	s3 =	sld [smem:$0x3FDB];
	s0 =	simm.s32 @p2 $0x1  }
0x17: {  	s4 =	simm.s32 $0x1BF5;
	[smem:$0x3FB9] =	sst s0  }
0x18: {  	s0 =	sld [smem:$0x3F9C];
	_ =	swait.ge [sflag:s4], $0x0  }
0x19: {  	s7 =	sld [smem:$0x3F9D]  }
0x1a: {  	s8 =	sadd.s32 $0xFFFFE003, lr  }
0x1b: {  	s9 =	sadd.s32 $0xFFFFFEF7, lr;
	s5 =	simm.s32 $0xFFFFFFFF;
	p2 =	slt.u32 s8, $0xFFFFF086  }
0x1c: {  	p1 =	slt.u32 s9, $0xF7A;
	s5 =	simm.s32 @!p2 $0x0  }
0x1d: {  	s5 =	simm.s32 @p1 $0x1;
	p0 =	seq.s32 s7, s2  }
0x1e: {  	s7 =	smul.u32 @!p0 $0xF7A, s2;
	p2 =	seq.s32 @!p0 s5, $0x0  }
0x1f: {  	s9 =	smul.u32 $0xF7A, s1;
	s8 =	simm.s32 @!p0 $0x1BF5;
	p2 =	por !p2, p0  }
0x20: {  	[sflag:s8] =	ssyncset.s32 @!p0 $0xFFFFF086;
	s6 =	sadd.s32 @!p0 s3, s7;
	s7 =	simm.s32 @!p0 $0x108  }
0x21: {  	s3 =	sadd.s32 s3, s9;
	s6 =	sadd.s32 @!p0 $0x88, s6;
	s7 =	simm.s32 @p2 $0x1082  }
0x22: {  	[simem:s7], [sflag:s8] =	dma.local @!p0 [hbm:s6], $0xF7A  }
0x23: {  	s9 =	sor.u32 $0xD0000000, s2;
	s6 =	simm.s32 $0x108;
	_ =	swait.ge @!p0 [sflag:s8], $0x0  }
0x24: {  	s3 =	sadd.s32 $0x88, s3;
	s6 =	simm.s32 @!p1 $0x1082;
	[sflag:s4] =	ssyncset.s32 $0xFFFFF086  }
0x25: {  	[simem:s6], [sflag:s4] =	dma.local [hbm:s3], $0xF7A  }
0x26: {  	[smem:$0x3F9D] =	sst s1;
	(tag) =	ssettag s2;
	_ =	strace s9  }
0x27: {  	s1 =	sld [smem:$0x3FAD]  }
0x28: {  	s2 =	sld [smem:$0x3FAE]  }
0x29: {  	s4 =	sld [smem:$0x3FB0]  }
0x2a: {  	p0 =	seq.s32 s5, $0x0;
	s5 =	sld [smem:$0x3FB1]  }
0x2b: {  	s6 =	sld [smem:$0x3FB2]  }
0x2c: {  	s7 =	sld [smem:$0x3FB3]  }
0x2d: {  	s3 =	simm.s32 $0x108;
	s8 =	sld [smem:$0x3FB4]  }
0x2e: {  	s3 =	simm.s32 @!p0 $0x1082;
	s9 =	sld [smem:$0x3FB5]  }
0x2f: {  	lr =	sadd.s32 s0, s3;
	s0 =	sld [smem:$0x3FAC]  }
0x30: {  	s3 =	sld [smem:$0x3FAF]  }
0x31: {  	[smem:$0x3FB8] =	sst s10  }
0x32: {  	s10 =	sld [smem:$0x3FB6];
	_ =	sdelay $0x3  }
0x33: {  	p0 =	seq.s32 s10, $0x1;
	s10 =	sld [smem:$0x3FB8];
	_ =	sdelay $0x3  }
0x34: {  	[smem:$0x3FB8] =	sst s10  }
0x35: {  	s10 =	sld [smem:$0x3FB7];
	_ =	sdelay $0x3  }
0x36: {  	p1 =	seq.s32 s10, $0x1;
	s10 =	sld [smem:$0x3FB8];
	_ =	sdelay $0x3  }
0x37: {  	[smem:$0x3FB8] =	sst s10  }
0x38: {  	s10 =	sld [smem:$0x3FB9]  }
0x39: {  	_ = 	snop;
	(pc) =	sbr.ind lr, $3  }
0x3a: {  	_ = 	snop  }
0x3b: {  	_ = 	snop  }
0x3c: {  	p2 =	seq.s32 s10, $0x1;
	s10 =	sld [smem:$0x3FB8]  }
0x3d: {  	_ =	shalt  }
0x3e: {  	_ =	shalt  }
0x3f: {  	_ =	shalt  }
0x40: {  	_ =	shalt  }
0x41: {  	_ =	shalt  }
0x42: {  	_ =	shalt  }
0x43: {  	_ =	shalt  }
0x44: {  	_ =	shalt  }
0x45: {  	_ =	shalt  }
0x46: {  	_ =	shalt  }
0x47: {  	_ =	shalt  }
0x48: {  	_ =	shalt  }
0x49: {  	_ =	shalt  }
0x4a: {  	_ =	shalt  }
0x4b: {  	_ =	shalt  }
0x4c: {  	_ =	shalt  }
0x4d: {  	_ =	shalt  }
0x4e: {  	_ =	shalt  }
0x4f: {  	_ =	shalt  }
0x50: {  	_ =	shalt  }
0x51: {  	_ =	shalt  }
0x52: {  	_ =	shalt  }
0x53: {  	_ =	shalt  }
0x54: {  	_ =	shalt  }
0x55: {  	_ =	shalt  }
0x56: {  	_ =	shalt  }
0x57: {  	_ =	shalt  }
0x58: {  	_ =	shalt  }
0x59: {  	_ =	shalt  }
0x5a: {  	_ =	shalt  }
0x5b: {  	_ =	shalt  }
0x5c: {  	_ =	shalt  }
0x5d: {  	_ =	shalt  }
0x5e: {  	_ =	shalt  }
0x5f: {  	_ =	shalt  }
0x60: {  	_ =	shalt  }
0x61: {  	_ =	shalt  }
0x62: {  	_ =	shalt  }
0x63: {  	_ =	shalt  }
0x64: {  	_ =	shalt  }
0x65: {  	_ =	shalt  }
0x66: {  	_ =	shalt  }
0x67: {  	_ =	shalt  }
0x68: {  	_ =	shalt  }
0x69: {  	_ =	shalt  }
0x6a: {  	_ =	shalt  }
0x6b: {  	_ =	shalt  }
0x6c: {  	_ =	shalt  }
0x6d: {  	_ =	shalt  }
0x6e: {  	_ =	shalt  }
0x6f: {  	_ =	shalt  }
0x70: {  	_ =	shalt  }
0x71: {  	_ =	shalt  }
0x72: {  	_ =	shalt  }
0x73: {  	_ =	shalt  }
0x74: {  	_ =	shalt  }
0x75: {  	_ =	shalt  }
0x76: {  	_ =	shalt  }
0x77: {  	_ =	shalt  }
0x78: {  	_ =	shalt  }
0x79: {  	_ =	shalt  }
0x7a: {  	_ =	shalt  }
0x7b: {  	_ =	shalt  }
0x7c: {  	_ =	shalt  }
0x7d: {  	_ =	shalt  }
0x7e: {  	_ =	shalt  }
0x7f: {  	_ =	shalt  }
0x80: {  	_ =	shalt  }
0x81: {  	_ =	shalt  }
0x82: {  	_ =	shalt  }
0x83: {  	_ =	shalt  }
0x84: {  	_ =	shalt  }
0x85: {  	_ =	shalt  }
0x86: {  	_ =	shalt  }
0x87: {  	_ =	shalt  }
.Lfunc_end0:
.L_simem_size_0:
called_computation_lowered:
.L_overlay_start_0:
0x88: {  	s2 =	sld [smem:$0x3FD9]  }
0x89: {  	s3 =	sld [smem:$0x3FFE];
	_ =	sdelay $0x1  }
0x8a: {  	s1 =	srdreg.scid  }
0x8b: {  	s0 =	sand.u32 $0x1, s1  }
0x8c: {  	s17 =	sshll.u32 s0, $0xA;
	s2 =	sadd.s32 s3, s2  }
0x8d: {  	s2 =	sadd.s32 s2, s17  }
0x8e: {  	[smem:$0x3FC4] =	sst s2  }
0x8f: {  	_ = 	snop  }
0x90: {  	s2 =	sld [smem:$0x3FD0];
	(tm) =	ssettm $0x1  }
0x91: {  	s18 =	sld [smem:$0x3FFB];
	_ =	sdelay $0x3  }
0x92: {  	_ =	strace s18  }
0x93: {  	s3 =	sld [smem:$0x3FFC];
	_ =	sdelay $0x3  }
0x94: {  	_ =	strace s3  }
0x95: {  	s3 =	sld [smem:$0x3FFD];
	_ =	sdelay $0x3  }
0x96: {  	_ =	strace s3  }
0x97: {  	_ =	strace $0x8FFFFFFF  }
0x98: {  	s19 =	sld [smem:$0x3FDB];
	_ =	sdelay $0x1  }
0x99: {  	s4 =	simm.s32 $_scs_section_size  }
0x9a: {  	s5 =	simm.s32 $_size__tile_overlayer_lowered;
	s6 =	simm.s32 $_tile_overlayer_lowered  }
0x9b: {  	s22 =	simm.s32 $0x1BFF;
	s21 =	sshll.u32 s6, $0x1;
	s3 =	sadd.s32 s4, s19  }
0x9c: {  	s7 =	simm.s32 $0x0;
	s20 =	sshll.u32 s5, $0x1;
	s5 =	sadd.s32 s21, s3  }
0x9d: {  	[timem:s7], [sflag:s22] =	dma.local [hbm:s5], s20  }
0x9e: {  	_ =	swait.ge [sflag:s22], s20  }
0x9f: {  	s4 =	ssub.s32 $0x0, s20;
	[sflag:s22] =	ssyncset.done $0x0  }
0xa0: {  	[sflag:s22] =	ssyncadd.s32 s4;
	_ =	sdelay $0x1  }
0xa1: {  	s23 =	simm.s32 $0x1B8B  }
0xa2: {  	_ =	swait.ge [sflag:s23], $0x1  }
0xa3: {  	[sflag:s23] =	ssyncset.done $0x0  }
0xa4: {  	s25 =	simm.s32 $0x1B8E;
	s24 =	sld [smem:$0x3FFE];
	[sflag:s23] =	ssyncadd.s32 $0xFFFFFFFF  }
0xa5: {  	s26 =	simm.s32 $execute0_lowered;
	[smem:$0x3FD2] =	sst s25  }
0xa6: {  	s5 =	sshll.u32 s26, $0x1;
	_ =	strace $0x80000046;
	[dreg:$0x1] =	wrdreg $0xFFFFFFFF  }
0xa7: {  	s28 =	simm.s32 $_size_execute0_lowered;
	s3 =	sadd.s32 s3, s5;
	[dreg:$0x0] =	wrdreg $0x0  }
0xa8: {  	s5 =	sshll.u32 s28, $0x1;
	[dreg:$0x2] =	wrdreg s3  }
0xa9: {  	[dreg:$0x3] =	wrdreg s5  }
0xaa: {  	[dreg:$0x4] =	wrdreg $0xC0  }
0xab: {  	_ =	task [dreg:s7], $0x5FFFF  }
0xac: {  	[dreg:$0x1] =	wrdreg $0xFFFFFFFF  }
0xad: {  	[dreg:$0x0] =	wrdreg $0x60  }
0xae: {  	[dreg:$0x2] =	wrdreg s24  }
0xaf: {  	[dreg:$0x3] =	wrdreg s2  }
0xb0: {  	[dreg:$0x4] =	wrdreg $0x17000  }
0xb1: {  	[dreg:$0x5] =	wrdreg $0x9  }
0xb2: {  	_ =	task.clear_ibuf [dreg:s7], $0x6FFFF;
	_ =	strace $0x90000046  }
0xb3: {  	s29 =	simm.s32 $0x9;
	_ =	strace $0x80000048  }
0xb4: {  	_ =	swait.ge [sflag:s29], $0x1  }
0xb5: {  	[sflag:s29] =	ssyncadd.s32 $0xFFFFFFFF  }
0xb6: {  	_ =	strace $0x90000048  }
0xb7: {  	_ =	sfence  }
0xb8: {  	s30 =	sld [smem:$0x0];
	_ =	sdelay $0x2  }
0xb9: {  	s31 =	sshll.u32 s1, $0xD;
	s1 =	sshrl.u32 s1, $0x2  }
0xba: {  	s3 =	sand.u32 $0x4000, s31;
	s1 =	sadd.s32 s1, s30  }
0xbb: {  	s0 =	sor.u32 s3, s0;
	s1 =	sshll.u32 s1, $0x11  }
0xbc: {  	s0 =	sor.u32 s1, s0  }
0xbd: {  	s0 =	sadd.s32 $0x8F2B, s0  }
0xbe: {  	[sflag:s0] =	ssyncadd.remote.s32 $0x1  }
0xbf: {  	_ =	sfence.sel $0xFFFF  }
0xc0: {  	[dreg:$0x0] =	wrdreg $0xFFFFFFFF;
	(pc) =	sbr.abs _section_cstart, $3  }
0xc1: {  	[dreg:$0x1] =	wrdreg $0xFFFFFFFF  }
0xc2: {  	_ =	task.clear_ibuf [dreg:s7], $0x2FFFF;
	_ =	strace $0x9FFFFFFF  }
0xc3: {  	(tm) =	ssettm $0x7FFFFFFF  }
tec
execute0_lowered:
.L_overlay_start_1:
0x0: {  	(tag) =	ssettag $0x1  }
0x1: {  	s4 =	rddreg [dreg:$0x0]  }
0x2: {  	s8 =	rddreg [dreg:$0x1]  }
0x3: {  	s0 =	srdreg.scid;
	s2 =	rddreg [dreg:$0x2]  }
0x4: {  	s3 =	simm.s32 $0x0;
	s5 =	sand.u32 $0x1, s0;
	s0 =	stileid.u32  }
0x5: {  	s13 =	simm.s32 $0x1400;
	s14 =	simm.s32 $0x0;
	s7 =	smul.u32 $0xA00, s0  }
0x6: {  	[smem:$0x7FF] =	sst s3;
	s1 =	sshll.u32 s5, $0x4;
	s10 =	smul.u32 $0x280, s0  }
0x7: {  	s9 =	ssub.s32 $0x2, s5;
	s12 =	smul.u32 $0x2710, s5;
	s5 =	sadd.s32 $0x2580, s2  }
0x8: {  	p0 =	seq.s32 s0, $0xF;
	s6 =	sor.u32 s0, s1;
	s1 =	rddreg [dreg:$0x3]  }
0x9: {  	_ =	strace $0x80000047;
	s11 =	sshrl.u32 s9, $0x1;
	s6 =	smul.u32 $0x280, s6  }
0xa: {  	s7 =	sshrl.u32 s7, $0x2;
	s11 =	ssub.s32 s9, s11;
	s29 =	sadd.s32 s10, s12  }
0xb: {  	s30 =	sshrl.u32 s12, $0x3;
	s12 =	simm.s32 $0x7D;
	s31 =	sshrl.u32 s29, $0x3  }
0xc: {  	s9 =	sadd.s32 s8, s30;
	s6 =	sadd.s32 s6, s4;
	s4 =	sadd.s32 s7, s2  }
0xd: {  	s7 =	sadd.s32 s10, s2;
	s8 =	sadd.s32 s8, s31;
	s9 =	sadd.s32 $0x4B0, s9  }
0xe: {  	v0 =	vimm.f32 $0.0e+00;
	v1 =	vimm.f32 $1.000000000e+00;
	s10 =	smax.u32 s11, $0x1;
	s11 =	simm.s32 $0x1;
	s6 =	sadd.s32 $0x800, s6  }
.LBB2_1:
0xf: {  	[tilespmem:$0x1480] =	vst v0  }
0x10: {  	[tilespmem:$0x1490] =	vst v0  }
0x11: {  	[tilespmem:$0x14A0] =	vst v0  }
0x12: {  	[tilespmem:$0x14B0] =	vst v0  }
0x13: {  	[tilespmem:$0x14C0] =	vst v0  }
0x14: {  	[tilespmem:$0x14D0] =	vst v0  }
0x15: {  	[tilespmem:$0x14E0] =	vst v0  }
0x16: {  	[tilespmem:$0x14F0] =	vst v0  }
0x17: {  	[tilespmem:$0x1500] =	vst v0  }
0x18: {  	[tilespmem:$0x1510] =	vst v0  }
0x19: {  	[tilespmem:$0x1520] =	vst v0  }
0x1a: {  	[tilespmem:$0x1530] =	vst v0  }
0x1b: {  	[tilespmem:$0x1540] =	vst v0  }
0x1c: {  	[tilespmem:$0x1550] =	vst v0  }
0x1d: {  	[tilespmem:$0x1560] =	vst v0  }
0x1e: {  	[tilespmem:$0x1570] =	vst v0  }
0x1f: {  	[tilespmem:$0x1580] =	vst v0  }
0x20: {  	[tilespmem:$0x1590] =	vst v0  }
0x21: {  	[tilespmem:$0x15A0] =	vst v0  }
0x22: {  	[tilespmem:$0x15B0] =	vst v0  }
0x23: {  	[tilespmem:$0x15C0] =	vst v0  }
0x24: {  	[tilespmem:$0x15D0] =	vst v0  }
0x25: {  	[tilespmem:$0x15E0] =	vst v0  }
0x26: {  	[tilespmem:$0x15F0] =	vst v0  }
0x27: {  	[tilespmem:$0x1600] =	vst v0  }
0x28: {  	[tilespmem:$0x1610] =	vst v0  }
0x29: {  	[tilespmem:$0x1620] =	vst v0  }
0x2a: {  	[tilespmem:$0x1630] =	vst v0  }
0x2b: {  	[tilespmem:$0x1640] =	vst v0  }
0x2c: {  	[tilespmem:$0x1650] =	vst v0  }
0x2d: {  	[tilespmem:$0x1660] =	vst v0  }
0x2e: {  	[tilespmem:$0x1670] =	vst v0  }
0x2f: {  	[tilespmem:$0x1680] =	vst v0  }
0x30: {  	[tilespmem:$0x1690] =	vst v0  }
0x31: {  	[tilespmem:$0x16A0] =	vst v0  }
0x32: {  	[tilespmem:$0x16B0] =	vst v0  }
0x33: {  	[tilespmem:$0x16C0] =	vst v0  }
0x34: {  	[tilespmem:$0x16D0] =	vst v0  }
0x35: {  	[tilespmem:$0x16E0] =	vst v0  }
0x36: {  	[tilespmem:$0x16F0] =	vst v0;
	s15 =	simm.s32 @p0 $0x1480  }
0x37: {  	[spmem:s5] =	stream.linear.scatter @p0 [tilespmem:s15], [sflag:$0x1], $0x190, $0x38;
	[tilespmem:$0x1978] =	vst v63  }
0x38: {  	s15 =	simm.s32 @p0 $0x1  }
0x39: {  	_ =	swait.ge @p0 [sflag:s15], $0x190  }
0x3a: {  	[sflag:s15] =	ssyncset.done @p0 $0x0  }
0x3b: {  	[sflag:s15] =	ssyncadd.s32 @p0 $0xFFFFFE70;
	s15 =	simm.s32 @!p0 $0x1480  }
0x3c: {  	[spmem:s4] =	stream.linear.scatter @!p0 [tilespmem:s15], [sflag:$0x1], $0x280, $0x38;
	[tilespmem:$0x1978] =	vst v63  }
0x3d: {  	s15 =	simm.s32 @!p0 $0x1  }
0x3e: {  	_ =	swait.ge @!p0 [sflag:s15], $0x280  }
0x3f: {  	[sflag:s15] =	ssyncset.done @!p0 $0x0  }
0x40: {  	[sflag:s15] =	ssyncadd.s32 @!p0 $0xFFFFFD80  }
0x41: {  	[tilespmem:$0x1400] =	vst v1  }
0x42: {  	[tilespmem:$0x1410] =	vst v1  }
0x43: {  	[tilespmem:$0x1420] =	vst v1  }
0x44: {  	[tilespmem:$0x1430] =	vst v1  }
0x45: {  	[tilespmem:$0x1440] =	vst v1  }
0x46: {  	[tilespmem:$0x1450] =	vst v1  }
0x47: {  	[tilespmem:$0x1460] =	vst v1  }
0x48: {  	[tilespmem:$0x1470] =	vst v1  }
0x49: {  	[tilespmem:s3], [sflag:$0x1] =	stream.linear.gather [hbm4b:s6+s3], $0x1400, $0x38;
	[tilespmem:$0x1978] =	vst v63  }
0x4a: {  	_ =	swait.ge [sflag:s11], $0x1400  }
0x4b: {  	[sflag:s11] =	ssyncset.done $0x0  }
0x4c: {  	[sflag:s11] =	ssyncadd.s32 $0xFFFFEC00  }
0x4d: {  	s31 =	simm.s32 $0x0;
	[bflag:$0x0] =	sbarrier.arrive $0xFFFF  }
0x4e: {  	[spmem:s2] =	stream.indirect.scatter.add.f32 [tilespmem:s13], [sflag:$0x1], $0x1, s31, s12, $0xb8;
	[tilespmem:$0x1978] =	vst v63  }
0x4f: {  	_ =	swait.ge [sflag:s11], $0x7D  }
0x50: {  	s15 =	simm.s32 $0x200;
	[sflag:s11] =	ssyncset.done $0x0  }
.LBB2_2:
0x51: {  	s16 =	sshra.s32 s15, $0x2;
	[sflag:s11] =	ssyncadd.s32 $0xFFFFFF83;
	p1 =	sne.s32 s15, $0x4E00  }
0x52: {  	[spmem:s2] =	stream.indirect.scatter.add.f32 [tilespmem:s13], [sflag:$0x1], $0x1, s16, s12, $0xb8;
	[tilespmem:$0x1978] =	vst v63  }
.Ltmp0:
0x53: {  	_ = 	snop;
	(pc) =	sbr.rel @p1 .LBB2_2-.Ltmp0, $4  }
0x54: {  	_ = 	snop  }
0x55: {  	s15 =	sadd.s32 $0x200, s15  }
0x56: {  	_ =	swait.ge [sflag:s11], $0x7D  }
0x57: {  	[sflag:s11] =	ssyncset.done $0x0  }
0x58: {  	[sflag:s11] =	ssyncadd.s32 $0xFFFFFF83  }
0x59: {  	s15 =	simm.s32 @p0 $0x1480;
	s16 =	simm.s32 @p0 $0x1;
	[bflag:$0x0] =	sbarrier.arrive $0xFFFF  }
0x5a: {  	[tilespmem:s15], [sflag:$0x1] =	stream.linear.gather @p0 [spmem:s5], $0x190, $0x38;
	[tilespmem:$0x1978] =	vst v63  }
0x5b: {  	_ =	swait.ge @p0 [sflag:s16], $0x190  }
0x5c: {  	[sflag:s16] =	ssyncset.done @p0 $0x0  }
0x5d: {  	s17 =	simm.s32 @p0 $0x0;
	[sflag:s16] =	ssyncadd.s32 @p0 $0xFFFFFE70  }
0x5e: {  	[hbm4b:s9+s17] =	stream.linear.scatter @p0 [tilespmem:s15], [sflag:$0x1], $0x190, $0x38;
	[tilespmem:$0x1978] =	vst v63  }
0x5f: {  	_ =	swait.ge @p0 [sflag:s16], $0x190  }
0x60: {  	[sflag:s16] =	ssyncset.done @p0 $0x0  }
0x61: {  	s15 =	simm.s32 @!p0 $0x1480;
	[sflag:s16] =	ssyncadd.s32 @p0 $0xFFFFFE70;
	s16 =	simm.s32 @!p0 $0x1  }
0x62: {  	[tilespmem:s15], [sflag:$0x1] =	stream.linear.gather @!p0 [spmem:s7], $0x280, $0x38;
	[tilespmem:$0x1978] =	vst v63  }
0x63: {  	s14 =	sadd.s32 $0x1, s14;
	_ =	swait.ge @!p0 [sflag:s16], $0x280  }
0x64: {  	p1 =	sne.s32 s14, s10;
	[sflag:s16] =	ssyncset.done @!p0 $0x0  }
.Ltmp1:
0x65: {  	s17 =	simm.s32 @!p0 $0x0;
	[sflag:s16] =	ssyncadd.s32 @!p0 $0xFFFFFD80;
	(pc) =	sbr.rel @p1 .LBB2_1-.Ltmp1, $4  }
0x66: {  	[hbm4b:s8+s17] =	stream.linear.scatter @!p0 [tilespmem:s15], [sflag:$0x1], $0x280, $0x38;
	[tilespmem:$0x1978] =	vst v63  }
0x67: {  	_ =	swait.ge @!p0 [sflag:s16], $0x280  }
0x68: {  	[sflag:s16] =	ssyncset.done @!p0 $0x0  }
0x69: {  	[sflag:s16] =	ssyncadd.s32 @!p0 $0xFFFFFD80  }
0x6a: {  	_ =	sfence.sel $0x180000  }
0x6b: {  	[bflag:$0x0] =	sbarrier.arrive $0xFFFF  }
0x6c: {  	p0 =	sne.s32 s0, $0x0;
	_ =	strace $0x90000047  }
0x6d: {  	s0 =	sadd.s32 @!p0 $0x100000, s1;
	[bflag:$0x2] =	sbarrier.arrive $0xFFFF  }
0x6e: {  	[sflag:s0] =	ssyncadd.tile.s32 @!p0 $0x1;
	_ =	shalt  }
.Lfunc_end2:
_tile_overlayer_lowered:
.L_overlay_start_2:
0x6f: {  	(tag) =	ssettag $0x2  }
0x70: {  	s0 =	rddreg [dreg:$0x0];
	s2 =	stileid.u32  }
0x71: {  	s1 =	rddreg [dreg:$0x1];
	p0 =	sne.s32 s2, $0x0  }
0x72: {  	s3 =	rddreg [dreg:$0x2];
	[bflag:$0x3] =	sbarrier.arrive $0xFFFF;
	s2 =	simm.s32 @!p0 $0x1C01  }
0x73: {  	[timem:s3], [sflag:s2] =	dma.local @!p0 [hbm:s0], s1  }
0x74: {  	s0 =	simm.s32 @!p0 $0x1  }
0x75: {  	_ =	swait.ge @!p0 [sflag:s0], s1  }
0x76: {  	s1 =	ssub.s32 @!p0 $0x0, s1;
	[sflag:s0] =	ssyncset.done @!p0 $0x0  }
0x77: {  	[sflag:s0] =	ssyncadd.s32 @!p0 s1  }
0x78: {  	[bflag:$0x3] =	sbarrier.arrive $0xFFFF  }
0x79: {  	_ =	shalt  }

// kernel: kernel.9.cloned.1.call-start
scs
__scs_entry_jumppad:
0x0: {  	(pc) =	sbr.rel $0x88, $3  }
0x1: {  	(tag) =	ssettag $0x0;
	lr =	simm.s32 $0x1  }
0x2: {  	[smem:$0x3F9D] =	sst lr;
	_ =	strace $0xD0000000  }
0x3: {  	_ = 	snop  }
0x4: {  	_ = 	snop  }
0x5: {  	_ = 	snop  }
0x6: {  	_ = 	snop  }
0x7: {  	_ = 	snop  }
__scs_overlays_trampoline_lowered:
0x8: {  	[smem:$0x3FAC] =	sst s0  }
0x9: {  	[smem:$0x3FAD] =	sst s1  }
0xa: {  	[smem:$0x3FAE] =	sst s2  }
0xb: {  	[smem:$0x3FAF] =	sst s3  }
0xc: {  	[smem:$0x3FB0] =	sst s4  }
0xd: {  	[smem:$0x3FB1] =	sst s5  }
0xe: {  	[smem:$0x3FB2] =	sst s6  }
0xf: {  	[smem:$0x3FB3] =	sst s7  }
0x10: {  	[smem:$0x3FB4] =	sst s8  }
0x11: {  	[smem:$0x3FB5] =	sst s9;
	s0 =	simm.s32 @!p0 $0x0  }
0x12: {  	s1 =	sld [smem:$0x3F9B];
	s0 =	simm.s32 @p0 $0x1  }
0x13: {  	[smem:$0x3FB6] =	sst s0;
	s0 =	simm.s32 @!p1 $0x0  }
0x14: {  	s2 =	sld [smem:$0x3F9A];
	s0 =	simm.s32 @p1 $0x1  }
0x15: {  	[smem:$0x3FB7] =	sst s0;
	s0 =	simm.s32 @!p2 $0x0  }
0x16: {  	s3 =	sld [smem:$0x3FDB];
	s0 =	simm.s32 @p2 $0x1  }
0x17: {  	s4 =	simm.s32 $0x1BF5;
	[smem:$0x3FB9] =	sst s0  }
0x18: {  	s0 =	sld [smem:$0x3F9C];
	_ =	swait.ge [sflag:s4], $0x0  }
0x19: {  	s7 =	sld [smem:$0x3F9D]  }
0x1a: {  	s8 =	sadd.s32 $0xFFFFE003, lr  }
0x1b: {  	s9 =	sadd.s32 $0xFFFFFEF7, lr;
	s5 =	simm.s32 $0xFFFFFFFF;
	p2 =	slt.u32 s8, $0xFFFFF086  }
0x1c: {  	p1 =	slt.u32 s9, $0xF7A;
	s5 =	simm.s32 @!p2 $0x0  }
0x1d: {  	s5 =	simm.s32 @p1 $0x1;
	p0 =	seq.s32 s7, s2  }
0x1e: {  	s7 =	smul.u32 @!p0 $0xF7A, s2;
	p2 =	seq.s32 @!p0 s5, $0x0  }
0x1f: {  	s9 =	smul.u32 $0xF7A, s1;
	s8 =	simm.s32 @!p0 $0x1BF5;
	p2 =	por !p2, p0  }
0x20: {  	[sflag:s8] =	ssyncset.s32 @!p0 $0xFFFFF086;
	s6 =	sadd.s32 @!p0 s3, s7;
	s7 =	simm.s32 @!p0 $0x108  }
0x21: {  	s3 =	sadd.s32 s3, s9;
	s6 =	sadd.s32 @!p0 $0x88, s6;
	s7 =	simm.s32 @p2 $0x1082  }
0x22: {  	[simem:s7], [sflag:s8] =	dma.local @!p0 [hbm:s6], $0xF7A  }
0x23: {  	s9 =	sor.u32 $0xD0000000, s2;
	s6 =	simm.s32 $0x108;
	_ =	swait.ge @!p0 [sflag:s8], $0x0  }
0x24: {  	s3 =	sadd.s32 $0x88, s3;
	s6 =	simm.s32 @!p1 $0x1082;
	[sflag:s4] =	ssyncset.s32 $0xFFFFF086  }
0x25: {  	[simem:s6], [sflag:s4] =	dma.local [hbm:s3], $0xF7A  }
0x26: {  	[smem:$0x3F9D] =	sst s1;
	(tag) =	ssettag s2;
	_ =	strace s9  }
0x27: {  	s1 =	sld [smem:$0x3FAD]  }
0x28: {  	s2 =	sld [smem:$0x3FAE]  }
0x29: {  	s4 =	sld [smem:$0x3FB0]  }
0x2a: {  	p0 =	seq.s32 s5, $0x0;
	s5 =	sld [smem:$0x3FB1]  }
0x2b: {  	s6 =	sld [smem:$0x3FB2]  }
0x2c: {  	s7 =	sld [smem:$0x3FB3]  }
0x2d: {  	s3 =	simm.s32 $0x108;
	s8 =	sld [smem:$0x3FB4]  }
0x2e: {  	s3 =	simm.s32 @!p0 $0x1082;
	s9 =	sld [smem:$0x3FB5]  }
0x2f: {  	lr =	sadd.s32 s0, s3;
	s0 =	sld [smem:$0x3FAC]  }
0x30: {  	s3 =	sld [smem:$0x3FAF]  }
0x31: {  	[smem:$0x3FB8] =	sst s10  }
0x32: {  	s10 =	sld [smem:$0x3FB6];
	_ =	sdelay $0x3  }
0x33: {  	p0 =	seq.s32 s10, $0x1;
	s10 =	sld [smem:$0x3FB8];
	_ =	sdelay $0x3  }
0x34: {  	[smem:$0x3FB8] =	sst s10  }
0x35: {  	s10 =	sld [smem:$0x3FB7];
	_ =	sdelay $0x3  }
0x36: {  	p1 =	seq.s32 s10, $0x1;
	s10 =	sld [smem:$0x3FB8];
	_ =	sdelay $0x3  }
0x37: {  	[smem:$0x3FB8] =	sst s10  }
0x38: {  	s10 =	sld [smem:$0x3FB9]  }
0x39: {  	_ = 	snop;
	(pc) =	sbr.ind lr, $3  }
0x3a: {  	_ = 	snop  }
0x3b: {  	_ = 	snop  }
0x3c: {  	p2 =	seq.s32 s10, $0x1;
	s10 =	sld [smem:$0x3FB8]  }
0x3d: {  	_ =	shalt  }
0x3e: {  	_ =	shalt  }
0x3f: {  	_ =	shalt  }
0x40: {  	_ =	shalt  }
0x41: {  	_ =	shalt  }
0x42: {  	_ =	shalt  }
0x43: {  	_ =	shalt  }
0x44: {  	_ =	shalt  }
0x45: {  	_ =	shalt  }
0x46: {  	_ =	shalt  }
0x47: {  	_ =	shalt  }
0x48: {  	_ =	shalt  }
0x49: {  	_ =	shalt  }
0x4a: {  	_ =	shalt  }
0x4b: {  	_ =	shalt  }
0x4c: {  	_ =	shalt  }
0x4d: {  	_ =	shalt  }
0x4e: {  	_ =	shalt  }
0x4f: {  	_ =	shalt  }
0x50: {  	_ =	shalt  }
0x51: {  	_ =	shalt  }
0x52: {  	_ =	shalt  }
0x53: {  	_ =	shalt  }
0x54: {  	_ =	shalt  }
0x55: {  	_ =	shalt  }
0x56: {  	_ =	shalt  }
0x57: {  	_ =	shalt  }
0x58: {  	_ =	shalt  }
0x59: {  	_ =	shalt  }
0x5a: {  	_ =	shalt  }
0x5b: {  	_ =	shalt  }
0x5c: {  	_ =	shalt  }
0x5d: {  	_ =	shalt  }
0x5e: {  	_ =	shalt  }
0x5f: {  	_ =	shalt  }
0x60: {  	_ =	shalt  }
0x61: {  	_ =	shalt  }
0x62: {  	_ =	shalt  }
0x63: {  	_ =	shalt  }
0x64: {  	_ =	shalt  }
0x65: {  	_ =	shalt  }
0x66: {  	_ =	shalt  }
0x67: {  	_ =	shalt  }
0x68: {  	_ =	shalt  }
0x69: {  	_ =	shalt  }
0x6a: {  	_ =	shalt  }
0x6b: {  	_ =	shalt  }
0x6c: {  	_ =	shalt  }
0x6d: {  	_ =	shalt  }
0x6e: {  	_ =	shalt  }
0x6f: {  	_ =	shalt  }
0x70: {  	_ =	shalt  }
0x71: {  	_ =	shalt  }
0x72: {  	_ =	shalt  }
0x73: {  	_ =	shalt  }
0x74: {  	_ =	shalt  }
0x75: {  	_ =	shalt  }
0x76: {  	_ =	shalt  }
0x77: {  	_ =	shalt  }
0x78: {  	_ =	shalt  }
0x79: {  	_ =	shalt  }
0x7a: {  	_ =	shalt  }
0x7b: {  	_ =	shalt  }
0x7c: {  	_ =	shalt  }
0x7d: {  	_ =	shalt  }
0x7e: {  	_ =	shalt  }
0x7f: {  	_ =	shalt  }
0x80: {  	_ =	shalt  }
0x81: {  	_ =	shalt  }
0x82: {  	_ =	shalt  }
0x83: {  	_ =	shalt  }
0x84: {  	_ =	shalt  }
0x85: {  	_ =	shalt  }
0x86: {  	_ =	shalt  }
0x87: {  	_ =	shalt  }
.Lfunc_end0:
.L_simem_size_0:
called_computation.1_lowered:
.L_overlay_start_0:
0x88: {  	s2 =	sld [smem:$0x3FD9]  }
0x89: {  	s3 =	sld [smem:$0x3FFE];
	_ =	sdelay $0x1  }
0x8a: {  	s1 =	srdreg.scid  }
0x8b: {  	s0 =	sand.u32 $0x1, s1  }
0x8c: {  	s17 =	sshll.u32 s0, $0xA;
	s2 =	sadd.s32 s3, s2  }
0x8d: {  	s2 =	sadd.s32 s2, s17  }
0x8e: {  	[smem:$0x3FC4] =	sst s2  }
0x8f: {  	_ = 	snop  }
0x90: {  	s2 =	sld [smem:$0x3FD0];
	(tm) =	ssettm $0x1  }
0x91: {  	s18 =	sld [smem:$0x3FFB];
	_ =	sdelay $0x3  }
0x92: {  	_ =	strace s18  }
0x93: {  	s3 =	sld [smem:$0x3FFC];
	_ =	sdelay $0x3  }
0x94: {  	_ =	strace s3  }
0x95: {  	s3 =	sld [smem:$0x3FFD];
	_ =	sdelay $0x3  }
0x96: {  	_ =	strace s3  }
0x97: {  	_ =	strace $0x8FFFFFFF  }
0x98: {  	s19 =	sld [smem:$0x3FDB];
	_ =	sdelay $0x1  }
0x99: {  	s4 =	simm.s32 $_scs_section_size  }
0x9a: {  	s5 =	simm.s32 $_size__tile_overlayer_lowered;
	s6 =	simm.s32 $_tile_overlayer_lowered  }
0x9b: {  	s22 =	simm.s32 $0x1BFF;
	s21 =	sshll.u32 s6, $0x1;
	s3 =	sadd.s32 s4, s19  }
0x9c: {  	s7 =	simm.s32 $0x0;
	s20 =	sshll.u32 s5, $0x1;
	s5 =	sadd.s32 s21, s3  }
0x9d: {  	[timem:s7], [sflag:s22] =	dma.local [hbm:s5], s20  }
0x9e: {  	_ =	swait.ge [sflag:s22], s20  }
0x9f: {  	s4 =	ssub.s32 $0x0, s20;
	[sflag:s22] =	ssyncset.done $0x0  }
0xa0: {  	[sflag:s22] =	ssyncadd.s32 s4;
	_ =	sdelay $0x1  }
0xa1: {  	s23 =	simm.s32 $0x1B8B  }
0xa2: {  	_ =	swait.ge [sflag:s23], $0x1  }
0xa3: {  	[sflag:s23] =	ssyncset.done $0x0  }
0xa4: {  	s25 =	simm.s32 $0x1B8E;
	s24 =	sld [smem:$0x3FFE];
	[sflag:s23] =	ssyncadd.s32 $0xFFFFFFFF  }
0xa5: {  	s26 =	simm.s32 $execute0_lowered;
	[smem:$0x3FD2] =	sst s25  }
0xa6: {  	s5 =	sshll.u32 s26, $0x1;
	_ =	strace $0x80000049;
	[dreg:$0x1] =	wrdreg $0xFFFFFFFF  }
0xa7: {  	s28 =	simm.s32 $_size_execute0_lowered;
	s3 =	sadd.s32 s3, s5;
	[dreg:$0x0] =	wrdreg $0x0  }
0xa8: {  	s5 =	sshll.u32 s28, $0x1;
	[dreg:$0x2] =	wrdreg s3  }
0xa9: {  	[dreg:$0x3] =	wrdreg s5  }
0xaa: {  	[dreg:$0x4] =	wrdreg $0xC0  }
0xab: {  	_ =	task [dreg:s7], $0x5FFFF  }
0xac: {  	[dreg:$0x1] =	wrdreg $0xFFFFFFFF  }
0xad: {  	[dreg:$0x0] =	wrdreg $0x60  }
0xae: {  	[dreg:$0x2] =	wrdreg s2  }
0xaf: {  	[dreg:$0x3] =	wrdreg s24  }
0xb0: {  	[dreg:$0x4] =	wrdreg $0xAC800  }
0xb1: {  	[dreg:$0x5] =	wrdreg $0x9  }
0xb2: {  	_ =	task.clear_ibuf [dreg:s7], $0x6FFFF;
	_ =	strace $0x90000049  }
0xb3: {  	s29 =	simm.s32 $0x9;
	_ =	strace $0x8000004B  }
0xb4: {  	_ =	swait.ge [sflag:s29], $0x1  }
0xb5: {  	[sflag:s29] =	ssyncadd.s32 $0xFFFFFFFF  }
0xb6: {  	_ =	strace $0x9000004B  }
0xb7: {  	_ =	sfence  }
0xb8: {  	s30 =	sld [smem:$0x0];
	_ =	sdelay $0x2  }
0xb9: {  	s31 =	sshll.u32 s1, $0xD;
	s1 =	sshrl.u32 s1, $0x2  }
0xba: {  	s3 =	sand.u32 $0x4000, s31;
	s1 =	sadd.s32 s1, s30  }
0xbb: {  	s0 =	sor.u32 s3, s0;
	s1 =	sshll.u32 s1, $0x11  }
0xbc: {  	s0 =	sor.u32 s1, s0  }
0xbd: {  	s0 =	sadd.s32 $0x8F2B, s0  }
0xbe: {  	[sflag:s0] =	ssyncadd.remote.s32 $0x1  }
0xbf: {  	_ =	sfence.sel $0xFFFF  }
0xc0: {  	[dreg:$0x0] =	wrdreg $0xFFFFFFFF;
	(pc) =	sbr.abs _section_cstart, $3  }
0xc1: {  	[dreg:$0x1] =	wrdreg $0xFFFFFFFF  }
0xc2: {  	_ =	task.clear_ibuf [dreg:s7], $0x2FFFF;
	_ =	strace $0x9FFFFFFF  }
0xc3: {  	(tm) =	ssettm $0x7FFFFFFF  }
tec
execute0_lowered:
.L_overlay_start_1:
0x0: {  	(tag) =	ssettag $0x1  }
0x1: {  	s1 =	rddreg [dreg:$0x0]  }
0x2: {  	s4 =	rddreg [dreg:$0x1];
	s3 =	srdreg.scid  }
0x3: {  	s0 =	stileid.u32;
	s2 =	rddreg [dreg:$0x2]  }
0x4: {  	s25 =	stileid.u32;
	s5 =	sand.u32 $0x1, s3;
	s9 =	smul.u32 $0x280, s0  }
0x5: {  	s3 =	simm.s32 $0x0;
	s7 =	sadd.s32 $0x5800, s4;
	s26 =	smul.u32 $0x2800, s25  }
0x6: {  	s10 =	sadd.s32 $0x800, s4;
	s6 =	smul.u32 $0x2710, s5;
	[smem:$0x7FF] =	sst s3  }
0x7: {  	s8 =	ssub.s32 $0x2, s5;
	s5 =	smul.u32 $0x27100, s5;
	_ =	strace $0x8000004A  }
0x8: {  	s24 =	sshrl.u32 s8, $0x1;
	s11 =	sor.u32 $0x10, s9;
	s12 =	sor.u32 $0x20, s9  }
0x9: {  	s15 =	sor.u32 $0x30, s9;
	s16 =	sor.u32 $0x40, s9;
	s17 =	sor.u32 $0x50, s9  }
0xa: {  	s18 =	sor.u32 $0x60, s9;
	s19 =	sor.u32 $0x70, s9;
	s20 =	sadd.s32 $0x80, s9  }
0xb: {  	s21 =	sadd.s32 $0x90, s9;
	s22 =	sadd.s32 $0xA0, s9;
	s23 =	sadd.s32 $0xB0, s9  }
0xc: {  	s31 =	sshrl.u32 s26, $0x3;
	s28 =	sadd.s32 $0x110, s9;
	s29 =	sadd.s32 $0x120, s9  }
0xd: {  	s30 =	sadd.s32 $0x130, s9;
	s0 =	sadd.s32 $0x220, s9;
	s6 =	sadd.s32 s9, s6  }
0xe: {  	v39 =	vlaneseq.u32;
	s14 =	ssub.s32 s8, s24;
	s24 =	sadd.s32 $0xC0, s9;
	s26 =	sadd.s32 $0x280, s31  }
0xf: {  	v0 =	vor.u32 s11, v39;
	v1 =	vor.u32 s12, v39;
	s11 =	sadd.s32 $0x140, s9;
	s12 =	sadd.s32 $0x150, s9;
	v3 =	vor.u32 s16, v39;
	s16 =	sadd.s32 $0x170, s9  }
0x10: {  	v4 =	vor.u32 s17, v39;
	s17 =	sadd.s32 $0x180, s9;
	v5 =	vor.u32 s18, v39;
	v6 =	vor.u32 s19, v39;
	s18 =	sadd.s32 $0x1A0, s9;
	s19 =	sadd.s32 $0x1B0, s9  }
0x11: {  	v7 =	vor.u32 s20, v39;
	s20 =	sadd.s32 $0x1C0, s9;
	v8 =	vor.u32 s21, v39;
	v9 =	vor.u32 s22, v39;
	s21 =	sadd.s32 $0x1D0, s9;
	s22 =	sadd.s32 $0x1E0, s9  }
0x12: {  	v10 =	vor.u32 s23, v39;
	s23 =	sadd.s32 $0x1F0, s9;
	v16 =	vor.u32 s28, v39;
	s28 =	sadd.s32 $0x240, s9;
	v17 =	vor.u32 s29, v39;
	s29 =	sadd.s32 $0x260, s9  }
0x13: {  	v2 =	vor.u32 s15, v39;
	v18 =	vor.u32 s30, v39;
	s30 =	sadd.s32 $0x270, s9;
	s15 =	simm.s32 $0x80;
	s6 =	sshll.u32 s6, $0x4  }
0x14: {  	s8 =	sadd.s32 s10, s26;
	v11 =	vor.u32 s24, v39;
	s24 =	sadd.s32 $0x200, s9;
	s14 =	smax.u32 s14, $0x1  }
0x15: {  	v23 =	vor.u32 s16, v39;
	v24 =	vor.u32 s17, v39;
	v26 =	vor.u32 s18, v39;
	s16 =	simm.s32 $0xA800;
	s17 =	simm.s32 $0x2800;
	s18 =	simm.s32 $0x3  }
0x16: {  	v27 =	vor.u32 s19, v39;
	v28 =	vor.u32 s20, v39;
	v29 =	vor.u32 s21, v39;
	s19 =	simm.s32 $0xA880;
	s20 =	simm.s32 $0xA900;
	s21 =	simm.s32 $0x1400  }
0x17: {  	v30 =	vor.u32 s22, v39;
	v31 =	vor.u32 s23, v39;
	s22 =	simm.s32 $0x7D;
	s23 =	simm.s32 $0x6800;
	v36 =	vor.u32 s28, v39;
	s28 =	simm.s32 $0x2700  }
0x18: {  	v38 =	vor.u32 s29, v39;
	s29 =	simm.s32 $0x2780;
	s13 =	sadd.s32 s6, s4;
	s6 =	smul.u32 $0x500, s25  }
0x19: {  	s25 =	sadd.s32 $0xD0, s9;
	s4 =	sadd.s32 s1, s5;
	v32 =	vor.u32 s24, v39;
	s24 =	simm.s32 $0x1  }
0x1a: {  	v20 =	vor.u32 s11, v39;
	v21 =	vor.u32 s12, v39;
	v12 =	vor.u32 s25, v39;
	s25 =	sadd.s32 $0x210, s9;
	s11 =	sadd.s32 $0xB800, s13;
	s12 =	sadd.s32 $0xC000, s13  }
0x1b: {  	s5 =	sadd.s32 s7, s6;
	s31 =	sadd.s32 s10, s6;
	s6 =	sadd.s32 $0xE0, s9  }
0x1c: {  	s10 =	sadd.s32 $0xB000, s13;
	v33 =	vor.u32 s25, v39;
	s25 =	simm.s32 $0x2;
	[dreg:$0x4] =	wrdreg s5  }
0x1d: {  	[dreg:$0x5] =	wrdreg s31;
	s5 =	sadd.s32 s7, s26;
	s7 =	sadd.s32 $0xF0, s9  }
0x1e: {  	v40 =	vimm.f32 $0.0e+00;
	s26 =	sadd.s32 $0x100, s9;
	s31 =	sadd.s32 $0x160, s9;
	v13 =	vor.u32 s6, v39;
	s6 =	sadd.s32 $0x230, s9  }
0x1f: {  	v19 =	vor.u32 s9, v39;
	v34 =	vor.u32 s0, v39;
	[dreg:$0x6] =	wrdreg s5;
	s5 =	sadd.s32 $0x190, s9;
	v14 =	vor.u32 s7, v39;
	s7 =	sadd.s32 $0x250, s9  }
0x20: {  	v15 =	vor.u32 s26, v39;
	s9 =	sadd.s32 $0xA800, s13;
	v22 =	vor.u32 s31, v39;
	s13 =	sadd.s32 $0xC800, s13;
	s31 =	stileid.u32;
	v35 =	vor.u32 s6, v39  }
0x21: {  	s26 =	simm.s32 $0x1380;
	v25 =	vor.u32 s5, v39;
	p0 =	seq.s32 s31, $0xF;
	v37 =	vor.u32 s7, v39;
	v39 =	vor.u32 s30, v39;
	s30 =	simm.s32 $0x0  }
.LBB2_1:
0x22: {  	[tilespmem:$0xA800] =	vst v19  }
0x23: {  	[tilespmem:$0xA810] =	vst v0  }
0x24: {  	[tilespmem:$0xA820] =	vst v1  }
0x25: {  	[tilespmem:$0xA830] =	vst v2  }
0x26: {  	[tilespmem:$0xA840] =	vst v3  }
0x27: {  	[tilespmem:$0xA850] =	vst v4  }
0x28: {  	[tilespmem:$0xA860] =	vst v5  }
0x29: {  	[tilespmem:$0xA870] =	vst v6  }
0x2a: {  	[tilespmem:$0xA880] =	vst v7  }
0x2b: {  	[tilespmem:$0xA890] =	vst v8  }
0x2c: {  	[tilespmem:$0xA8A0] =	vst v9  }
0x2d: {  	[tilespmem:$0xA8B0] =	vst v10  }
0x2e: {  	[tilespmem:$0xA8C0] =	vst v11  }
0x2f: {  	[tilespmem:$0xA8D0] =	vst v12  }
0x30: {  	[tilespmem:$0xA8E0] =	vst v13  }
0x31: {  	[tilespmem:$0xA8F0] =	vst v14  }
0x32: {  	[tilespmem:$0xA900] =	vst v15  }
0x33: {  	[tilespmem:$0xA910] =	vst v16  }
0x34: {  	[tilespmem:$0xA920] =	vst v17  }
0x35: {  	[tilespmem:$0xA930] =	vst v18  }
0x36: {  	[tilespmem:$0xA940] =	vst v20  }
0x37: {  	[tilespmem:$0xA950] =	vst v21  }
0x38: {  	[tilespmem:$0xA960] =	vst v22  }
0x39: {  	[tilespmem:$0xA970] =	vst v23  }
0x3a: {  	[tilespmem:$0xA980] =	vst v24  }
0x3b: {  	[tilespmem:$0xA990] =	vst v25  }
0x3c: {  	[tilespmem:$0xA9A0] =	vst v26  }
0x3d: {  	[tilespmem:$0xA9B0] =	vst v27  }
0x3e: {  	[tilespmem:$0xA9C0] =	vst v28  }
0x3f: {  	[tilespmem:$0xA9D0] =	vst v29  }
0x40: {  	[tilespmem:$0xA9E0] =	vst v30  }
0x41: {  	[tilespmem:$0xA9F0] =	vst v31  }
0x42: {  	[tilespmem:$0xAA00] =	vst v32  }
0x43: {  	[tilespmem:$0xAA10] =	vst v33  }
0x44: {  	[tilespmem:$0xAA20] =	vst v34  }
0x45: {  	[tilespmem:$0xAA30] =	vst v35  }
0x46: {  	[tilespmem:$0xAA40] =	vst v36  }
0x47: {  	[tilespmem:$0xAA50] =	vst v37  }
0x48: {  	[tilespmem:$0xAA60] =	vst v38  }
0x49: {  	[tilespmem:$0xAA70] =	vst v39  }
0x4a: {  	[tilespmem:$0xAC00] =	vst v24;
	s31 =	simm.s32 $0x0;
	s1 =	simm.s32 $0x200  }
.LBB2_2:
0x4b: {  	p1 =	sne.s32 s1, $0xFE00;
	[tilespmem:s31+$0x2870] =	vst v40  }
0x4c: {  	[tilespmem:s31+$0x2800] =	vst v40  }
0x4d: {  	[tilespmem:s31+$0x2810] =	vst v40  }
.Ltmp0:
0x4e: {  	[tilespmem:s31+$0x2820] =	vst v40;
	(pc) =	sbr.rel @p1 .LBB2_2-.Ltmp0, $4  }
0x4f: {  	[tilespmem:s31+$0x2830] =	vst v40  }
0x50: {  	[tilespmem:s31+$0x2840] =	vst v40  }
0x51: {  	[tilespmem:s31+$0x2850] =	vst v40  }
0x52: {  	[tilespmem:s31+$0x2860] =	vst v40;
	s31 =	sshra.s32 s1, $0x2;
	s1 =	sadd.s32 $0x200, s1  }
0x53: {  	[tilespmem:s31+$0x2870] =	vst v40  }
0x54: {  	[tilespmem:s31+$0x2800] =	vst v40  }
0x55: {  	[tilespmem:s31+$0x2810] =	vst v40  }
0x56: {  	[tilespmem:s31+$0x2820] =	vst v40  }
0x57: {  	[tilespmem:s31+$0x2830] =	vst v40  }
0x58: {  	[tilespmem:s31+$0x2840] =	vst v40  }
0x59: {  	[tilespmem:s31+$0x2850] =	vst v40  }
0x5a: {  	[tilespmem:s31+$0x2860] =	vst v40  }
0x5b: {  	[spmem:s2] =	stream.indirect.scatter [tilespmem:s17], [sflag:$0x3], $0x80, s16, s15, $0xb8;
	[tilespmem:$0x1E500] =	vst v63  }
0x5c: {  	_ =	swait.ge [sflag:s18], $0x4000  }
0x5d: {  	[sflag:s18] =	ssyncset.done $0x0  }
0x5e: {  	[sflag:s18] =	ssyncadd.s32 $0xFFFFC000  }
0x5f: {  	[spmem:s2] =	stream.indirect.scatter [tilespmem:s17], [sflag:$0x3], $0x80, s19, s15, $0xb8;
	[tilespmem:$0x1E500] =	vst v63  }
0x60: {  	_ =	swait.ge [sflag:s18], $0x4000  }
0x61: {  	[sflag:s18] =	ssyncset.done $0x0  }
0x62: {  	[sflag:s18] =	ssyncadd.s32 $0xFFFFC000  }
0x63: {  	[spmem:s2] =	stream.indirect.scatter [tilespmem:s17], [sflag:$0x3], $0x80, s20, s15, $0xb8;
	[tilespmem:$0x1E500] =	vst v63  }
0x64: {  	_ =	swait.ge [sflag:s18], $0x4000  }
0x65: {  	s0 =	simm.s32 @p0 $0x10;
	[sflag:s18] =	ssyncset.done $0x0  }
0x66: {  	s1 =	simm.s32 @p0 $0xAC00;
	s31 =	simm.s32 @p0 $0x2800;
	[sflag:s18] =	ssyncadd.s32 $0xFFFFC000  }
0x67: {  	[spmem:s2] =	stream.indirect.scatter @p0 [tilespmem:s31], [sflag:$0x3], $0x80, s1, s0, $0xb8;
	[tilespmem:$0x1E500] =	vst v63  }
0x68: {  	s0 =	simm.s32 @p0 $0x3  }
0x69: {  	_ =	swait.ge @p0 [sflag:s0], $0x800  }
0x6a: {  	s1 =	simm.s32 @!p0 $0xA980;
	[sflag:s0] =	ssyncset.done @p0 $0x0  }
0x6b: {  	s31 =	simm.s32 @!p0 $0x2800;
	[sflag:s0] =	ssyncadd.s32 @p0 $0xFFFFF800;
	s0 =	simm.s32 @!p0 $0x80  }
0x6c: {  	[spmem:s2] =	stream.indirect.scatter @!p0 [tilespmem:s31], [sflag:$0x3], $0x80, s1, s0, $0xb8;
	[tilespmem:$0x1E500] =	vst v63  }
0x6d: {  	s1 =	simm.s32 @!p0 $0x3  }
0x6e: {  	_ =	swait.ge @!p0 [sflag:s1], $0x4000  }
0x6f: {  	[sflag:s1] =	ssyncset.done @!p0 $0x0  }
0x70: {  	s5 =	simm.s32 @!p0 $0xAA00;
	[sflag:s1] =	ssyncadd.s32 @!p0 $0xFFFFC000  }
0x71: {  	[spmem:s2] =	stream.indirect.scatter @!p0 [tilespmem:s31], [sflag:$0x3], $0x80, s5, s0, $0xb8;
	[tilespmem:$0x1E500] =	vst v63  }
0x72: {  	_ =	swait.ge @!p0 [sflag:s1], $0x4000  }
0x73: {  	[sflag:s1] =	ssyncset.done @!p0 $0x0  }
0x74: {  	[sflag:s1] =	ssyncadd.s32 @!p0 $0xFFFFC000  }
0x75: {  	[bflag:$0x0] =	sbarrier.arrive $0xFFFF  }
0x76: {  	s5 =	simm.s32 $0x0;
	s6 =	rddreg [dreg:$0x4]  }
0x77: {  	[tilespmem:s5], [sflag:$0x3] =	stream.linear.gather [hbm4b:s6+s5], $0x1400, $0x38;
	[tilespmem:$0x1E500] =	vst v63  }
0x78: {  	_ =	swait.ge [sflag:s18], $0x1400  }
0x79: {  	[sflag:s18] =	ssyncset.done $0x0  }
0x7a: {  	s7 =	rddreg [dreg:$0x5];
	[sflag:s18] =	ssyncadd.s32 $0xFFFFEC00  }
0x7b: {  	[tilespmem:s21], [sflag:$0x3] =	stream.linear.gather [hbm4b:s7+s5], $0x1400, $0x38;
	[tilespmem:$0x1E500] =	vst v63  }
0x7c: {  	_ =	swait.ge [sflag:s18], $0x1400  }
0x7d: {  	[sflag:s18] =	ssyncset.done $0x0  }
0x7e: {  	[sflag:s18] =	ssyncadd.s32 $0xFFFFEC00  }
0x7f: {  	[tilespmem:s17], [sflag:$0x1] =	stream.indirect.gather [hbm4b:s4+s22], $0x80, s5, s22, $0xb8;
	[tilespmem:$0x1E500] =	vst v63  }
0x80: {  	s1 =	simm.s32 $0x80  }
0x81: {  	[tilespmem:s23], [sflag:$0x2] =	stream.indirect.gather [hbm4b:s4+s22], $0x80, s1, s22, $0xb8;
	[tilespmem:$0x1E500] =	vst v63  }
0x82: {  	_ =	swait.ge [sflag:s24], $0x3E80  }
0x83: {  	[sflag:s24] =	ssyncset.done $0x0  }
0x84: {  	s5 =	simm.s32 $0x1400;
	[sflag:s24] =	ssyncadd.s32 $0xFFFFC180  }
0x85: {  	[spmem:s2] =	stream.indirect.scatter.add.f32 [tilespmem:s17], [sflag:$0x3], $0x80, s5, s22, $0xb8;
	[tilespmem:$0x1E500] =	vst v63  }
0x86: {  	_ =	swait.ge [sflag:s18], $0x3E80  }
0x87: {  	[sflag:s18] =	ssyncset.done $0x0  }
0x88: {  	s6 =	simm.s32 $0x100;
	[sflag:s18] =	ssyncadd.s32 $0xFFFFC180  }
0x89: {  	[tilespmem:s17], [sflag:$0x1] =	stream.indirect.gather [hbm4b:s4+s22], $0x80, s6, s22, $0xb8;
	[tilespmem:$0x1E500] =	vst v63  }
0x8a: {  	_ =	swait.ge [sflag:s25], $0x3E80  }
0x8b: {  	[sflag:s25] =	ssyncset.done $0x0  }
0x8c: {  	s7 =	simm.s32 $0x1480;
	[sflag:s25] =	ssyncadd.s32 $0xFFFFC180  }
0x8d: {  	[spmem:s2] =	stream.indirect.scatter.add.f32 [tilespmem:s23], [sflag:$0x3], $0x80, s7, s22, $0xb8;
	[tilespmem:$0x1E500] =	vst v63  }
0x8e: {  	_ =	swait.ge [sflag:s18], $0x3E80  }
0x8f: {  	s31 =	simm.s32 $0x100;
	s1 =	simm.s32 $0x800;
	[sflag:s18] =	ssyncset.done $0x0  }
.LBB2_4:
0x90: {  	s0 =	sadd.s32 $0x80, s31  }
0x91: {  	[sflag:s18] =	ssyncadd.s32 $0xFFFFC180;
	s5 =	smov.u32 s1;
	s6 =	sadd.s32 $0x400, s1  }
0x92: {  	[tilespmem:s23], [sflag:$0x2] =	stream.indirect.gather [hbm4b:s4+s22], $0x80, s0, s22, $0xb8;
	[tilespmem:$0x1E500] =	vst v63  }
0x93: {  	p1 =	sne.s32 s1, $0x4800;
	_ =	swait.ge [sflag:s24], $0x3E80  }
0x94: {  	[sflag:s24] =	ssyncset.done $0x0  }
0x95: {  	s0 =	sadd.s32 $0x1400, s31;
	[sflag:s24] =	ssyncadd.s32 $0xFFFFC180  }
0x96: {  	[spmem:s2] =	stream.indirect.scatter.add.f32 [tilespmem:s17], [sflag:$0x3], $0x80, s0, s22, $0xb8;
	[tilespmem:$0x1E500] =	vst v63  }
0x97: {  	_ =	swait.ge [sflag:s18], $0x3E80  }
0x98: {  	[sflag:s18] =	ssyncset.done $0x0  }
0x99: {  	s0 =	sadd.s32 $0x100, s31;
	[sflag:s18] =	ssyncadd.s32 $0xFFFFC180  }
0x9a: {  	[tilespmem:s17], [sflag:$0x1] =	stream.indirect.gather [hbm4b:s4+s22], $0x80, s0, s22, $0xb8;
	[tilespmem:$0x1E500] =	vst v63  }
0x9b: {  	_ =	swait.ge [sflag:s25], $0x3E80  }
.Ltmp1:
0x9c: {  	[sflag:s25] =	ssyncset.done $0x0;
	(pc) =	sbr.rel @p1 .LBB2_4-.Ltmp1, $4  }
0x9d: {  	s0 =	sadd.s32 $0x1480, s31;
	[sflag:s25] =	ssyncadd.s32 $0xFFFFC180  }
0x9e: {  	[spmem:s2] =	stream.indirect.scatter.add.f32 [tilespmem:s23], [sflag:$0x3], $0x80, s0, s22, $0xb8;
	[tilespmem:$0x1E500] =	vst v63  }
0x9f: {  	_ =	swait.ge [sflag:s18], $0x3E80  }
0xa0: {  	s1 =	smov.u32 s6;
	s31 =	sshra.s32 s5, $0x2;
	[sflag:s18] =	ssyncset.done $0x0  }
0xa1: {  	s0 =	sadd.s32 $0x80, s31;
	[sflag:s18] =	ssyncadd.s32 $0xFFFFC180  }
0xa2: {  	[tilespmem:s23], [sflag:$0x2] =	stream.indirect.gather [hbm4b:s4+s22], $0x80, s0, s22, $0xb8;
	[tilespmem:$0x1E500] =	vst v63  }
0xa3: {  	_ =	swait.ge [sflag:s24], $0x3E80  }
0xa4: {  	[sflag:s24] =	ssyncset.done $0x0  }
0xa5: {  	s1 =	sadd.s32 $0x1400, s31;
	[sflag:s24] =	ssyncadd.s32 $0xFFFFC180  }
0xa6: {  	[spmem:s2] =	stream.indirect.scatter.add.f32 [tilespmem:s17], [sflag:$0x3], $0x80, s1, s22, $0xb8;
	[tilespmem:$0x1E500] =	vst v63  }
0xa7: {  	_ =	swait.ge [sflag:s18], $0x3E80  }
0xa8: {  	[sflag:s18] =	ssyncset.done $0x0  }
0xa9: {  	s5 =	sadd.s32 $0x100, s31;
	[sflag:s18] =	ssyncadd.s32 $0xFFFFC180  }
0xaa: {  	[tilespmem:s17], [sflag:$0x1] =	stream.indirect.gather [hbm4b:s4+s22], $0x80, s5, s22, $0xb8;
	[tilespmem:$0x1E500] =	vst v63  }
0xab: {  	_ =	swait.ge [sflag:s25], $0x3E80  }
0xac: {  	[sflag:s25] =	ssyncset.done $0x0  }
0xad: {  	s6 =	sadd.s32 $0x1480, s31;
	[sflag:s25] =	ssyncadd.s32 $0xFFFFC180  }
0xae: {  	[spmem:s2] =	stream.indirect.scatter.add.f32 [tilespmem:s23], [sflag:$0x3], $0x80, s6, s22, $0xb8;
	[tilespmem:$0x1E500] =	vst v63  }
0xaf: {  	_ =	swait.ge [sflag:s18], $0x3E80  }
0xb0: {  	[sflag:s18] =	ssyncset.done $0x0  }
0xb1: {  	[sflag:s18] =	ssyncadd.s32 $0xFFFFC180  }
0xb2: {  	[tilespmem:s23], [sflag:$0x2] =	stream.indirect.gather [hbm4b:s4+s22], $0x80, s26, s22, $0xb8;
	[tilespmem:$0x1E500] =	vst v63  }
0xb3: {  	_ =	swait.ge [sflag:s24], $0x3E80  }
0xb4: {  	[sflag:s24] =	ssyncset.done $0x0  }
0xb5: {  	[sflag:s24] =	ssyncadd.s32 $0xFFFFC180  }
0xb6: {  	[spmem:s2] =	stream.indirect.scatter.add.f32 [tilespmem:s17], [sflag:$0x3], $0x80, s28, s22, $0xb8;
	[tilespmem:$0x1E500] =	vst v63  }
0xb7: {  	_ =	swait.ge [sflag:s18], $0x3E80  }
0xb8: {  	[sflag:s18] =	ssyncset.done $0x0  }
0xb9: {  	[sflag:s18] =	ssyncadd.s32 $0xFFFFC180  }
0xba: {  	_ =	swait.ge [sflag:s25], $0x3E80  }
0xbb: {  	[sflag:s25] =	ssyncset.done $0x0  }
0xbc: {  	[sflag:s25] =	ssyncadd.s32 $0xFFFFC180  }
0xbd: {  	[spmem:s2] =	stream.indirect.scatter.add.f32 [tilespmem:s23], [sflag:$0x3], $0x80, s29, s22, $0xb8;
	[tilespmem:$0x1E500] =	vst v63  }
0xbe: {  	_ =	swait.ge [sflag:s18], $0x3E80  }
0xbf: {  	[sflag:s18] =	ssyncset.done $0x0  }
0xc0: {  	s7 =	simm.s32 $0x0;
	s1 =	rddreg [dreg:$0x6];
	[sflag:s18] =	ssyncadd.s32 $0xFFFFC180  }
0xc1: {  	[tilespmem:s7], [sflag:$0x3] =	stream.linear.gather [hbm4b:s1+s7], $0x1400, $0x38;
	[tilespmem:$0x1E500] =	vst v63  }
0xc2: {  	_ =	swait.ge [sflag:s18], $0x1400  }
0xc3: {  	[sflag:s18] =	ssyncset.done $0x0  }
0xc4: {  	[sflag:s18] =	ssyncadd.s32 $0xFFFFEC00  }
0xc5: {  	[tilespmem:s21], [sflag:$0x3] =	stream.linear.gather [hbm4b:s8+s7], $0x1400, $0x38;
	[tilespmem:$0x1E500] =	vst v63  }
0xc6: {  	_ =	swait.ge [sflag:s18], $0x1400  }
0xc7: {  	[sflag:s18] =	ssyncset.done $0x0  }
0xc8: {  	[sflag:s18] =	ssyncadd.s32 $0xFFFFEC00  }
0xc9: {  	[tilespmem:s17], [sflag:$0x1] =	stream.indirect.gather [hbm4b:s4+s22], $0x80, s7, s22, $0xb8;
	[tilespmem:$0x1E500] =	vst v63  }
0xca: {  	s1 =	simm.s32 $0x80  }
0xcb: {  	[tilespmem:s23], [sflag:$0x2] =	stream.indirect.gather [hbm4b:s4+s22], $0x80, s1, s22, $0xb8;
	[tilespmem:$0x1E500] =	vst v63  }
0xcc: {  	_ =	swait.ge [sflag:s24], $0x3E80  }
0xcd: {  	[sflag:s24] =	ssyncset.done $0x0  }
0xce: {  	s5 =	simm.s32 $0x1400;
	[sflag:s24] =	ssyncadd.s32 $0xFFFFC180  }
0xcf: {  	[spmem:s2] =	stream.indirect.scatter.add.f32 [tilespmem:s17], [sflag:$0x3], $0x80, s5, s22, $0xb8;
	[tilespmem:$0x1E500] =	vst v63  }
0xd0: {  	_ =	swait.ge [sflag:s18], $0x3E80  }
0xd1: {  	[sflag:s18] =	ssyncset.done $0x0  }
0xd2: {  	s6 =	simm.s32 $0x100;
	[sflag:s18] =	ssyncadd.s32 $0xFFFFC180  }
0xd3: {  	[tilespmem:s17], [sflag:$0x1] =	stream.indirect.gather [hbm4b:s4+s22], $0x80, s6, s22, $0xb8;
	[tilespmem:$0x1E500] =	vst v63  }
0xd4: {  	_ =	swait.ge [sflag:s25], $0x3E80  }
0xd5: {  	[sflag:s25] =	ssyncset.done $0x0  }
0xd6: {  	s7 =	simm.s32 $0x1480;
	[sflag:s25] =	ssyncadd.s32 $0xFFFFC180  }
0xd7: {  	[spmem:s2] =	stream.indirect.scatter.add.f32 [tilespmem:s23], [sflag:$0x3], $0x80, s7, s22, $0xb8;
	[tilespmem:$0x1E500] =	vst v63  }
0xd8: {  	_ =	swait.ge [sflag:s18], $0x3E80  }
0xd9: {  	s31 =	simm.s32 $0x100;
	s1 =	simm.s32 $0x800;
	[sflag:s18] =	ssyncset.done $0x0  }
.LBB2_6:
0xda: {  	s0 =	sadd.s32 $0x80, s31  }
0xdb: {  	[sflag:s18] =	ssyncadd.s32 $0xFFFFC180;
	s5 =	smov.u32 s1;
	s6 =	sadd.s32 $0x400, s1  }
0xdc: {  	[tilespmem:s23], [sflag:$0x2] =	stream.indirect.gather [hbm4b:s4+s22], $0x80, s0, s22, $0xb8;
	[tilespmem:$0x1E500] =	vst v63  }
0xdd: {  	p1 =	sne.s32 s1, $0x4800;
	_ =	swait.ge [sflag:s24], $0x3E80  }
0xde: {  	[sflag:s24] =	ssyncset.done $0x0  }
0xdf: {  	s0 =	sadd.s32 $0x1400, s31;
	[sflag:s24] =	ssyncadd.s32 $0xFFFFC180  }
0xe0: {  	[spmem:s2] =	stream.indirect.scatter.add.f32 [tilespmem:s17], [sflag:$0x3], $0x80, s0, s22, $0xb8;
	[tilespmem:$0x1E500] =	vst v63  }
0xe1: {  	_ =	swait.ge [sflag:s18], $0x3E80  }
0xe2: {  	[sflag:s18] =	ssyncset.done $0x0  }
0xe3: {  	s0 =	sadd.s32 $0x100, s31;
	[sflag:s18] =	ssyncadd.s32 $0xFFFFC180  }
0xe4: {  	[tilespmem:s17], [sflag:$0x1] =	stream.indirect.gather [hbm4b:s4+s22], $0x80, s0, s22, $0xb8;
	[tilespmem:$0x1E500] =	vst v63  }
0xe5: {  	_ =	swait.ge [sflag:s25], $0x3E80  }
.Ltmp2:
0xe6: {  	[sflag:s25] =	ssyncset.done $0x0;
	(pc) =	sbr.rel @p1 .LBB2_6-.Ltmp2, $4  }
0xe7: {  	s0 =	sadd.s32 $0x1480, s31;
	[sflag:s25] =	ssyncadd.s32 $0xFFFFC180  }
0xe8: {  	[spmem:s2] =	stream.indirect.scatter.add.f32 [tilespmem:s23], [sflag:$0x3], $0x80, s0, s22, $0xb8;
	[tilespmem:$0x1E500] =	vst v63  }
0xe9: {  	_ =	swait.ge [sflag:s18], $0x3E80  }
0xea: {  	s1 =	smov.u32 s6;
	s31 =	sshra.s32 s5, $0x2;
	[sflag:s18] =	ssyncset.done $0x0  }
0xeb: {  	s0 =	sadd.s32 $0x80, s31;
	[sflag:s18] =	ssyncadd.s32 $0xFFFFC180  }
0xec: {  	[tilespmem:s23], [sflag:$0x2] =	stream.indirect.gather [hbm4b:s4+s22], $0x80, s0, s22, $0xb8;
	[tilespmem:$0x1E500] =	vst v63  }
0xed: {  	_ =	swait.ge [sflag:s24], $0x3E80  }
0xee: {  	[sflag:s24] =	ssyncset.done $0x0  }
0xef: {  	s6 =	sadd.s32 $0x1400, s31;
	[sflag:s24] =	ssyncadd.s32 $0xFFFFC180  }
0xf0: {  	[spmem:s2] =	stream.indirect.scatter.add.f32 [tilespmem:s17], [sflag:$0x3], $0x80, s6, s22, $0xb8;
	[tilespmem:$0x1E500] =	vst v63  }
0xf1: {  	_ =	swait.ge [sflag:s18], $0x3E80  }
0xf2: {  	[sflag:s18] =	ssyncset.done $0x0  }
0xf3: {  	s7 =	sadd.s32 $0x100, s31;
	[sflag:s18] =	ssyncadd.s32 $0xFFFFC180  }
0xf4: {  	[tilespmem:s17], [sflag:$0x1] =	stream.indirect.gather [hbm4b:s4+s22], $0x80, s7, s22, $0xb8;
	[tilespmem:$0x1E500] =	vst v63  }
0xf5: {  	_ =	swait.ge [sflag:s25], $0x3E80  }
0xf6: {  	[sflag:s25] =	ssyncset.done $0x0  }
0xf7: {  	s31 =	sadd.s32 $0x1480, s31;
	[sflag:s25] =	ssyncadd.s32 $0xFFFFC180  }
0xf8: {  	[spmem:s2] =	stream.indirect.scatter.add.f32 [tilespmem:s23], [sflag:$0x3], $0x80, s31, s22, $0xb8;
	[tilespmem:$0x1E500] =	vst v63  }
0xf9: {  	_ =	swait.ge [sflag:s18], $0x3E80  }
0xfa: {  	[sflag:s18] =	ssyncset.done $0x0  }
0xfb: {  	[sflag:s18] =	ssyncadd.s32 $0xFFFFC180  }
0xfc: {  	[tilespmem:s23], [sflag:$0x2] =	stream.indirect.gather [hbm4b:s4+s22], $0x80, s26, s22, $0xb8;
	[tilespmem:$0x1E500] =	vst v63  }
0xfd: {  	_ =	swait.ge [sflag:s24], $0x3E80  }
0xfe: {  	[sflag:s24] =	ssyncset.done $0x0  }
0xff: {  	[sflag:s24] =	ssyncadd.s32 $0xFFFFC180  }
0x100: {  	[spmem:s2] =	stream.indirect.scatter.add.f32 [tilespmem:s17], [sflag:$0x3], $0x80, s28, s22, $0xb8;
	[tilespmem:$0x1E500] =	vst v63  }
0x101: {  	_ =	swait.ge [sflag:s18], $0x3E80  }
0x102: {  	[sflag:s18] =	ssyncset.done $0x0  }
0x103: {  	[sflag:s18] =	ssyncadd.s32 $0xFFFFC180  }
0x104: {  	_ =	swait.ge [sflag:s25], $0x3E80  }
0x105: {  	[sflag:s25] =	ssyncset.done $0x0  }
0x106: {  	[sflag:s25] =	ssyncadd.s32 $0xFFFFC180  }
0x107: {  	[spmem:s2] =	stream.indirect.scatter.add.f32 [tilespmem:s23], [sflag:$0x3], $0x80, s29, s22, $0xb8;
	[tilespmem:$0x1E500] =	vst v63  }
0x108: {  	_ =	swait.ge [sflag:s18], $0x3E80  }
0x109: {  	[sflag:s18] =	ssyncset.done $0x0  }
0x10a: {  	[sflag:s18] =	ssyncadd.s32 $0xFFFFC180  }
0x10b: {  	[bflag:$0x0] =	sbarrier.arrive $0xFFFF  }
0x10c: {  	[tilespmem:s17], [sflag:$0x1] =	stream.indirect.gather [spmem:s2], $0x80, s16, s15, $0xb8;
	[tilespmem:$0x1E500] =	vst v63  }
0x10d: {  	_ =	swait.ge [sflag:s24], $0x4000  }
0x10e: {  	[sflag:s24] =	ssyncset.done $0x0  }
0x10f: {  	[sflag:s24] =	ssyncadd.s32 $0xFFFFC000  }
0x110: {  	[hbm4b:s9+s3] =	stream.linear.scatter [tilespmem:s17], [sflag:$0x3], $0x4000, $0x38;
	[tilespmem:$0x1E500] =	vst v63  }
0x111: {  	_ =	swait.ge [sflag:s18], $0x4000  }
0x112: {  	[sflag:s18] =	ssyncset.done $0x0  }
0x113: {  	[sflag:s18] =	ssyncadd.s32 $0xFFFFC000  }
0x114: {  	[tilespmem:s17], [sflag:$0x1] =	stream.indirect.gather [spmem:s2], $0x80, s19, s15, $0xb8;
	[tilespmem:$0x1E500] =	vst v63  }
0x115: {  	_ =	swait.ge [sflag:s24], $0x4000  }
0x116: {  	[sflag:s24] =	ssyncset.done $0x0  }
0x117: {  	[sflag:s24] =	ssyncadd.s32 $0xFFFFC000  }
0x118: {  	[hbm4b:s10+s3] =	stream.linear.scatter [tilespmem:s17], [sflag:$0x3], $0x4000, $0x38;
	[tilespmem:$0x1E500] =	vst v63  }
0x119: {  	_ =	swait.ge [sflag:s18], $0x4000  }
0x11a: {  	[sflag:s18] =	ssyncset.done $0x0  }
0x11b: {  	[sflag:s18] =	ssyncadd.s32 $0xFFFFC000  }
0x11c: {  	[tilespmem:s17], [sflag:$0x1] =	stream.indirect.gather [spmem:s2], $0x80, s20, s15, $0xb8;
	[tilespmem:$0x1E500] =	vst v63  }
0x11d: {  	_ =	swait.ge [sflag:s24], $0x4000  }
0x11e: {  	[sflag:s24] =	ssyncset.done $0x0  }
0x11f: {  	[sflag:s24] =	ssyncadd.s32 $0xFFFFC000  }
0x120: {  	[hbm4b:s11+s3] =	stream.linear.scatter [tilespmem:s17], [sflag:$0x3], $0x4000, $0x38;
	[tilespmem:$0x1E500] =	vst v63  }
0x121: {  	_ =	swait.ge [sflag:s18], $0x4000  }
0x122: {  	s1 =	simm.s32 @p0 $0xAC00;
	[sflag:s18] =	ssyncset.done $0x0  }
0x123: {  	s5 =	simm.s32 @p0 $0x2800;
	s0 =	simm.s32 @p0 $0x10;
	[sflag:s18] =	ssyncadd.s32 $0xFFFFC000  }
0x124: {  	[tilespmem:s5], [sflag:$0x1] =	stream.indirect.gather @p0 [spmem:s2], $0x80, s1, s0, $0xb8;
	[tilespmem:$0x1E500] =	vst v63  }
0x125: {  	s0 =	simm.s32 @p0 $0x1  }
0x126: {  	_ =	swait.ge @p0 [sflag:s0], $0x800  }
0x127: {  	[sflag:s0] =	ssyncset.done @p0 $0x0  }
0x128: {  	[sflag:s0] =	ssyncadd.s32 @p0 $0xFFFFF800;
	s0 =	simm.s32 @p0 $0x0  }
0x129: {  	[hbm4b:s12+s0] =	stream.linear.scatter @p0 [tilespmem:s5], [sflag:$0x3], $0x800, $0x38;
	[tilespmem:$0x1E500] =	vst v63  }
0x12a: {  	s0 =	simm.s32 @p0 $0x3  }
0x12b: {  	_ =	swait.ge @p0 [sflag:s0], $0x800  }
0x12c: {  	s1 =	simm.s32 @!p0 $0xA980;
	[sflag:s0] =	ssyncset.done @p0 $0x0  }
0x12d: {  	s5 =	simm.s32 @!p0 $0x2800;
	[sflag:s0] =	ssyncadd.s32 @p0 $0xFFFFF800;
	s0 =	simm.s32 @!p0 $0x80  }
0x12e: {  	[tilespmem:s5], [sflag:$0x1] =	stream.indirect.gather @!p0 [spmem:s2], $0x80, s1, s0, $0xb8;
	[tilespmem:$0x1E500] =	vst v63  }
0x12f: {  	s1 =	simm.s32 @!p0 $0x1  }
0x130: {  	_ =	swait.ge @!p0 [sflag:s1], $0x4000  }
0x131: {  	[sflag:s1] =	ssyncset.done @!p0 $0x0  }
0x132: {  	s6 =	simm.s32 @!p0 $0x0;
	s31 =	simm.s32 @!p0 $0x3;
	[sflag:s1] =	ssyncadd.s32 @!p0 $0xFFFFC000  }
0x133: {  	[hbm4b:s12+s6] =	stream.linear.scatter @!p0 [tilespmem:s5], [sflag:$0x3], $0x4000, $0x38;
	[tilespmem:$0x1E500] =	vst v63  }
0x134: {  	_ =	swait.ge @!p0 [sflag:s31], $0x4000  }
0x135: {  	[sflag:s31] =	ssyncset.done @!p0 $0x0  }
0x136: {  	s7 =	simm.s32 @!p0 $0xAA00;
	[sflag:s31] =	ssyncadd.s32 @!p0 $0xFFFFC000  }
0x137: {  	[tilespmem:s5], [sflag:$0x1] =	stream.indirect.gather @!p0 [spmem:s2], $0x80, s7, s0, $0xb8;
	[tilespmem:$0x1E500] =	vst v63  }
0x138: {  	s30 =	sadd.s32 $0x1, s30;
	_ =	swait.ge @!p0 [sflag:s1], $0x4000  }
0x139: {  	p1 =	sne.s32 s30, s14;
	[sflag:s1] =	ssyncset.done @!p0 $0x0  }
.Ltmp3:
0x13a: {  	[sflag:s1] =	ssyncadd.s32 @!p0 $0xFFFFC000;
	(pc) =	sbr.rel @p1 .LBB2_1-.Ltmp3, $4  }
0x13b: {  	[hbm4b:s13+s6] =	stream.linear.scatter @!p0 [tilespmem:s5], [sflag:$0x3], $0x4000, $0x38;
	[tilespmem:$0x1E500] =	vst v63  }
0x13c: {  	_ =	swait.ge @!p0 [sflag:s31], $0x4000  }
0x13d: {  	[sflag:s31] =	ssyncset.done @!p0 $0x0  }
0x13e: {  	[sflag:s31] =	ssyncadd.s32 @!p0 $0xFFFFC000  }
0x13f: {  	_ =	sfence.sel $0x180000  }
0x140: {  	[bflag:$0x0] =	sbarrier.arrive $0xFFFF  }
0x141: {  	_ =	strace $0x9000004A  }
0x142: {  	s0 =	stileid.u32;
	[bflag:$0x2] =	sbarrier.arrive $0xFFFF  }
0x143: {  	p0 =	sne.s32 s0, $0x0;
	s0 =	rddreg [dreg:$0x3]  }
0x144: {  	s0 =	sadd.s32 @!p0 $0x100000, s0  }
0x145: {  	[sflag:s0] =	ssyncadd.tile.s32 @!p0 $0x1;
	_ =	shalt  }
.Lfunc_end2:
_tile_overlayer_lowered:
.L_overlay_start_2:
0x146: {  	(tag) =	ssettag $0x2  }
0x147: {  	s0 =	rddreg [dreg:$0x0];
	s2 =	stileid.u32  }
0x148: {  	s1 =	rddreg [dreg:$0x1];
	p0 =	sne.s32 s2, $0x0  }
0x149: {  	s3 =	rddreg [dreg:$0x2];
	[bflag:$0x3] =	sbarrier.arrive $0xFFFF;
	s2 =	simm.s32 @!p0 $0x1C03  }
0x14a: {  	[timem:s3], [sflag:s2] =	dma.local @!p0 [hbm:s0], s1  }
0x14b: {  	s0 =	simm.s32 @!p0 $0x3  }
0x14c: {  	_ =	swait.ge @!p0 [sflag:s0], s1  }
0x14d: {  	s1 =	ssub.s32 @!p0 $0x0, s1;
	[sflag:s0] =	ssyncset.done @!p0 $0x0  }
0x14e: {  	[sflag:s0] =	ssyncadd.s32 @!p0 s1  }
0x14f: {  	[bflag:$0x3] =	sbarrier.arrive $0xFFFF  }
0x150: {  	_ =	shalt  }

</sc_bundles>
